<compile_context>
chip_gen: v7x
topology: tpu7x:2x2x1
jax: 0.10.2.dev20260603
libtpu: 0.0.44.dev20260713+nightly
codegen_flags: <defaults>
</compile_context>

<pallas_src>
import jax
import jax.numpy as jnp
from jax import lax
from jax.experimental import pallas as pl
from jax.experimental.pallas import tpu as pltpu
from jax.experimental.pallas import tpu_sc as plsc

N = 10000
E = 320000
F_IN = 128
HID = 128
CLS = 40
FH = F_IN // 2
CH = CLS // 2
CHP = 24

NC = 2
NS = 16
EPT = E // NS
B = 128
NB = -(-EPT // B)
EPTP = NB * B
PAD_DST = 10016
NP = 10240
RPT = NP // NS
ZCH = 128
CW = 8


def _sc_mesh():
    return plsc.VectorSubcoreMesh(
        core_axis_name="c", subcore_axis_name="s", num_cores=NC, num_subcores=NS
    )


def _sc_agg1_body(x2_hbm, edges_hbm, zrow_hbm, zcnt_hbm, ones_hbm,
                  agg_out, cnt_out,
                  src_v, dst_v, rows_v, ones_v, zrow_v, zcnt_v,
                  agg_sh, cnt_sh, gsem, ssem, osem):
    c = lax.axis_index("c")
    s = lax.axis_index("s")

    pltpu.sync_copy(zrow_hbm, zrow_v)
    pltpu.sync_copy(zcnt_hbm, zcnt_v)
    pltpu.sync_copy(ones_hbm, ones_v)
    pltpu.sync_copy(edges_hbm.at[0, s], src_v)
    pltpu.sync_copy(edges_hbm.at[1, s], dst_v)
    pad_fill = jnp.full((16,), PAD_DST, jnp.int32)
    for t in range((EPTP - EPT) // 16):
        dst_v[NB - 1, pl.ds(EPT - (NB - 1) * B + t * 16, 16)] = pad_fill

    for k in range(RPT // ZCH):
        base = s * RPT + k * ZCH
        pltpu.async_copy(zrow_v, agg_sh.at[pl.ds(base, ZCH)], gsem)
        pltpu.async_copy(zcnt_v, cnt_sh.at[pl.ds(base, ZCH)], ssem)
    for k in range(RPT // ZCH):
        base = s * RPT + k * ZCH
        pltpu.make_async_copy(zrow_v, agg_sh.at[pl.ds(base, ZCH)], gsem).wait()
        pltpu.make_async_copy(zcnt_v, cnt_sh.at[pl.ds(base, ZCH)], ssem).wait()
    plsc.subcore_barrier()

    for pr in range(2):
        pltpu.async_copy(x2_hbm.at[c].at[src_v.at[pr]], rows_v.at[pr], gsem)

    def body(i, carry):
        cur = lax.rem(i, 4)
        nxt = lax.rem(i + 2, 4)
        pltpu.make_async_copy(x2_hbm.at[c].at[src_v.at[i]], rows_v.at[cur], gsem).wait()

        @pl.when(i > 1)
        def _():
            pltpu.make_async_copy(rows_v.at[nxt], agg_sh.at[dst_v.at[i]],
                                  ssem).wait()

        @pl.when(i > 1)
        def _():
            pltpu.make_async_copy(ones_v, cnt_sh.at[dst_v.at[i]], osem).wait()

        @pl.when(i + 2 < NB)
        def _():
            pltpu.async_copy(x2_hbm.at[c].at[src_v.at[i + 2]], rows_v.at[nxt], gsem)

        pltpu.async_copy(rows_v.at[cur], agg_sh.at[dst_v.at[i]], ssem, add=True)
        pltpu.async_copy(ones_v, cnt_sh.at[dst_v.at[i]], osem, add=True)
        return carry

    lax.fori_loop(0, NB, body, 0)
    for tail in range(NB - 2, NB):
        pltpu.make_async_copy(rows_v.at[tail % 4], agg_sh.at[dst_v.at[tail]],
                              ssem).wait()
    for tail in range(NB - 2, NB):
        pltpu.make_async_copy(ones_v, cnt_sh.at[dst_v.at[tail]], osem).wait()
    plsc.subcore_barrier()

    ck = [pl.ds(s * RPT + k * ZCH, ZCH) for k in range(RPT // ZCH)]
    for k in range(4):
        pltpu.async_copy(agg_sh.at[ck[k]], rows_v.at[k], gsem)
    for k in range(4):
        pltpu.make_async_copy(agg_sh.at[ck[k]], rows_v.at[k], gsem).wait()
        pltpu.async_copy(rows_v.at[k], agg_out.at[c, ck[k]], ssem)
    pltpu.make_async_copy(rows_v.at[0], agg_out.at[c, ck[0]], ssem).wait()
    pltpu.async_copy(agg_sh.at[ck[4]], rows_v.at[0], gsem)
    pltpu.make_async_copy(agg_sh.at[ck[4]], rows_v.at[0], gsem).wait()
    pltpu.async_copy(rows_v.at[0], agg_out.at[c, ck[4]], ssem)
    for k in range(1, 5):
        pltpu.make_async_copy(rows_v.at[k % 4], agg_out.at[c, ck[k]], ssem).wait()

    @pl.when(c == 0)
    def _():
        for k in range(RPT // ZCH):
            base = s * RPT + k * ZCH
            pltpu.sync_copy(cnt_sh.at[pl.ds(base, ZCH)], zcnt_v)
            pltpu.sync_copy(zcnt_v, cnt_out.at[pl.ds(base, ZCH)])


def _sc_agg1(x2, e4, zrow, zcnt, ones):
    return pl.kernel(
        _sc_agg1_body,
        out_type=[
            jax.ShapeDtypeStruct((NC, NP, FH), jnp.float32),
            jax.ShapeDtypeStruct((NP, CW), jnp.float32),
        ],
        mesh=_sc_mesh(),
        compiler_params=pltpu.CompilerParams(use_tc_tiling_on_sc=False),
        scratch_types=[
            pltpu.VMEM((NB, B), jnp.int32),
            pltpu.VMEM((NB, B), jnp.int32),
            pltpu.VMEM((4, B, FH), jnp.float32),
            pltpu.VMEM((B, CW), jnp.float32),
            pltpu.VMEM((ZCH, FH), jnp.float32),
            pltpu.VMEM((ZCH, CW), jnp.float32),
            pltpu.VMEM_SHARED((NP, FH), jnp.float32),
            pltpu.VMEM_SHARED((NP, CW), jnp.float32),
            pltpu.SemaphoreType.DMA,
            pltpu.SemaphoreType.DMA,
            pltpu.SemaphoreType.DMA,
        ],
    )(x2, e4, zrow, zcnt, ones)


def _sc_agg2_body(p_hbm, edges_hbm, zrow_hbm,
                  agg_out,
                  src_v, dst_v, rows_v, zrow_v,
                  agg_sh, gsem, ssem):
    c = lax.axis_index("c")
    s = lax.axis_index("s")

    pltpu.sync_copy(zrow_hbm, zrow_v)
    pltpu.sync_copy(edges_hbm.at[0, s], src_v)
    pltpu.sync_copy(edges_hbm.at[1, s], dst_v)
    pad_fill = jnp.full((16,), PAD_DST, jnp.int32)
    for t in range((EPTP - EPT) // 16):
        dst_v[NB - 1, pl.ds(EPT - (NB - 1) * B + t * 16, 16)] = pad_fill

    for k in range(RPT // ZCH):
        base = s * RPT + k * ZCH
        pltpu.async_copy(zrow_v, agg_sh.at[pl.ds(base, ZCH)], gsem)
    for k in range(RPT // ZCH):
        base = s * RPT + k * ZCH
        pltpu.make_async_copy(zrow_v, agg_sh.at[pl.ds(base, ZCH)], gsem).wait()
    plsc.subcore_barrier()

    for pr in range(4):
        pltpu.async_copy(p_hbm.at[c].at[src_v.at[pr]], rows_v.at[pr], gsem)

    def body(i, carry):
        cur = lax.rem(i, 8)
        nxt = lax.rem(i + 4, 8)
        pltpu.make_async_copy(p_hbm.at[c].at[src_v.at[i]], rows_v.at[cur], gsem).wait()

        @pl.when(i > 3)
        def _():
            pltpu.make_async_copy(rows_v.at[nxt], agg_sh.at[dst_v.at[i]],
                                  ssem).wait()

        @pl.when(i + 4 < NB)
        def _():
            pltpu.async_copy(p_hbm.at[c].at[src_v.at[i + 4]], rows_v.at[nxt], gsem)

        pltpu.async_copy(rows_v.at[cur], agg_sh.at[dst_v.at[i]], ssem, add=True)
        return carry

    lax.fori_loop(0, NB, body, 0)
    for tail in range(NB - 4, NB):
        pltpu.make_async_copy(rows_v.at[tail % 8], agg_sh.at[dst_v.at[tail]],
                              ssem).wait()
    plsc.subcore_barrier()

    ck = [pl.ds(s * RPT + k * ZCH, ZCH) for k in range(RPT // ZCH)]
    for k in range(5):
        pltpu.async_copy(agg_sh.at[ck[k]], rows_v.at[k], gsem)
    for k in range(5):
        pltpu.make_async_copy(agg_sh.at[ck[k]], rows_v.at[k], gsem).wait()
        pltpu.async_copy(rows_v.at[k], agg_out.at[c, ck[k]], ssem)
    for k in range(5):
        pltpu.make_async_copy(rows_v.at[k], agg_out.at[c, ck[k]], ssem).wait()


def _sc_agg2(p2, e4, zrow):
    return pl.kernel(
        _sc_agg2_body,
        out_type=jax.ShapeDtypeStruct((NC, NP, CHP), jnp.float32),
        mesh=_sc_mesh(),
        compiler_params=pltpu.CompilerParams(use_tc_tiling_on_sc=False),
        scratch_types=[
            pltpu.VMEM((NB, B), jnp.int32),
            pltpu.VMEM((NB, B), jnp.int32),
            pltpu.VMEM((8, B, CHP), jnp.float32),
            pltpu.VMEM((ZCH, CHP), jnp.float32),
            pltpu.VMEM_SHARED((NP, CHP), jnp.float32),
            pltpu.SemaphoreType.DMA,
            pltpu.SemaphoreType.DMA,
        ],
    )(p2, e4, zrow)


RB = 1000


def _dot_t(a, w):
    return lax.dot_general(a, w, (((1,), (1,)), ((), ())),
                           preferred_element_type=jnp.float32)


def _tc_layer1_body(aL, aR, cn, x, w1, b1l, w2, b2l, p2_out, q_out):
    cnt = jnp.maximum(cn[...], 1.0)
    mean = jnp.concatenate([aL[0], aR[0]], axis=1) / cnt
    mx = jnp.concatenate([mean, x[...]], axis=1)
    h = jnp.maximum(_dot_t(mx, w1[...]) + b1l[...], 0.0)
    pq = _dot_t(h, w2[...])
    zpad = jnp.zeros((pq.shape[0], CHP - CH), jnp.float32)
    p2_out[0] = jnp.concatenate([pq[:, :CH], zpad], axis=1)
    p2_out[1] = jnp.concatenate([pq[:, CH:CLS], zpad], axis=1)
    q_out[...] = pq[:, CLS:] + b2l[...]


def _tc_layer1(agg_pp, cn, x, W1l, b1l, W1r, W2l, b2l, W2r):
    W1 = jnp.concatenate([W1l, W1r], axis=1)
    W2 = jnp.concatenate([W2l, W2r], axis=0)
    blk = lambda r, c: pl.BlockSpec((r, c), lambda i: (i, 0))
    full = lambda r, c: pl.BlockSpec((r, c), lambda i: (0, 0))
    return pl.pallas_call(
        _tc_layer1_body,
        grid=(N // RB,),
        in_specs=[
            pl.BlockSpec((1, RB, FH), lambda i: (0, i, 0)),
            pl.BlockSpec((1, RB, FH), lambda i: (1, i, 0)),
            blk(RB, 1), blk(RB, F_IN),
            full(HID, 2 * F_IN), full(1, HID),
            full(2 * CLS, HID), full(1, CLS),
        ],
        out_specs=[
            pl.BlockSpec((NC, RB, CHP), lambda i: (0, i, 0)),
            blk(RB, CLS),
        ],
        out_shape=[
            jax.ShapeDtypeStruct((NC, N, CHP), jnp.float32),
            jax.ShapeDtypeStruct((N, CLS), jnp.float32),
        ],
    )(agg_pp, agg_pp, cn, x, W1, b1l, W2, b2l)


def _tc_layer2_body(g0, g1, cn, q, out):
    agg = jnp.concatenate([g0[0, :, :CH], g1[0, :, :CH]], axis=1)
    cnt = jnp.maximum(cn[...], 1.0)
    z = agg / cnt + q[...]
    m = jnp.max(z, axis=1, keepdims=True)
    zs = z - m
    out[...] = zs - jnp.log(jnp.sum(jnp.exp(zs), axis=1, keepdims=True))


def _tc_layer2(agg2_pp, cn, q):
    blk = lambda r, c: pl.BlockSpec((r, c), lambda i: (i, 0))
    return pl.pallas_call(
        _tc_layer2_body,
        grid=(N // RB,),
        in_specs=[
            pl.BlockSpec((1, RB, CHP), lambda i: (0, i, 0)),
            pl.BlockSpec((1, RB, CHP), lambda i: (1, i, 0)),
            blk(RB, 1), blk(RB, CLS),
        ],
        out_specs=blk(RB, CLS),
        out_shape=jax.ShapeDtypeStruct((N, CLS), jnp.float32),
    )(agg2_pp, agg2_pp, cn, q)


def kernel(x, edge_index, W1l, b1l, W1r, W2l, b2l, W2r):
    e4 = jnp.pad(edge_index.reshape(2, NS, EPT),
                 ((0, 0), (0, 0), (0, EPTP - EPT))).reshape(2, NS, NB, B)
    x2 = jnp.stack([x[:, :FH], x[:, FH:]])

    zrow = jnp.zeros((ZCH, FH), jnp.float32)
    zcnt = jnp.zeros((ZCH, CW), jnp.float32)
    zrow2 = jnp.zeros((ZCH, CHP), jnp.float32)
    ones = jnp.ones((B, CW), jnp.float32)

    agg_pp, cnt_pp = _sc_agg1(x2, e4, zrow, zcnt, ones)
    cn = cnt_pp[:N, :1]
    p2, q = _tc_layer1(agg_pp, cn, x,
                       W1l, b1l.reshape(1, HID), W1r,
                       W2l, b2l.reshape(1, CLS), W2r)

    agg2_pp = _sc_agg2(p2, e4, zrow2)
    return _tc_layer2(agg2_pp, cn, q)

# --- scband reference (transcript-rebuilt; emitter-appended) ---
"""Pipeline reference for scband-graph-sage-12232066859619 (READ-ONLY COPY).

The authoritative reference and input builder live on the scoring server;
editing this copy changes nothing except your own understanding.
"""

import jax, jax.numpy as jnp
import numpy as np

N = 10000
E = 320000
F_IN = 128
HID = 128
CLS = 40

def _glorot_uniform(key, shape):
    fan_in = shape[1]
    s = 1.0 / np.sqrt(fan_in)
    return jax.random.uniform(key, shape, minval=-s, maxval=s, dtype=jnp.float32)

def setup_inputs(seed: int = 0) -> dict:
    key = jax.random.key(seed)
    ks = jax.random.split(key, 9)
    x = jax.random.normal(ks[0], (N, F_IN), dtype=jnp.float32)
    edge_index = jax.random.randint(ks[1], (2, E), 0, N, dtype=jnp.int32)
    W1l = _glorot_uniform(ks[2], (HID, F_IN))
    b1l = jnp.zeros((HID,), dtype=jnp.float32)
    W1r = _glorot_uniform(ks[3], (HID, F_IN))
    W2l = _glorot_uniform(ks[4], (CLS, HID))
    b2l = jnp.zeros((CLS,), dtype=jnp.float32)
    W2r = _glorot_uniform(ks[5], (CLS, HID))
    return {"x": x, "edge_index": edge_index, "W1l": W1l, "b1l": b1l, "W1r": W1r, "W2l": W2l, "b2l": b2l, "W2r": W2r}

def _sage_conv(x, edge_index, Wl, bl, Wr):
    # PyG SAGEConv (mean aggregation): out = lin_l(mean_{j in N(i)} x_j) + lin_r(x_i)
    src = edge_index[0]
    dst = edge_index[1]
    msgs = jnp.take(x, src, axis=0)                      # gather source node feats
    agg = jax.ops.segment_sum(msgs, dst, num_segments=N)  # scatter-add to dst
    cnt = jax.ops.segment_sum(jnp.ones((msgs.shape[0],), dtype=x.dtype), dst, num_segments=N)
    mean = agg / jnp.clip(cnt, 1.0)[:, None]
    return mean @ Wl.T + bl + x @ Wr.T

def reference(x, edge_index, W1l, b1l, W1r, W2l, b2l, W2r):
    h = _sage_conv(x, edge_index, W1l, b1l, W1r)
    h = jax.nn.relu(h)
    # dropout is identity in eval mode
    h = _sage_conv(h, edge_index, W2l, b2l, W2r)
    return jax.nn.log_softmax(h, axis=1)

if __name__ == "__main__":
    import jax
    _d = setup_inputs()
    print(jax.jit(kernel)(*tuple(_d.values())))

</pallas_src>

<mosaic_0001>
#map = affine_map<(d0, d1) -> (0, 0, 0)>
#map1 = affine_map<(d0, d1) -> (0, 0, 0, 0)>
#map2 = affine_map<(d0, d1) -> (0, 0)>
module attributes {stable_mosaic.version = 14 : i64} {
  func.func @_sc_agg1_body(%arg0: i32, %arg1: i32, %arg2: memref<2x10000x64xf32, #tpu.memory_space<hbm>>, %arg3: memref<2x16x157x128xi32, #tpu.memory_space<hbm>>, %arg4: memref<128x64xf32, #tpu.memory_space<hbm>>, %arg5: memref<128x8xf32, #tpu.memory_space<hbm>>, %arg6: memref<128x8xf32, #tpu.memory_space<hbm>>, %arg7: memref<2x10240x64xf32, #tpu.memory_space<hbm>>, %arg8: memref<10240x8xf32, #tpu.memory_space<hbm>>, %arg9: memref<157x128xi32, #tpu.memory_space<vmem>>, %arg10: memref<157x128xi32, #tpu.memory_space<vmem>>, %arg11: memref<4x128x64xf32, #tpu.memory_space<vmem>>, %arg12: memref<128x8xf32, #tpu.memory_space<vmem>>, %arg13: memref<128x64xf32, #tpu.memory_space<vmem>>, %arg14: memref<128x8xf32, #tpu.memory_space<vmem>>, %arg15: memref<10240x64xf32, #tpu.memory_space<vmem_shared>>, %arg16: memref<10240x8xf32, #tpu.memory_space<vmem_shared>>, %arg17: memref<!tpu.dma_semaphore, #tpu.memory_space<semaphore_mem>>, %arg18: memref<!tpu.dma_semaphore, #tpu.memory_space<semaphore_mem>>, %arg19: memref<!tpu.dma_semaphore, #tpu.memory_space<semaphore_mem>>) attributes {dimension_semantics = [#tpu.dimension_semantics<core_parallel>, #tpu.dimension_semantics<subcore_parallel>], iteration_bounds = array<i64: 2, 16>, scalar_prefetch = 0 : i64, scratch_operands = 11 : i64, tpu.core_type = #tpu.core_type<sc_vector_subcore>, window_params = [{transform_indices = #map}, {transform_indices = #map1}, {transform_indices = #map2}, {transform_indices = #map2}, {transform_indices = #map2}, {transform_indices = #map}, {transform_indices = #map2}]} {
    "tpu.region"() ({
      %run_scoped3A_531 = tpu.sem_alloc : memref<!tpu.dma_semaphore, #tpu.memory_space<semaphore_mem>>
      tpu.enqueue_dma source(%arg4 : memref<128x64xf32, #tpu.memory_space<hbm>>) target(%arg13 : memref<128x64xf32, #tpu.memory_space<vmem>>) target_semaphore(%run_scoped3A_531 : memref<!tpu.dma_semaphore, #tpu.memory_space<semaphore_mem>>)
      tpu.wait_dma2 semaphore(%run_scoped3A_531 : memref<!tpu.dma_semaphore, #tpu.memory_space<semaphore_mem>>) src(%arg4 : memref<128x64xf32, #tpu.memory_space<hbm>>) dst(%arg13 : memref<128x64xf32, #tpu.memory_space<vmem>>)
      tpu.yield
    }) : () -> ()
    "tpu.region"() ({
      %run_scoped3A_531 = tpu.sem_alloc : memref<!tpu.dma_semaphore, #tpu.memory_space<semaphore_mem>>
      tpu.enqueue_dma source(%arg5 : memref<128x8xf32, #tpu.memory_space<hbm>>) target(%arg14 : memref<128x8xf32, #tpu.memory_space<vmem>>) target_semaphore(%run_scoped3A_531 : memref<!tpu.dma_semaphore, #tpu.memory_space<semaphore_mem>>)
      tpu.wait_dma2 semaphore(%run_scoped3A_531 : memref<!tpu.dma_semaphore, #tpu.memory_space<semaphore_mem>>) src(%arg5 : memref<128x8xf32, #tpu.memory_space<hbm>>) dst(%arg14 : memref<128x8xf32, #tpu.memory_space<vmem>>)
      tpu.yield
    }) : () -> ()
    "tpu.region"() ({
      %run_scoped3A_531 = tpu.sem_alloc : memref<!tpu.dma_semaphore, #tpu.memory_space<semaphore_mem>>
      tpu.enqueue_dma source(%arg6 : memref<128x8xf32, #tpu.memory_space<hbm>>) target(%arg12 : memref<128x8xf32, #tpu.memory_space<vmem>>) target_semaphore(%run_scoped3A_531 : memref<!tpu.dma_semaphore, #tpu.memory_space<semaphore_mem>>)
      tpu.wait_dma2 semaphore(%run_scoped3A_531 : memref<!tpu.dma_semaphore, #tpu.memory_space<semaphore_mem>>) src(%arg6 : memref<128x8xf32, #tpu.memory_space<hbm>>) dst(%arg12 : memref<128x8xf32, #tpu.memory_space<vmem>>)
      tpu.yield
    }) : () -> ()
    %run_scoped3A = arith.constant 0 : i32
    "tpu.region"() ({
      %run_scoped3A_531 = tpu.sem_alloc : memref<!tpu.dma_semaphore, #tpu.memory_space<semaphore_mem>>
      %dma_start3A_532 = arith.constant 0 : i32
      %dma_start3A_533 = arith.constant 0 : i32
      %dma_start3A_534 = tpu.memref_slice %arg3[%run_scoped3A, %arg1, %dma_start3A_532, %dma_start3A_533] : memref<2x16x157x128xi32, #tpu.memory_space<hbm>> -> memref<1x1x157x128xi32, #tpu.memory_space<hbm>>
      %dma_start3A_535 = tpu.memref_squeeze %dma_start3A_534 : memref<1x1x157x128xi32, #tpu.memory_space<hbm>> -> memref<157x128xi32, #tpu.memory_space<hbm>>
      %dma_start3A_536 = arith.constant 0 : i32
      %dma_start3A_537 = arith.constant 0 : i32
      %dma_start3A_538 = tpu.memref_slice %arg3[%run_scoped3A, %arg1, %dma_start3A_536, %dma_start3A_537] : memref<2x16x157x128xi32, #tpu.memory_space<hbm>> -> memref<1x1x157x128xi32, #tpu.memory_space<hbm>>
      %dma_start3A_539 = tpu.memref_squeeze %dma_start3A_538 : memref<1x1x157x128xi32, #tpu.memory_space<hbm>> -> memref<157x128xi32, #tpu.memory_space<hbm>>
      tpu.enqueue_dma source(%dma_start3A_539 : memref<157x128xi32, #tpu.memory_space<hbm>>) target(%arg9 : memref<157x128xi32, #tpu.memory_space<vmem>>) target_semaphore(%run_scoped3A_531 : memref<!tpu.dma_semaphore, #tpu.memory_space<semaphore_mem>>)
      %dma_wait3A_540 = arith.constant 0 : i32
      %dma_wait3A_541 = arith.constant 0 : i32
      %dma_wait3A_542 = tpu.memref_slice %arg3[%run_scoped3A, %arg1, %dma_wait3A_540, %dma_wait3A_541] : memref<2x16x157x128xi32, #tpu.memory_space<hbm>> -> memref<1x1x157x128xi32, #tpu.memory_space<hbm>>
      %dma_wait3A_543 = tpu.memref_squeeze %dma_wait3A_542 : memref<1x1x157x128xi32, #tpu.memory_space<hbm>> -> memref<157x128xi32, #tpu.memory_space<hbm>>
      %dma_wait3A_544 = arith.constant 0 : i32
      %dma_wait3A_545 = arith.constant 0 : i32
      %dma_wait3A_546 = tpu.memref_slice %arg3[%run_scoped3A, %arg1, %dma_wait3A_544, %dma_wait3A_545] : memref<2x16x157x128xi32, #tpu.memory_space<hbm>> -> memref<1x1x157x128xi32, #tpu.memory_space<hbm>>
      %dma_wait3A_547 = tpu.memref_squeeze %dma_wait3A_546 : memref<1x1x157x128xi32, #tpu.memory_space<hbm>> -> memref<157x128xi32, #tpu.memory_space<hbm>>
      tpu.wait_dma2 semaphore(%run_scoped3A_531 : memref<!tpu.dma_semaphore, #tpu.memory_space<semaphore_mem>>) src(%dma_wait3A_547 : memref<157x128xi32, #tpu.memory_space<hbm>>) dst(%arg9 : memref<157x128xi32, #tpu.memory_space<vmem>>)
      tpu.yield
    }) : () -> ()
    %run_scoped3A_0 = arith.constant 1 : i32
    "tpu.region"() ({
      %run_scoped3A_531 = tpu.sem_alloc : memref<!tpu.dma_semaphore, #tpu.memory_space<semaphore_mem>>
      %dma_start3A_532 = arith.constant 0 : i32
      %dma_start3A_533 = arith.constant 0 : i32
      %dma_start3A_534 = tpu.memref_slice %arg3[%run_scoped3A_0, %arg1, %dma_start3A_532, %dma_start3A_533] : memref<2x16x157x128xi32, #tpu.memory_space<hbm>> -> memref<1x1x157x128xi32, #tpu.memory_space<hbm>>
      %dma_start3A_535 = tpu.memref_squeeze %dma_start3A_534 : memref<1x1x157x128xi32, #tpu.memory_space<hbm>> -> memref<157x128xi32, #tpu.memory_space<hbm>>
      %dma_start3A_536 = arith.constant 0 : i32
      %dma_start3A_537 = arith.constant 0 : i32
      %dma_start3A_538 = tpu.memref_slice %arg3[%run_scoped3A_0, %arg1, %dma_start3A_536, %dma_start3A_537] : memref<2x16x157x128xi32, #tpu.memory_space<hbm>> -> memref<1x1x157x128xi32, #tpu.memory_space<hbm>>
      %dma_start3A_539 = tpu.memref_squeeze %dma_start3A_538 : memref<1x1x157x128xi32, #tpu.memory_space<hbm>> -> memref<157x128xi32, #tpu.memory_space<hbm>>
      tpu.enqueue_dma source(%dma_start3A_539 : memref<157x128xi32, #tpu.memory_space<hbm>>) target(%arg10 : memref<157x128xi32, #tpu.memory_space<vmem>>) target_semaphore(%run_scoped3A_531 : memref<!tpu.dma_semaphore, #tpu.memory_space<semaphore_mem>>)
      %dma_wait3A_540 = arith.constant 0 : i32
      %dma_wait3A_541 = arith.constant 0 : i32
      %dma_wait3A_542 = tpu.memref_slice %arg3[%run_scoped3A_0, %arg1, %dma_wait3A_540, %dma_wait3A_541] : memref<2x16x157x128xi32, #tpu.memory_space<hbm>> -> memref<1x1x157x128xi32, #tpu.memory_space<hbm>>
      %dma_wait3A_543 = tpu.memref_squeeze %dma_wait3A_542 : memref<1x1x157x128xi32, #tpu.memory_space<hbm>> -> memref<157x128xi32, #tpu.memory_space<hbm>>
      %dma_wait3A_544 = arith.constant 0 : i32
      %dma_wait3A_545 = arith.constant 0 : i32
      %dma_wait3A_546 = tpu.memref_slice %arg3[%run_scoped3A_0, %arg1, %dma_wait3A_544, %dma_wait3A_545] : memref<2x16x157x128xi32, #tpu.memory_space<hbm>> -> memref<1x1x157x128xi32, #tpu.memory_space<hbm>>
      %dma_wait3A_547 = tpu.memref_squeeze %dma_wait3A_546 : memref<1x1x157x128xi32, #tpu.memory_space<hbm>> -> memref<157x128xi32, #tpu.memory_space<hbm>>
      tpu.wait_dma2 semaphore(%run_scoped3A_531 : memref<!tpu.dma_semaphore, #tpu.memory_space<semaphore_mem>>) src(%dma_wait3A_547 : memref<157x128xi32, #tpu.memory_space<hbm>>) dst(%arg10 : memref<157x128xi32, #tpu.memory_space<vmem>>)
      tpu.yield
    }) : () -> ()
    %broadcast_in_dim3A = arith.constant 10016 : i32
    %broadcast_in_dim3A_1 = vector.broadcast %broadcast_in_dim3A : i32 to vector<16xi32>
    %swap3A = arith.constant 156 : i32
    %swap3A_2 = arith.index_cast %swap3A : i32 to index
    %swap3A_3 = arith.constant 32 : index
    %swap3A_4 = tpu.vector_load %arg10[%swap3A_2, %swap3A_3] {strides = array<i32>} : memref<157x128xi32, #tpu.memory_space<vmem>>, vector<1x16xi32>,
    %swap3A_5 = vector.shape_cast %swap3A_4 : vector<1x16xi32> to vector<16xi32>
    %swap3A_6 = vector.shape_cast %broadcast_in_dim3A_1 : vector<16xi32> to vector<1x16xi32>
    tpu.vector_store %arg10[%swap3A_2, %swap3A_3], %swap3A_6 {strides = array<i32>} : memref<157x128xi32, #tpu.memory_space<vmem>>, vector<1x16xi32>,
    %swap3A_7 = arith.constant 156 : i32
    %swap3A_8 = arith.index_cast %swap3A_7 : i32 to index
    %swap3A_9 = arith.constant 48 : index
    %swap3A_10 = tpu.vector_load %arg10[%swap3A_8, %swap3A_9] {strides = array<i32>} : memref<157x128xi32, #tpu.memory_space<vmem>>, vector<1x16xi32>,
    %swap3A_11 = vector.shape_cast %swap3A_10 : vector<1x16xi32> to vector<16xi32>
    %swap3A_12 = vector.shape_cast %broadcast_in_dim3A_1 : vector<16xi32> to vector<1x16xi32>
    tpu.vector_store %arg10[%swap3A_8, %swap3A_9], %swap3A_12 {strides = array<i32>} : memref<157x128xi32, #tpu.memory_space<vmem>>, vector<1x16xi32>,
    %swap3A_13 = arith.constant 156 : i32
    %swap3A_14 = arith.index_cast %swap3A_13 : i32 to index
    %swap3A_15 = arith.constant 64 : index
    %swap3A_16 = tpu.vector_load %arg10[%swap3A_14, %swap3A_15] {strides = array<i32>} : memref<157x128xi32, #tpu.memory_space<vmem>>, vector<1x16xi32>,
    %swap3A_17 = vector.shape_cast %swap3A_16 : vector<1x16xi32> to vector<16xi32>
    %swap3A_18 = vector.shape_cast %broadcast_in_dim3A_1 : vector<16xi32> to vector<1x16xi32>
    tpu.vector_store %arg10[%swap3A_14, %swap3A_15], %swap3A_18 {strides = array<i32>} : memref<157x128xi32, #tpu.memory_space<vmem>>, vector<1x16xi32>,
    %swap3A_19 = arith.constant 156 : i32
    %swap3A_20 = arith.index_cast %swap3A_19 : i32 to index
    %swap3A_21 = arith.constant 80 : index
    %swap3A_22 = tpu.vector_load %arg10[%swap3A_20, %swap3A_21] {strides = array<i32>} : memref<157x128xi32, #tpu.memory_space<vmem>>, vector<1x16xi32>,
    %swap3A_23 = vector.shape_cast %swap3A_22 : vector<1x16xi32> to vector<16xi32>
    %swap3A_24 = vector.shape_cast %broadcast_in_dim3A_1 : vector<16xi32> to vector<1x16xi32>
    tpu.vector_store %arg10[%swap3A_20, %swap3A_21], %swap3A_24 {strides = array<i32>} : memref<157x128xi32, #tpu.memory_space<vmem>>, vector<1x16xi32>,
    %swap3A_25 = arith.constant 156 : i32
    %swap3A_26 = arith.index_cast %swap3A_25 : i32 to index
    %swap3A_27 = arith.constant 96 : index
    %swap3A_28 = tpu.vector_load %arg10[%swap3A_26, %swap3A_27] {strides = array<i32>} : memref<157x128xi32, #tpu.memory_space<vmem>>, vector<1x16xi32>,
    %swap3A_29 = vector.shape_cast %swap3A_28 : vector<1x16xi32> to vector<16xi32>
    %swap3A_30 = vector.shape_cast %broadcast_in_dim3A_1 : vector<16xi32> to vector<1x16xi32>
    tpu.vector_store %arg10[%swap3A_26, %swap3A_27], %swap3A_30 {strides = array<i32>} : memref<157x128xi32, #tpu.memory_space<vmem>>, vector<1x16xi32>,
    %swap3A_31 = arith.constant 156 : i32
    %swap3A_32 = arith.index_cast %swap3A_31 : i32 to index
    %swap3A_33 = arith.constant 112 : index
    %swap3A_34 = tpu.vector_load %arg10[%swap3A_32, %swap3A_33] {strides = array<i32>} : memref<157x128xi32, #tpu.memory_space<vmem>>, vector<1x16xi32>,
    %swap3A_35 = vector.shape_cast %swap3A_34 : vector<1x16xi32> to vector<16xi32>
    %swap3A_36 = vector.shape_cast %broadcast_in_dim3A_1 : vector<16xi32> to vector<1x16xi32>
    tpu.vector_store %arg10[%swap3A_32, %swap3A_33], %swap3A_36 {strides = array<i32>} : memref<157x128xi32, #tpu.memory_space<vmem>>, vector<1x16xi32>,
    %mul3A = arith.constant 640 : i32
    %mul3A_37 = arith.muli %arg1, %mul3A : i32
    %add3A = arith.constant 0 : i32
    %add3A_38 = arith.addi %mul3A_37, %add3A : i32
    %dma_start3A = arith.constant 0 : i32
    %dma_start3A_39 = tpu.memref_slice %arg15[%add3A_38, %dma_start3A] : memref<10240x64xf32, #tpu.memory_space<vmem_shared>> -> memref<128x64xf32, #tpu.memory_space<vmem_shared>>
    %dma_start3A_40 = arith.constant 0 : i32
    %dma_start3A_41 = tpu.memref_slice %arg15[%add3A_38, %dma_start3A_40] : memref<10240x64xf32, #tpu.memory_space<vmem_shared>> -> memref<128x64xf32, #tpu.memory_space<vmem_shared>>
    tpu.enqueue_dma source(%arg13 : memref<128x64xf32, #tpu.memory_space<vmem>>) target(%dma_start3A_41 : memref<128x64xf32, #tpu.memory_space<vmem_shared>>) target_semaphore(%arg17 : memref<!tpu.dma_semaphore, #tpu.memory_space<semaphore_mem>>)
    %dma_start3A_42 = arith.constant 0 : i32
    %dma_start3A_43 = tpu.memref_slice %arg16[%add3A_38, %dma_start3A_42] : memref<10240x8xf32, #tpu.memory_space<vmem_shared>> -> memref<128x8xf32, #tpu.memory_space<vmem_shared>>
    %dma_start3A_44 = arith.constant 0 : i32
    %dma_start3A_45 = tpu.memref_slice %arg16[%add3A_38, %dma_start3A_44] : memref<10240x8xf32, #tpu.memory_space<vmem_shared>> -> memref<128x8xf32, #tpu.memory_space<vmem_shared>>
    tpu.enqueue_dma source(%arg14 : memref<128x8xf32, #tpu.memory_space<vmem>>) target(%dma_start3A_45 : memref<128x8xf32, #tpu.memory_space<vmem_shared>>) target_semaphore(%arg18 : memref<!tpu.dma_semaphore, #tpu.memory_space<semaphore_mem>>)
    %mul3A_46 = arith.constant 640 : i32
    %mul3A_47 = arith.muli %arg1, %mul3A_46 : i32
    %add3A_48 = arith.constant 128 : i32
    %add3A_49 = arith.addi %mul3A_47, %add3A_48 : i32
    %dma_start3A_50 = arith.constant 0 : i32
    %dma_start3A_51 = tpu.memref_slice %arg15[%add3A_49, %dma_start3A_50] : memref<10240x64xf32, #tpu.memory_space<vmem_shared>> -> memref<128x64xf32, #tpu.memory_space<vmem_shared>>
    %dma_start3A_52 = arith.constant 0 : i32
    %dma_start3A_53 = tpu.memref_slice %arg15[%add3A_49, %dma_start3A_52] : memref<10240x64xf32, #tpu.memory_space<vmem_shared>> -> memref<128x64xf32, #tpu.memory_space<vmem_shared>>
    tpu.enqueue_dma source(%arg13 : memref<128x64xf32, #tpu.memory_space<vmem>>) target(%dma_start3A_53 : memref<128x64xf32, #tpu.memory_space<vmem_shared>>) target_semaphore(%arg17 : memref<!tpu.dma_semaphore, #tpu.memory_space<semaphore_mem>>)
    %dma_start3A_54 = arith.constant 0 : i32
    %dma_start3A_55 = tpu.memref_slice %arg16[%add3A_49, %dma_start3A_54] : memref<10240x8xf32, #tpu.memory_space<vmem_shared>> -> memref<128x8xf32, #tpu.memory_space<vmem_shared>>
    %dma_start3A_56 = arith.constant 0 : i32
    %dma_start3A_57 = tpu.memref_slice %arg16[%add3A_49, %dma_start3A_56] : memref<10240x8xf32, #tpu.memory_space<vmem_shared>> -> memref<128x8xf32, #tpu.memory_space<vmem_shared>>
    tpu.enqueue_dma source(%arg14 : memref<128x8xf32, #tpu.memory_space<vmem>>) target(%dma_start3A_57 : memref<128x8xf32, #tpu.memory_space<vmem_shared>>) target_semaphore(%arg18 : memref<!tpu.dma_semaphore, #tpu.memory_space<semaphore_mem>>)
    %mul3A_58 = arith.constant 640 : i32
    %mul3A_59 = arith.muli %arg1, %mul3A_58 : i32
    %add3A_60 = arith.constant 256 : i32
    %add3A_61 = arith.addi %mul3A_59, %add3A_60 : i32
    %dma_start3A_62 = arith.constant 0 : i32
    %dma_start3A_63 = tpu.memref_slice %arg15[%add3A_61, %dma_start3A_62] : memref<10240x64xf32, #tpu.memory_space<vmem_shared>> -> memref<128x64xf32, #tpu.memory_space<vmem_shared>>
    %dma_start3A_64 = arith.constant 0 : i32
    %dma_start3A_65 = tpu.memref_slice %arg15[%add3A_61, %dma_start3A_64] : memref<10240x64xf32, #tpu.memory_space<vmem_shared>> -> memref<128x64xf32, #tpu.memory_space<vmem_shared>>
    tpu.enqueue_dma source(%arg13 : memref<128x64xf32, #tpu.memory_space<vmem>>) target(%dma_start3A_65 : memref<128x64xf32, #tpu.memory_space<vmem_shared>>) target_semaphore(%arg17 : memref<!tpu.dma_semaphore, #tpu.memory_space<semaphore_mem>>)
    %dma_start3A_66 = arith.constant 0 : i32
    %dma_start3A_67 = tpu.memref_slice %arg16[%add3A_61, %dma_start3A_66] : memref<10240x8xf32, #tpu.memory_space<vmem_shared>> -> memref<128x8xf32, #tpu.memory_space<vmem_shared>>
    %dma_start3A_68 = arith.constant 0 : i32
    %dma_start3A_69 = tpu.memref_slice %arg16[%add3A_61, %dma_start3A_68] : memref<10240x8xf32, #tpu.memory_space<vmem_shared>> -> memref<128x8xf32, #tpu.memory_space<vmem_shared>>
    tpu.enqueue_dma source(%arg14 : memref<128x8xf32, #tpu.memory_space<vmem>>) target(%dma_start3A_69 : memref<128x8xf32, #tpu.memory_space<vmem_shared>>) target_semaphore(%arg18 : memref<!tpu.dma_semaphore, #tpu.memory_space<semaphore_mem>>)
    %mul3A_70 = arith.constant 640 : i32
    %mul3A_71 = arith.muli %arg1, %mul3A_70 : i32
    %add3A_72 = arith.constant 384 : i32
    %add3A_73 = arith.addi %mul3A_71, %add3A_72 : i32
    %dma_start3A_74 = arith.constant 0 : i32
    %dma_start3A_75 = tpu.memref_slice %arg15[%add3A_73, %dma_start3A_74] : memref<10240x64xf32, #tpu.memory_space<vmem_shared>> -> memref<128x64xf32, #tpu.memory_space<vmem_shared>>
    %dma_start3A_76 = arith.constant 0 : i32
    %dma_start3A_77 = tpu.memref_slice %arg15[%add3A_73, %dma_start3A_76] : memref<10240x64xf32, #tpu.memory_space<vmem_shared>> -> memref<128x64xf32, #tpu.memory_space<vmem_shared>>
    tpu.enqueue_dma source(%arg13 : memref<128x64xf32, #tpu.memory_space<vmem>>) target(%dma_start3A_77 : memref<128x64xf32, #tpu.memory_space<vmem_shared>>) target_semaphore(%arg17 : memref<!tpu.dma_semaphore, #tpu.memory_space<semaphore_mem>>)
    %dma_start3A_78 = arith.constant 0 : i32
    %dma_start3A_79 = tpu.memref_slice %arg16[%add3A_73, %dma_start3A_78] : memref<10240x8xf32, #tpu.memory_space<vmem_shared>> -> memref<128x8xf32, #tpu.memory_space<vmem_shared>>
    %dma_start3A_80 = arith.constant 0 : i32
    %dma_start3A_81 = tpu.memref_slice %arg16[%add3A_73, %dma_start3A_80] : memref<10240x8xf32, #tpu.memory_space<vmem_shared>> -> memref<128x8xf32, #tpu.memory_space<vmem_shared>>
    tpu.enqueue_dma source(%arg14 : memref<128x8xf32, #tpu.memory_space<vmem>>) target(%dma_start3A_81 : memref<128x8xf32, #tpu.memory_space<vmem_shared>>) target_semaphore(%arg18 : memref<!tpu.dma_semaphore, #tpu.memory_space<semaphore_mem>>)
    %mul3A_82 = arith.constant 640 : i32
    %mul3A_83 = arith.muli %arg1, %mul3A_82 : i32
    %add3A_84 = arith.constant 512 : i32
    %add3A_85 = arith.addi %mul3A_83, %add3A_84 : i32
    %dma_start3A_86 = arith.constant 0 : i32
    %dma_start3A_87 = tpu.memref_slice %arg15[%add3A_85, %dma_start3A_86] : memref<10240x64xf32, #tpu.memory_space<vmem_shared>> -> memref<128x64xf32, #tpu.memory_space<vmem_shared>>
    %dma_start3A_88 = arith.constant 0 : i32
    %dma_start3A_89 = tpu.memref_slice %arg15[%add3A_85, %dma_start3A_88] : memref<10240x64xf32, #tpu.memory_space<vmem_shared>> -> memref<128x64xf32, #tpu.memory_space<vmem_shared>>
    tpu.enqueue_dma source(%arg13 : memref<128x64xf32, #tpu.memory_space<vmem>>) target(%dma_start3A_89 : memref<128x64xf32, #tpu.memory_space<vmem_shared>>) target_semaphore(%arg17 : memref<!tpu.dma_semaphore, #tpu.memory_space<semaphore_mem>>)
    %dma_start3A_90 = arith.constant 0 : i32
    %dma_start3A_91 = tpu.memref_slice %arg16[%add3A_85, %dma_start3A_90] : memref<10240x8xf32, #tpu.memory_space<vmem_shared>> -> memref<128x8xf32, #tpu.memory_space<vmem_shared>>
    %dma_start3A_92 = arith.constant 0 : i32
    %dma_start3A_93 = tpu.memref_slice %arg16[%add3A_85, %dma_start3A_92] : memref<10240x8xf32, #tpu.memory_space<vmem_shared>> -> memref<128x8xf32, #tpu.memory_space<vmem_shared>>
    tpu.enqueue_dma source(%arg14 : memref<128x8xf32, #tpu.memory_space<vmem>>) target(%dma_start3A_93 : memref<128x8xf32, #tpu.memory_space<vmem_shared>>) target_semaphore(%arg18 : memref<!tpu.dma_semaphore, #tpu.memory_space<semaphore_mem>>)
    %mul3A_94 = arith.constant 640 : i32
    %mul3A_95 = arith.muli %arg1, %mul3A_94 : i32
    %add3A_96 = arith.constant 0 : i32
    %add3A_97 = arith.addi %mul3A_95, %add3A_96 : i32
    %dma_wait3A = arith.constant 0 : i32
    %dma_wait3A_98 = tpu.memref_slice %arg15[%add3A_97, %dma_wait3A] : memref<10240x64xf32, #tpu.memory_space<vmem_shared>> -> memref<128x64xf32, #tpu.memory_space<vmem_shared>>
    %dma_wait3A_99 = arith.constant 0 : i32
    %dma_wait3A_100 = tpu.memref_slice %arg15[%add3A_97, %dma_wait3A_99] : memref<10240x64xf32, #tpu.memory_space<vmem_shared>> -> memref<128x64xf32, #tpu.memory_space<vmem_shared>>
    tpu.wait_dma2 semaphore(%arg17 : memref<!tpu.dma_semaphore, #tpu.memory_space<semaphore_mem>>) src(%arg13 : memref<128x64xf32, #tpu.memory_space<vmem>>) dst(%dma_wait3A_100 : memref<128x64xf32, #tpu.memory_space<vmem_shared>>)
    %dma_wait3A_101 = arith.constant 0 : i32
    %dma_wait3A_102 = tpu.memref_slice %arg16[%add3A_97, %dma_wait3A_101] : memref<10240x8xf32, #tpu.memory_space<vmem_shared>> -> memref<128x8xf32, #tpu.memory_space<vmem_shared>>
    %dma_wait3A_103 = arith.constant 0 : i32
    %dma_wait3A_104 = tpu.memref_slice %arg16[%add3A_97, %dma_wait3A_103] : memref<10240x8xf32, #tpu.memory_space<vmem_shared>> -> memref<128x8xf32, #tpu.memory_space<vmem_shared>>
    tpu.wait_dma2 semaphore(%arg18 : memref<!tpu.dma_semaphore, #tpu.memory_space<semaphore_mem>>) src(%arg14 : memref<128x8xf32, #tpu.memory_space<vmem>>) dst(%dma_wait3A_104 : memref<128x8xf32, #tpu.memory_space<vmem_shared>>)
    %mul3A_105 = arith.constant 640 : i32
    %mul3A_106 = arith.muli %arg1, %mul3A_105 : i32
    %add3A_107 = arith.constant 128 : i32
    %add3A_108 = arith.addi %mul3A_106, %add3A_107 : i32
    %dma_wait3A_109 = arith.constant 0 : i32
    %dma_wait3A_110 = tpu.memref_slice %arg15[%add3A_108, %dma_wait3A_109] : memref<10240x64xf32, #tpu.memory_space<vmem_shared>> -> memref<128x64xf32, #tpu.memory_space<vmem_shared>>
    %dma_wait3A_111 = arith.constant 0 : i32
    %dma_wait3A_112 = tpu.memref_slice %arg15[%add3A_108, %dma_wait3A_111] : memref<10240x64xf32, #tpu.memory_space<vmem_shared>> -> memref<128x64xf32, #tpu.memory_space<vmem_shared>>
    tpu.wait_dma2 semaphore(%arg17 : memref<!tpu.dma_semaphore, #tpu.memory_space<semaphore_mem>>) src(%arg13 : memref<128x64xf32, #tpu.memory_space<vmem>>) dst(%dma_wait3A_112 : memref<128x64xf32, #tpu.memory_space<vmem_shared>>)
    %dma_wait3A_113 = arith.constant 0 : i32
    %dma_wait3A_114 = tpu.memref_slice %arg16[%add3A_108, %dma_wait3A_113] : memref<10240x8xf32, #tpu.memory_space<vmem_shared>> -> memref<128x8xf32, #tpu.memory_space<vmem_shared>>
    %dma_wait3A_115 = arith.constant 0 : i32
    %dma_wait3A_116 = tpu.memref_slice %arg16[%add3A_108, %dma_wait3A_115] : memref<10240x8xf32, #tpu.memory_space<vmem_shared>> -> memref<128x8xf32, #tpu.memory_space<vmem_shared>>
    tpu.wait_dma2 semaphore(%arg18 : memref<!tpu.dma_semaphore, #tpu.memory_space<semaphore_mem>>) src(%arg14 : memref<128x8xf32, #tpu.memory_space<vmem>>) dst(%dma_wait3A_116 : memref<128x8xf32, #tpu.memory_space<vmem_shared>>)
    %mul3A_117 = arith.constant 640 : i32
    %mul3A_118 = arith.muli %arg1, %mul3A_117 : i32
    %add3A_119 = arith.constant 256 : i32
    %add3A_120 = arith.addi %mul3A_118, %add3A_119 : i32
    %dma_wait3A_121 = arith.constant 0 : i32
    %dma_wait3A_122 = tpu.memref_slice %arg15[%add3A_120, %dma_wait3A_121] : memref<10240x64xf32, #tpu.memory_space<vmem_shared>> -> memref<128x64xf32, #tpu.memory_space<vmem_shared>>
    %dma_wait3A_123 = arith.constant 0 : i32
    %dma_wait3A_124 = tpu.memref_slice %arg15[%add3A_120, %dma_wait3A_123] : memref<10240x64xf32, #tpu.memory_space<vmem_shared>> -> memref<128x64xf32, #tpu.memory_space<vmem_shared>>
    tpu.wait_dma2 semaphore(%arg17 : memref<!tpu.dma_semaphore, #tpu.memory_space<semaphore_mem>>) src(%arg13 : memref<128x64xf32, #tpu.memory_space<vmem>>) dst(%dma_wait3A_124 : memref<128x64xf32, #tpu.memory_space<vmem_shared>>)
    %dma_wait3A_125 = arith.constant 0 : i32
    %dma_wait3A_126 = tpu.memref_slice %arg16[%add3A_120, %dma_wait3A_125] : memref<10240x8xf32, #tpu.memory_space<vmem_shared>> -> memref<128x8xf32, #tpu.memory_space<vmem_shared>>
    %dma_wait3A_127 = arith.constant 0 : i32
    %dma_wait3A_128 = tpu.memref_slice %arg16[%add3A_120, %dma_wait3A_127] : memref<10240x8xf32, #tpu.memory_space<vmem_shared>> -> memref<128x8xf32, #tpu.memory_space<vmem_shared>>
    tpu.wait_dma2 semaphore(%arg18 : memref<!tpu.dma_semaphore, #tpu.memory_space<semaphore_mem>>) src(%arg14 : memref<128x8xf32, #tpu.memory_space<vmem>>) dst(%dma_wait3A_128 : memref<128x8xf32, #tpu.memory_space<vmem_shared>>)
    %mul3A_129 = arith.constant 640 : i32
    %mul3A_130 = arith.muli %arg1, %mul3A_129 : i32
    %add3A_131 = arith.constant 384 : i32
    %add3A_132 = arith.addi %mul3A_130, %add3A_131 : i32
    %dma_wait3A_133 = arith.constant 0 : i32
    %dma_wait3A_134 = tpu.memref_slice %arg15[%add3A_132, %dma_wait3A_133] : memref<10240x64xf32, #tpu.memory_space<vmem_shared>> -> memref<128x64xf32, #tpu.memory_space<vmem_shared>>
    %dma_wait3A_135 = arith.constant 0 : i32
    %dma_wait3A_136 = tpu.memref_slice %arg15[%add3A_132, %dma_wait3A_135] : memref<10240x64xf32, #tpu.memory_space<vmem_shared>> -> memref<128x64xf32, #tpu.memory_space<vmem_shared>>
    tpu.wait_dma2 semaphore(%arg17 : memref<!tpu.dma_semaphore, #tpu.memory_space<semaphore_mem>>) src(%arg13 : memref<128x64xf32, #tpu.memory_space<vmem>>) dst(%dma_wait3A_136 : memref<128x64xf32, #tpu.memory_space<vmem_shared>>)
    %dma_wait3A_137 = arith.constant 0 : i32
    %dma_wait3A_138 = tpu.memref_slice %arg16[%add3A_132, %dma_wait3A_137] : memref<10240x8xf32, #tpu.memory_space<vmem_shared>> -> memref<128x8xf32, #tpu.memory_space<vmem_shared>>
    %dma_wait3A_139 = arith.constant 0 : i32
    %dma_wait3A_140 = tpu.memref_slice %arg16[%add3A_132, %dma_wait3A_139] : memref<10240x8xf32, #tpu.memory_space<vmem_shared>> -> memref<128x8xf32, #tpu.memory_space<vmem_shared>>
    tpu.wait_dma2 semaphore(%arg18 : memref<!tpu.dma_semaphore, #tpu.memory_space<semaphore_mem>>) src(%arg14 : memref<128x8xf32, #tpu.memory_space<vmem>>) dst(%dma_wait3A_140 : memref<128x8xf32, #tpu.memory_space<vmem_shared>>)
    %mul3A_141 = arith.constant 640 : i32
    %mul3A_142 = arith.muli %arg1, %mul3A_141 : i32
    %add3A_143 = arith.constant 512 : i32
    %add3A_144 = arith.addi %mul3A_142, %add3A_143 : i32
    %dma_wait3A_145 = arith.constant 0 : i32
    %dma_wait3A_146 = tpu.memref_slice %arg15[%add3A_144, %dma_wait3A_145] : memref<10240x64xf32, #tpu.memory_space<vmem_shared>> -> memref<128x64xf32, #tpu.memory_space<vmem_shared>>
    %dma_wait3A_147 = arith.constant 0 : i32
    %dma_wait3A_148 = tpu.memref_slice %arg15[%add3A_144, %dma_wait3A_147] : memref<10240x64xf32, #tpu.memory_space<vmem_shared>> -> memref<128x64xf32, #tpu.memory_space<vmem_shared>>
    tpu.wait_dma2 semaphore(%arg17 : memref<!tpu.dma_semaphore, #tpu.memory_space<semaphore_mem>>) src(%arg13 : memref<128x64xf32, #tpu.memory_space<vmem>>) dst(%dma_wait3A_148 : memref<128x64xf32, #tpu.memory_space<vmem_shared>>)
    %dma_wait3A_149 = arith.constant 0 : i32
    %dma_wait3A_150 = tpu.memref_slice %arg16[%add3A_144, %dma_wait3A_149] : memref<10240x8xf32, #tpu.memory_space<vmem_shared>> -> memref<128x8xf32, #tpu.memory_space<vmem_shared>>
    %dma_wait3A_151 = arith.constant 0 : i32
    %dma_wait3A_152 = tpu.memref_slice %arg16[%add3A_144, %dma_wait3A_151] : memref<10240x8xf32, #tpu.memory_space<vmem_shared>> -> memref<128x8xf32, #tpu.memory_space<vmem_shared>>
    tpu.wait_dma2 semaphore(%arg18 : memref<!tpu.dma_semaphore, #tpu.memory_space<semaphore_mem>>) src(%arg14 : memref<128x8xf32, #tpu.memory_space<vmem>>) dst(%dma_wait3A_152 : memref<128x8xf32, #tpu.memory_space<vmem_shared>>)
    %barrier3A = arith.constant 0 : index
    tpu.barrier barrier_id(%barrier3A)
    %dma_start3A_153 = arith.constant 0 : i32
    %dma_start3A_154 = arith.constant 0 : i32
    %dma_start3A_155 = arith.constant 0 : i32
    %dma_start3A_156 = arith.constant 0 : i32
    %dma_start3A_157 = tpu.memref_slice %arg11[%dma_start3A_154, %dma_start3A_155, %dma_start3A_156] : memref<4x128x64xf32, #tpu.memory_space<vmem>> -> memref<1x128x64xf32, #tpu.memory_space<vmem>>
    %dma_start3A_158 = tpu.memref_squeeze %dma_start3A_157 : memref<1x128x64xf32, #tpu.memory_space<vmem>> -> memref<128x64xf32, #tpu.memory_space<vmem>>
    %dma_start3A_159 = arith.constant 0 : i32
    %dma_start3A_160 = tpu.memref_slice %arg9[%dma_start3A_153, %dma_start3A_159] : memref<157x128xi32, #tpu.memory_space<vmem>> -> memref<1x128xi32, #tpu.memory_space<vmem>>
    %dma_start3A_161 = tpu.memref_squeeze %dma_start3A_160 : memref<1x128xi32, #tpu.memory_space<vmem>> -> memref<128xi32, #tpu.memory_space<vmem>>
    %dma_start3A_162 = arith.constant 0 : i32
    %dma_start3A_163 = arith.constant 0 : i32
    %dma_start3A_164 = tpu.memref_slice %arg2[%arg0, %dma_start3A_162, %dma_start3A_163] : memref<2x10000x64xf32, #tpu.memory_space<hbm>> -> memref<1x10000x64xf32, #tpu.memory_space<hbm>>
    %dma_start3A_165 = tpu.memref_squeeze %dma_start3A_164 : memref<1x10000x64xf32, #tpu.memory_space<hbm>> -> memref<10000x64xf32, #tpu.memory_space<hbm>>
    %dma_start3A_166 = arith.constant 0 : i32
    %dma_start3A_167 = arith.constant 0 : i32
    %dma_start3A_168 = tpu.memref_slice %dma_start3A_165[%dma_start3A_166, %dma_start3A_167] : memref<10000x64xf32, #tpu.memory_space<hbm>> -> memref<10000x64xf32, #tpu.memory_space<hbm>>
    tpu.enqueue_indirect_dma source(%dma_start3A_168 : memref<10000x64xf32, #tpu.memory_space<hbm>>) target(%dma_start3A_158 : memref<128x64xf32, #tpu.memory_space<vmem>>) offsets(%dma_start3A_161 : memref<128xi32, #tpu.memory_space<vmem>>) semaphore(%arg17 : memref<!tpu.dma_semaphore, #tpu.memory_space<semaphore_mem>>)
    %dma_start3A_169 = arith.constant 1 : i32
    %dma_start3A_170 = arith.constant 1 : i32
    %dma_start3A_171 = arith.constant 0 : i32
    %dma_start3A_172 = arith.constant 0 : i32
    %dma_start3A_173 = tpu.memref_slice %arg11[%dma_start3A_170, %dma_start3A_171, %dma_start3A_172] : memref<4x128x64xf32, #tpu.memory_space<vmem>> -> memref<1x128x64xf32, #tpu.memory_space<vmem>>
    %dma_start3A_174 = tpu.memref_squeeze %dma_start3A_173 : memref<1x128x64xf32, #tpu.memory_space<vmem>> -> memref<128x64xf32, #tpu.memory_space<vmem>>
    %dma_start3A_175 = arith.constant 0 : i32
    %dma_start3A_176 = tpu.memref_slice %arg9[%dma_start3A_169, %dma_start3A_175] : memref<157x128xi32, #tpu.memory_space<vmem>> -> memref<1x128xi32, #tpu.memory_space<vmem>>
    %dma_start3A_177 = tpu.memref_squeeze %dma_start3A_176 : memref<1x128xi32, #tpu.memory_space<vmem>> -> memref<128xi32, #tpu.memory_space<vmem>>
    %dma_start3A_178 = arith.constant 0 : i32
    %dma_start3A_179 = arith.constant 0 : i32
    %dma_start3A_180 = tpu.memref_slice %arg2[%arg0, %dma_start3A_178, %dma_start3A_179] : memref<2x10000x64xf32, #tpu.memory_space<hbm>> -> memref<1x10000x64xf32, #tpu.memory_space<hbm>>
    %dma_start3A_181 = tpu.memref_squeeze %dma_start3A_180 : memref<1x10000x64xf32, #tpu.memory_space<hbm>> -> memref<10000x64xf32, #tpu.memory_space<hbm>>
    %dma_start3A_182 = arith.constant 0 : i32
    %dma_start3A_183 = arith.constant 0 : i32
    %dma_start3A_184 = tpu.memref_slice %dma_start3A_181[%dma_start3A_182, %dma_start3A_183] : memref<10000x64xf32, #tpu.memory_space<hbm>> -> memref<10000x64xf32, #tpu.memory_space<hbm>>
    tpu.enqueue_indirect_dma source(%dma_start3A_184 : memref<10000x64xf32, #tpu.memory_space<hbm>>) target(%dma_start3A_174 : memref<128x64xf32, #tpu.memory_space<vmem>>) offsets(%dma_start3A_177 : memref<128xi32, #tpu.memory_space<vmem>>) semaphore(%arg17 : memref<!tpu.dma_semaphore, #tpu.memory_space<semaphore_mem>>)
    %scan3A = arith.constant 0 : i32
    %scan3A_185 = arith.constant 0 : i32
    %scan3A_186 = arith.constant 157 : i32
    %scan3A_187 = arith.addi %scan3A_185, %scan3A_186 : i32
    %scan3A_188 = arith.constant 1 : i32
    scf.for %scan3A_531 = %scan3A_185 to %scan3A_187 step %scan3A_188  : i32 {
      %rem3A = arith.constant 4 : i32
      %rem3A_532 = arith.remsi %scan3A_531, %rem3A : i32
      %add3A_533 = arith.constant 2 : i32
      %add3A_534 = arith.addi %scan3A_531, %add3A_533 : i32
      %rem3A_535 = arith.constant 4 : i32
      %rem3A_536 = arith.remsi %add3A_534, %rem3A_535 : i32
      %dma_wait3A_537 = arith.constant 0 : i32
      %dma_wait3A_538 = arith.constant 0 : i32
      %dma_wait3A_539 = tpu.memref_slice %arg11[%rem3A_532, %dma_wait3A_537, %dma_wait3A_538] : memref<4x128x64xf32, #tpu.memory_space<vmem>> -> memref<1x128x64xf32, #tpu.memory_space<vmem>>
      %dma_wait3A_540 = tpu.memref_squeeze %dma_wait3A_539 : memref<1x128x64xf32, #tpu.memory_space<vmem>> -> memref<128x64xf32, #tpu.memory_space<vmem>>
      %dma_wait3A_541 = arith.constant 0 : i32
      %dma_wait3A_542 = tpu.memref_slice %arg9[%scan3A_531, %dma_wait3A_541] : memref<157x128xi32, #tpu.memory_space<vmem>> -> memref<1x128xi32, #tpu.memory_space<vmem>>
      %dma_wait3A_543 = tpu.memref_squeeze %dma_wait3A_542 : memref<1x128xi32, #tpu.memory_space<vmem>> -> memref<128xi32, #tpu.memory_space<vmem>>
      %dma_wait3A_544 = arith.constant 0 : i32
      %dma_wait3A_545 = arith.constant 0 : i32
      %dma_wait3A_546 = tpu.memref_slice %arg2[%arg0, %dma_wait3A_544, %dma_wait3A_545] : memref<2x10000x64xf32, #tpu.memory_space<hbm>> -> memref<1x10000x64xf32, #tpu.memory_space<hbm>>
      %dma_wait3A_547 = tpu.memref_squeeze %dma_wait3A_546 : memref<1x10000x64xf32, #tpu.memory_space<hbm>> -> memref<10000x64xf32, #tpu.memory_space<hbm>>
      %dma_wait3A_548 = arith.constant 0 : i32
      %dma_wait3A_549 = arith.constant 0 : i32
      %dma_wait3A_550 = tpu.memref_slice %dma_wait3A_547[%dma_wait3A_548, %dma_wait3A_549] : memref<10000x64xf32, #tpu.memory_space<hbm>> -> memref<10000x64xf32, #tpu.memory_space<hbm>>
      tpu.wait_indirect_dma semaphore(%arg17 : memref<!tpu.dma_semaphore, #tpu.memory_space<semaphore_mem>>) src(%dma_wait3A_550 : memref<10000x64xf32, #tpu.memory_space<hbm>>) dst(%dma_wait3A_540 : memref<128x64xf32, #tpu.memory_space<vmem>>)
      %gt3A = arith.constant 1 : i32
      %gt3A_551 = arith.cmpi sgt, %scan3A_531, %gt3A : i32
      %convert_element_type3A_552 = arith.extui %gt3A_551 : i1 to i32
      %cond3A_553 = arith.constant 0 : i32
      %cond3A_554 = arith.cmpi ne, %convert_element_type3A_552, %cond3A_553 : i32
      scf.if %cond3A_554 {
        %dma_wait3A_582 = arith.constant 0 : i32
        %dma_wait3A_583 = arith.constant 0 : i32
        %dma_wait3A_584 = tpu.memref_slice %arg11[%rem3A_536, %dma_wait3A_582, %dma_wait3A_583] : memref<4x128x64xf32, #tpu.memory_space<vmem>> -> memref<1x128x64xf32, #tpu.memory_space<vmem>>
        %dma_wait3A_585 = tpu.memref_squeeze %dma_wait3A_584 : memref<1x128x64xf32, #tpu.memory_space<vmem>> -> memref<128x64xf32, #tpu.memory_space<vmem>>
        %dma_wait3A_586 = arith.constant 0 : i32
        %dma_wait3A_587 = tpu.memref_slice %arg10[%scan3A_531, %dma_wait3A_586] : memref<157x128xi32, #tpu.memory_space<vmem>> -> memref<1x128xi32, #tpu.memory_space<vmem>>
        %dma_wait3A_588 = tpu.memref_squeeze %dma_wait3A_587 : memref<1x128xi32, #tpu.memory_space<vmem>> -> memref<128xi32, #tpu.memory_space<vmem>>
        %dma_wait3A_589 = arith.constant 0 : i32
        %dma_wait3A_590 = arith.constant 0 : i32
        %dma_wait3A_591 = tpu.memref_slice %arg15[%dma_wait3A_589, %dma_wait3A_590] : memref<10240x64xf32, #tpu.memory_space<vmem_shared>> -> memref<10240x64xf32, #tpu.memory_space<vmem_shared>>
        tpu.wait_indirect_dma semaphore(%arg18 : memref<!tpu.dma_semaphore, #tpu.memory_space<semaphore_mem>>) src(%dma_wait3A_585 : memref<128x64xf32, #tpu.memory_space<vmem>>) dst(%dma_wait3A_591 : memref<10240x64xf32, #tpu.memory_space<vmem_shared>>)
      } else {
      }
      %gt3A_555 = arith.constant 1 : i32
      %gt3A_556 = arith.cmpi sgt, %scan3A_531, %gt3A_555 : i32
      %convert_element_type3A_557 = arith.extui %gt3A_556 : i1 to i32
      %cond3A_558 = arith.constant 0 : i32
      %cond3A_559 = arith.cmpi ne, %convert_element_type3A_557, %cond3A_558 : i32
      scf.if %cond3A_559 {
        %dma_wait3A_582 = arith.constant 0 : i32
        %dma_wait3A_583 = tpu.memref_slice %arg10[%scan3A_531, %dma_wait3A_582] : memref<157x128xi32, #tpu.memory_space<vmem>> -> memref<1x128xi32, #tpu.memory_space<vmem>>
        %dma_wait3A_584 = tpu.memref_squeeze %dma_wait3A_583 : memref<1x128xi32, #tpu.memory_space<vmem>> -> memref<128xi32, #tpu.memory_space<vmem>>
        %dma_wait3A_585 = arith.constant 0 : i32
        %dma_wait3A_586 = arith.constant 0 : i32
        %dma_wait3A_587 = tpu.memref_slice %arg16[%dma_wait3A_585, %dma_wait3A_586] : memref<10240x8xf32, #tpu.memory_space<vmem_shared>> -> memref<10240x8xf32, #tpu.memory_space<vmem_shared>>
        tpu.wait_indirect_dma semaphore(%arg19 : memref<!tpu.dma_semaphore, #tpu.memory_space<semaphore_mem>>) src(%arg12 : memref<128x8xf32, #tpu.memory_space<vmem>>) dst(%dma_wait3A_587 : memref<10240x8xf32, #tpu.memory_space<vmem_shared>>)
      } else {
      }
      %add3A_560 = arith.constant 2 : i32
      %add3A_561 = arith.addi %scan3A_531, %add3A_560 : i32
      %lt3A = arith.constant 157 : i32
      %lt3A_562 = arith.cmpi slt, %add3A_561, %lt3A : i32
      %convert_element_type3A_563 = arith.extui %lt3A_562 : i1 to i32
      %cond3A_564 = arith.constant 0 : i32
      %cond3A_565 = arith.cmpi ne, %convert_element_type3A_563, %cond3A_564 : i32
      scf.if %cond3A_565 {
        %add3A_582 = arith.constant 2 : i32
        %add3A_583 = arith.addi %scan3A_531, %add3A_582 : i32
        %dma_start3A_584 = arith.constant 0 : i32
        %dma_start3A_585 = arith.constant 0 : i32
        %dma_start3A_586 = tpu.memref_slice %arg11[%rem3A_536, %dma_start3A_584, %dma_start3A_585] : memref<4x128x64xf32, #tpu.memory_space<vmem>> -> memref<1x128x64xf32, #tpu.memory_space<vmem>>
        %dma_start3A_587 = tpu.memref_squeeze %dma_start3A_586 : memref<1x128x64xf32, #tpu.memory_space<vmem>> -> memref<128x64xf32, #tpu.memory_space<vmem>>
        %dma_start3A_588 = arith.constant 0 : i32
        %dma_start3A_589 = tpu.memref_slice %arg9[%add3A_583, %dma_start3A_588] : memref<157x128xi32, #tpu.memory_space<vmem>> -> memref<1x128xi32, #tpu.memory_space<vmem>>
        %dma_start3A_590 = tpu.memref_squeeze %dma_start3A_589 : memref<1x128xi32, #tpu.memory_space<vmem>> -> memref<128xi32, #tpu.memory_space<vmem>>
        %dma_start3A_591 = arith.constant 0 : i32
        %dma_start3A_592 = arith.constant 0 : i32
        %dma_start3A_593 = tpu.memref_slice %arg2[%arg0, %dma_start3A_591, %dma_start3A_592] : memref<2x10000x64xf32, #tpu.memory_space<hbm>> -> memref<1x10000x64xf32, #tpu.memory_space<hbm>>
        %dma_start3A_594 = tpu.memref_squeeze %dma_start3A_593 : memref<1x10000x64xf32, #tpu.memory_space<hbm>> -> memref<10000x64xf32, #tpu.memory_space<hbm>>
        %dma_start3A_595 = arith.constant 0 : i32
        %dma_start3A_596 = arith.constant 0 : i32
        %dma_start3A_597 = tpu.memref_slice %dma_start3A_594[%dma_start3A_595, %dma_start3A_596] : memref<10000x64xf32, #tpu.memory_space<hbm>> -> memref<10000x64xf32, #tpu.memory_space<hbm>>
        tpu.enqueue_indirect_dma source(%dma_start3A_597 : memref<10000x64xf32, #tpu.memory_space<hbm>>) target(%dma_start3A_587 : memref<128x64xf32, #tpu.memory_space<vmem>>) offsets(%dma_start3A_590 : memref<128xi32, #tpu.memory_space<vmem>>) semaphore(%arg17 : memref<!tpu.dma_semaphore, #tpu.memory_space<semaphore_mem>>)
      } else {
      }
      %dma_start3A_566 = arith.constant 0 : i32
      %dma_start3A_567 = arith.constant 0 : i32
      %dma_start3A_568 = tpu.memref_slice %arg11[%rem3A_532, %dma_start3A_566, %dma_start3A_567] : memref<4x128x64xf32, #tpu.memory_space<vmem>> -> memref<1x128x64xf32, #tpu.memory_space<vmem>>
      %dma_start3A_569 = tpu.memref_squeeze %dma_start3A_568 : memref<1x128x64xf32, #tpu.memory_space<vmem>> -> memref<128x64xf32, #tpu.memory_space<vmem>>
      %dma_start3A_570 = arith.constant 0 : i32
      %dma_start3A_571 = tpu.memref_slice %arg10[%scan3A_531, %dma_start3A_570] : memref<157x128xi32, #tpu.memory_space<vmem>> -> memref<1x128xi32, #tpu.memory_space<vmem>>
      %dma_start3A_572 = tpu.memref_squeeze %dma_start3A_571 : memref<1x128xi32, #tpu.memory_space<vmem>> -> memref<128xi32, #tpu.memory_space<vmem>>
      %dma_start3A_573 = arith.constant 0 : i32
      %dma_start3A_574 = arith.constant 0 : i32
      %dma_start3A_575 = tpu.memref_slice %arg15[%dma_start3A_573, %dma_start3A_574] : memref<10240x64xf32, #tpu.memory_space<vmem_shared>> -> memref<10240x64xf32, #tpu.memory_space<vmem_shared>>
      tpu.enqueue_indirect_dma source(%dma_start3A_569 : memref<128x64xf32, #tpu.memory_space<vmem>>) target(%dma_start3A_575 : memref<10240x64xf32, #tpu.memory_space<vmem_shared>>) offsets(%dma_start3A_572 : memref<128xi32, #tpu.memory_space<vmem>>) semaphore(%arg18 : memref<!tpu.dma_semaphore, #tpu.memory_space<semaphore_mem>>) {add = true}
      %dma_start3A_576 = arith.constant 0 : i32
      %dma_start3A_577 = tpu.memref_slice %arg10[%scan3A_531, %dma_start3A_576] : memref<157x128xi32, #tpu.memory_space<vmem>> -> memref<1x128xi32, #tpu.memory_space<vmem>>
      %dma_start3A_578 = tpu.memref_squeeze %dma_start3A_577 : memref<1x128xi32, #tpu.memory_space<vmem>> -> memref<128xi32, #tpu.memory_space<vmem>>
      %dma_start3A_579 = arith.constant 0 : i32
      %dma_start3A_580 = arith.constant 0 : i32
      %dma_start3A_581 = tpu.memref_slice %arg16[%dma_start3A_579, %dma_start3A_580] : memref<10240x8xf32, #tpu.memory_space<vmem_shared>> -> memref<10240x8xf32, #tpu.memory_space<vmem_shared>>
      tpu.enqueue_indirect_dma source(%arg12 : memref<128x8xf32, #tpu.memory_space<vmem>>) target(%dma_start3A_581 : memref<10240x8xf32, #tpu.memory_space<vmem_shared>>) offsets(%dma_start3A_578 : memref<128xi32, #tpu.memory_space<vmem>>) semaphore(%arg19 : memref<!tpu.dma_semaphore, #tpu.memory_space<semaphore_mem>>) {add = true}
    }
    %scan3A_189 = arith.constant 157 : i32
    %dma_wait3A_190 = arith.constant 3 : i32
    %dma_wait3A_191 = arith.constant 155 : i32
    %dma_wait3A_192 = arith.constant 0 : i32
    %dma_wait3A_193 = arith.constant 0 : i32
    %dma_wait3A_194 = tpu.memref_slice %arg11[%dma_wait3A_190, %dma_wait3A_192, %dma_wait3A_193] : memref<4x128x64xf32, #tpu.memory_space<vmem>> -> memref<1x128x64xf32, #tpu.memory_space<vmem>>
    %dma_wait3A_195 = tpu.memref_squeeze %dma_wait3A_194 : memref<1x128x64xf32, #tpu.memory_space<vmem>> -> memref<128x64xf32, #tpu.memory_space<vmem>>
    %dma_wait3A_196 = arith.constant 0 : i32
    %dma_wait3A_197 = tpu.memref_slice %arg10[%dma_wait3A_191, %dma_wait3A_196] : memref<157x128xi32, #tpu.memory_space<vmem>> -> memref<1x128xi32, #tpu.memory_space<vmem>>
    %dma_wait3A_198 = tpu.memref_squeeze %dma_wait3A_197 : memref<1x128xi32, #tpu.memory_space<vmem>> -> memref<128xi32, #tpu.memory_space<vmem>>
    %dma_wait3A_199 = arith.constant 0 : i32
    %dma_wait3A_200 = arith.constant 0 : i32
    %dma_wait3A_201 = tpu.memref_slice %arg15[%dma_wait3A_199, %dma_wait3A_200] : memref<10240x64xf32, #tpu.memory_space<vmem_shared>> -> memref<10240x64xf32, #tpu.memory_space<vmem_shared>>
    tpu.wait_indirect_dma semaphore(%arg18 : memref<!tpu.dma_semaphore, #tpu.memory_space<semaphore_mem>>) src(%dma_wait3A_195 : memref<128x64xf32, #tpu.memory_space<vmem>>) dst(%dma_wait3A_201 : memref<10240x64xf32, #tpu.memory_space<vmem_shared>>)
    %dma_wait3A_202 = arith.constant 0 : i32
    %dma_wait3A_203 = arith.constant 156 : i32
    %dma_wait3A_204 = arith.constant 0 : i32
    %dma_wait3A_205 = arith.constant 0 : i32
    %dma_wait3A_206 = tpu.memref_slice %arg11[%dma_wait3A_202, %dma_wait3A_204, %dma_wait3A_205] : memref<4x128x64xf32, #tpu.memory_space<vmem>> -> memref<1x128x64xf32, #tpu.memory_space<vmem>>
    %dma_wait3A_207 = tpu.memref_squeeze %dma_wait3A_206 : memref<1x128x64xf32, #tpu.memory_space<vmem>> -> memref<128x64xf32, #tpu.memory_space<vmem>>
    %dma_wait3A_208 = arith.constant 0 : i32
    %dma_wait3A_209 = tpu.memref_slice %arg10[%dma_wait3A_203, %dma_wait3A_208] : memref<157x128xi32, #tpu.memory_space<vmem>> -> memref<1x128xi32, #tpu.memory_space<vmem>>
    %dma_wait3A_210 = tpu.memref_squeeze %dma_wait3A_209 : memref<1x128xi32, #tpu.memory_space<vmem>> -> memref<128xi32, #tpu.memory_space<vmem>>
    %dma_wait3A_211 = arith.constant 0 : i32
    %dma_wait3A_212 = arith.constant 0 : i32
    %dma_wait3A_213 = tpu.memref_slice %arg15[%dma_wait3A_211, %dma_wait3A_212] : memref<10240x64xf32, #tpu.memory_space<vmem_shared>> -> memref<10240x64xf32, #tpu.memory_space<vmem_shared>>
    tpu.wait_indirect_dma semaphore(%arg18 : memref<!tpu.dma_semaphore, #tpu.memory_space<semaphore_mem>>) src(%dma_wait3A_207 : memref<128x64xf32, #tpu.memory_space<vmem>>) dst(%dma_wait3A_213 : memref<10240x64xf32, #tpu.memory_space<vmem_shared>>)
    %dma_wait3A_214 = arith.constant 155 : i32
    %dma_wait3A_215 = arith.constant 0 : i32
    %dma_wait3A_216 = tpu.memref_slice %arg10[%dma_wait3A_214, %dma_wait3A_215] : memref<157x128xi32, #tpu.memory_space<vmem>> -> memref<1x128xi32, #tpu.memory_space<vmem>>
    %dma_wait3A_217 = tpu.memref_squeeze %dma_wait3A_216 : memref<1x128xi32, #tpu.memory_space<vmem>> -> memref<128xi32, #tpu.memory_space<vmem>>
    %dma_wait3A_218 = arith.constant 0 : i32
    %dma_wait3A_219 = arith.constant 0 : i32
    %dma_wait3A_220 = tpu.memref_slice %arg16[%dma_wait3A_218, %dma_wait3A_219] : memref<10240x8xf32, #tpu.memory_space<vmem_shared>> -> memref<10240x8xf32, #tpu.memory_space<vmem_shared>>
    tpu.wait_indirect_dma semaphore(%arg19 : memref<!tpu.dma_semaphore, #tpu.memory_space<semaphore_mem>>) src(%arg12 : memref<128x8xf32, #tpu.memory_space<vmem>>) dst(%dma_wait3A_220 : memref<10240x8xf32, #tpu.memory_space<vmem_shared>>)
    %dma_wait3A_221 = arith.constant 156 : i32
    %dma_wait3A_222 = arith.constant 0 : i32
    %dma_wait3A_223 = tpu.memref_slice %arg10[%dma_wait3A_221, %dma_wait3A_222] : memref<157x128xi32, #tpu.memory_space<vmem>> -> memref<1x128xi32, #tpu.memory_space<vmem>>
    %dma_wait3A_224 = tpu.memref_squeeze %dma_wait3A_223 : memref<1x128xi32, #tpu.memory_space<vmem>> -> memref<128xi32, #tpu.memory_space<vmem>>
    %dma_wait3A_225 = arith.constant 0 : i32
    %dma_wait3A_226 = arith.constant 0 : i32
    %dma_wait3A_227 = tpu.memref_slice %arg16[%dma_wait3A_225, %dma_wait3A_226] : memref<10240x8xf32, #tpu.memory_space<vmem_shared>> -> memref<10240x8xf32, #tpu.memory_space<vmem_shared>>
    tpu.wait_indirect_dma semaphore(%arg19 : memref<!tpu.dma_semaphore, #tpu.memory_space<semaphore_mem>>) src(%arg12 : memref<128x8xf32, #tpu.memory_space<vmem>>) dst(%dma_wait3A_227 : memref<10240x8xf32, #tpu.memory_space<vmem_shared>>)
    %barrier3A_228 = arith.constant 0 : index
    tpu.barrier barrier_id(%barrier3A_228)
    %mul3A_229 = arith.constant 640 : i32
    %mul3A_230 = arith.muli %arg1, %mul3A_229 : i32
    %add3A_231 = arith.constant 0 : i32
    %add3A_232 = arith.addi %mul3A_230, %add3A_231 : i32
    %mul3A_233 = arith.constant 640 : i32
    %mul3A_234 = arith.muli %arg1, %mul3A_233 : i32
    %add3A_235 = arith.constant 128 : i32
    %add3A_236 = arith.addi %mul3A_234, %add3A_235 : i32
    %mul3A_237 = arith.constant 640 : i32
    %mul3A_238 = arith.muli %arg1, %mul3A_237 : i32
    %add3A_239 = arith.constant 256 : i32
    %add3A_240 = arith.addi %mul3A_238, %add3A_239 : i32
    %mul3A_241 = arith.constant 640 : i32
    %mul3A_242 = arith.muli %arg1, %mul3A_241 : i32
    %add3A_243 = arith.constant 384 : i32
    %add3A_244 = arith.addi %mul3A_242, %add3A_243 : i32
    %mul3A_245 = arith.constant 640 : i32
    %mul3A_246 = arith.muli %arg1, %mul3A_245 : i32
    %add3A_247 = arith.constant 512 : i32
    %add3A_248 = arith.addi %mul3A_246, %add3A_247 : i32
    %dma_start3A_249 = arith.constant 0 : i32
    %dma_start3A_250 = arith.constant 0 : i32
    %dma_start3A_251 = arith.constant 0 : i32
    %dma_start3A_252 = tpu.memref_slice %arg11[%dma_start3A_249, %dma_start3A_250, %dma_start3A_251] : memref<4x128x64xf32, #tpu.memory_space<vmem>> -> memref<1x128x64xf32, #tpu.memory_space<vmem>>
    %dma_start3A_253 = tpu.memref_squeeze %dma_start3A_252 : memref<1x128x64xf32, #tpu.memory_space<vmem>> -> memref<128x64xf32, #tpu.memory_space<vmem>>
    %dma_start3A_254 = arith.constant 0 : i32
    %dma_start3A_255 = tpu.memref_slice %arg15[%add3A_232, %dma_start3A_254] : memref<10240x64xf32, #tpu.memory_space<vmem_shared>> -> memref<128x64xf32, #tpu.memory_space<vmem_shared>>
    %dma_start3A_256 = arith.constant 0 : i32
    %dma_start3A_257 = arith.constant 0 : i32
    %dma_start3A_258 = tpu.memref_slice %arg11[%dma_start3A_249, %dma_start3A_256, %dma_start3A_257] : memref<4x128x64xf32, #tpu.memory_space<vmem>> -> memref<1x128x64xf32, #tpu.memory_space<vmem>>
    %dma_start3A_259 = tpu.memref_squeeze %dma_start3A_258 : memref<1x128x64xf32, #tpu.memory_space<vmem>> -> memref<128x64xf32, #tpu.memory_space<vmem>>
    %dma_start3A_260 = arith.constant 0 : i32
    %dma_start3A_261 = tpu.memref_slice %arg15[%add3A_232, %dma_start3A_260] : memref<10240x64xf32, #tpu.memory_space<vmem_shared>> -> memref<128x64xf32, #tpu.memory_space<vmem_shared>>
    tpu.enqueue_dma source(%dma_start3A_261 : memref<128x64xf32, #tpu.memory_space<vmem_shared>>) target(%dma_start3A_259 : memref<128x64xf32, #tpu.memory_space<vmem>>) target_semaphore(%arg17 : memref<!tpu.dma_semaphore, #tpu.memory_space<semaphore_mem>>)
    %dma_start3A_262 = arith.constant 1 : i32
    %dma_start3A_263 = arith.constant 0 : i32
    %dma_start3A_264 = arith.constant 0 : i32
    %dma_start3A_265 = tpu.memref_slice %arg11[%dma_start3A_262, %dma_start3A_263, %dma_start3A_264] : memref<4x128x64xf32, #tpu.memory_space<vmem>> -> memref<1x128x64xf32, #tpu.memory_space<vmem>>
    %dma_start3A_266 = tpu.memref_squeeze %dma_start3A_265 : memref<1x128x64xf32, #tpu.memory_space<vmem>> -> memref<128x64xf32, #tpu.memory_space<vmem>>
    %dma_start3A_267 = arith.constant 0 : i32
    %dma_start3A_268 = tpu.memref_slice %arg15[%add3A_236, %dma_start3A_267] : memref<10240x64xf32, #tpu.memory_space<vmem_shared>> -> memref<128x64xf32, #tpu.memory_space<vmem_shared>>
    %dma_start3A_269 = arith.constant 0 : i32
    %dma_start3A_270 = arith.constant 0 : i32
    %dma_start3A_271 = tpu.memref_slice %arg11[%dma_start3A_262, %dma_start3A_269, %dma_start3A_270] : memref<4x128x64xf32, #tpu.memory_space<vmem>> -> memref<1x128x64xf32, #tpu.memory_space<vmem>>
    %dma_start3A_272 = tpu.memref_squeeze %dma_start3A_271 : memref<1x128x64xf32, #tpu.memory_space<vmem>> -> memref<128x64xf32, #tpu.memory_space<vmem>>
    %dma_start3A_273 = arith.constant 0 : i32
    %dma_start3A_274 = tpu.memref_slice %arg15[%add3A_236, %dma_start3A_273] : memref<10240x64xf32, #tpu.memory_space<vmem_shared>> -> memref<128x64xf32, #tpu.memory_space<vmem_shared>>
    tpu.enqueue_dma source(%dma_start3A_274 : memref<128x64xf32, #tpu.memory_space<vmem_shared>>) target(%dma_start3A_272 : memref<128x64xf32, #tpu.memory_space<vmem>>) target_semaphore(%arg17 : memref<!tpu.dma_semaphore, #tpu.memory_space<semaphore_mem>>)
    %dma_start3A_275 = arith.constant 2 : i32
    %dma_start3A_276 = arith.constant 0 : i32
    %dma_start3A_277 = arith.constant 0 : i32
    %dma_start3A_278 = tpu.memref_slice %arg11[%dma_start3A_275, %dma_start3A_276, %dma_start3A_277] : memref<4x128x64xf32, #tpu.memory_space<vmem>> -> memref<1x128x64xf32, #tpu.memory_space<vmem>>
    %dma_start3A_279 = tpu.memref_squeeze %dma_start3A_278 : memref<1x128x64xf32, #tpu.memory_space<vmem>> -> memref<128x64xf32, #tpu.memory_space<vmem>>
    %dma_start3A_280 = arith.constant 0 : i32
    %dma_start3A_281 = tpu.memref_slice %arg15[%add3A_240, %dma_start3A_280] : memref<10240x64xf32, #tpu.memory_space<vmem_shared>> -> memref<128x64xf32, #tpu.memory_space<vmem_shared>>
    %dma_start3A_282 = arith.constant 0 : i32
    %dma_start3A_283 = arith.constant 0 : i32
    %dma_start3A_284 = tpu.memref_slice %arg11[%dma_start3A_275, %dma_start3A_282, %dma_start3A_283] : memref<4x128x64xf32, #tpu.memory_space<vmem>> -> memref<1x128x64xf32, #tpu.memory_space<vmem>>
    %dma_start3A_285 = tpu.memref_squeeze %dma_start3A_284 : memref<1x128x64xf32, #tpu.memory_space<vmem>> -> memref<128x64xf32, #tpu.memory_space<vmem>>
    %dma_start3A_286 = arith.constant 0 : i32
    %dma_start3A_287 = tpu.memref_slice %arg15[%add3A_240, %dma_start3A_286] : memref<10240x64xf32, #tpu.memory_space<vmem_shared>> -> memref<128x64xf32, #tpu.memory_space<vmem_shared>>
    tpu.enqueue_dma source(%dma_start3A_287 : memref<128x64xf32, #tpu.memory_space<vmem_shared>>) target(%dma_start3A_285 : memref<128x64xf32, #tpu.memory_space<vmem>>) target_semaphore(%arg17 : memref<!tpu.dma_semaphore, #tpu.memory_space<semaphore_mem>>)
    %dma_start3A_288 = arith.constant 3 : i32
    %dma_start3A_289 = arith.constant 0 : i32
    %dma_start3A_290 = arith.constant 0 : i32
    %dma_start3A_291 = tpu.memref_slice %arg11[%dma_start3A_288, %dma_start3A_289, %dma_start3A_290] : memref<4x128x64xf32, #tpu.memory_space<vmem>> -> memref<1x128x64xf32, #tpu.memory_space<vmem>>
    %dma_start3A_292 = tpu.memref_squeeze %dma_start3A_291 : memref<1x128x64xf32, #tpu.memory_space<vmem>> -> memref<128x64xf32, #tpu.memory_space<vmem>>
    %dma_start3A_293 = arith.constant 0 : i32
    %dma_start3A_294 = tpu.memref_slice %arg15[%add3A_244, %dma_start3A_293] : memref<10240x64xf32, #tpu.memory_space<vmem_shared>> -> memref<128x64xf32, #tpu.memory_space<vmem_shared>>
    %dma_start3A_295 = arith.constant 0 : i32
    %dma_start3A_296 = arith.constant 0 : i32
    %dma_start3A_297 = tpu.memref_slice %arg11[%dma_start3A_288, %dma_start3A_295, %dma_start3A_296] : memref<4x128x64xf32, #tpu.memory_space<vmem>> -> memref<1x128x64xf32, #tpu.memory_space<vmem>>
    %dma_start3A_298 = tpu.memref_squeeze %dma_start3A_297 : memref<1x128x64xf32, #tpu.memory_space<vmem>> -> memref<128x64xf32, #tpu.memory_space<vmem>>
    %dma_start3A_299 = arith.constant 0 : i32
    %dma_start3A_300 = tpu.memref_slice %arg15[%add3A_244, %dma_start3A_299] : memref<10240x64xf32, #tpu.memory_space<vmem_shared>> -> memref<128x64xf32, #tpu.memory_space<vmem_shared>>
    tpu.enqueue_dma source(%dma_start3A_300 : memref<128x64xf32, #tpu.memory_space<vmem_shared>>) target(%dma_start3A_298 : memref<128x64xf32, #tpu.memory_space<vmem>>) target_semaphore(%arg17 : memref<!tpu.dma_semaphore, #tpu.memory_space<semaphore_mem>>)
    %dma_wait3A_301 = arith.constant 0 : i32
    %dma_wait3A_302 = arith.constant 0 : i32
    %dma_wait3A_303 = arith.constant 0 : i32
    %dma_wait3A_304 = tpu.memref_slice %arg11[%dma_wait3A_301, %dma_wait3A_302, %dma_wait3A_303] : memref<4x128x64xf32, #tpu.memory_space<vmem>> -> memref<1x128x64xf32, #tpu.memory_space<vmem>>
    %dma_wait3A_305 = tpu.memref_squeeze %dma_wait3A_304 : memref<1x128x64xf32, #tpu.memory_space<vmem>> -> memref<128x64xf32, #tpu.memory_space<vmem>>
    %dma_wait3A_306 = arith.constant 0 : i32
    %dma_wait3A_307 = tpu.memref_slice %arg15[%add3A_232, %dma_wait3A_306] : memref<10240x64xf32, #tpu.memory_space<vmem_shared>> -> memref<128x64xf32, #tpu.memory_space<vmem_shared>>
    %dma_wait3A_308 = arith.constant 0 : i32
    %dma_wait3A_309 = arith.constant 0 : i32
    %dma_wait3A_310 = tpu.memref_slice %arg11[%dma_wait3A_301, %dma_wait3A_308, %dma_wait3A_309] : memref<4x128x64xf32, #tpu.memory_space<vmem>> -> memref<1x128x64xf32, #tpu.memory_space<vmem>>
    %dma_wait3A_311 = tpu.memref_squeeze %dma_wait3A_310 : memref<1x128x64xf32, #tpu.memory_space<vmem>> -> memref<128x64xf32, #tpu.memory_space<vmem>>
    %dma_wait3A_312 = arith.constant 0 : i32
    %dma_wait3A_313 = tpu.memref_slice %arg15[%add3A_232, %dma_wait3A_312] : memref<10240x64xf32, #tpu.memory_space<vmem_shared>> -> memref<128x64xf32, #tpu.memory_space<vmem_shared>>
    tpu.wait_dma2 semaphore(%arg17 : memref<!tpu.dma_semaphore, #tpu.memory_space<semaphore_mem>>) src(%dma_wait3A_313 : memref<128x64xf32, #tpu.memory_space<vmem_shared>>) dst(%dma_wait3A_311 : memref<128x64xf32, #tpu.memory_space<vmem>>)
    %dma_start3A_314 = arith.constant 0 : i32
    %dma_start3A_315 = arith.constant 0 : i32
    %dma_start3A_316 = arith.constant 0 : i32
    %dma_start3A_317 = tpu.memref_slice %arg11[%dma_start3A_314, %dma_start3A_315, %dma_start3A_316] : memref<4x128x64xf32, #tpu.memory_space<vmem>> -> memref<1x128x64xf32, #tpu.memory_space<vmem>>
    %dma_start3A_318 = tpu.memref_squeeze %dma_start3A_317 : memref<1x128x64xf32, #tpu.memory_space<vmem>> -> memref<128x64xf32, #tpu.memory_space<vmem>>
    %dma_start3A_319 = arith.constant 0 : i32
    %dma_start3A_320 = tpu.memref_slice %arg7[%arg0, %add3A_232, %dma_start3A_319] : memref<2x10240x64xf32, #tpu.memory_space<hbm>> -> memref<1x128x64xf32, #tpu.memory_space<hbm>>
    %dma_start3A_321 = tpu.memref_squeeze %dma_start3A_320 : memref<1x128x64xf32, #tpu.memory_space<hbm>> -> memref<128x64xf32, #tpu.memory_space<hbm>>
    %dma_start3A_322 = arith.constant 0 : i32
    %dma_start3A_323 = tpu.memref_slice %arg7[%arg0, %add3A_232, %dma_start3A_322] : memref<2x10240x64xf32, #tpu.memory_space<hbm>> -> memref<1x128x64xf32, #tpu.memory_space<hbm>>
    %dma_start3A_324 = tpu.memref_squeeze %dma_start3A_323 : memref<1x128x64xf32, #tpu.memory_space<hbm>> -> memref<128x64xf32, #tpu.memory_space<hbm>>
    %dma_start3A_325 = arith.constant 0 : i32
    %dma_start3A_326 = arith.constant 0 : i32
    %dma_start3A_327 = tpu.memref_slice %arg11[%dma_start3A_314, %dma_start3A_325, %dma_start3A_326] : memref<4x128x64xf32, #tpu.memory_space<vmem>> -> memref<1x128x64xf32, #tpu.memory_space<vmem>>
    %dma_start3A_328 = tpu.memref_squeeze %dma_start3A_327 : memref<1x128x64xf32, #tpu.memory_space<vmem>> -> memref<128x64xf32, #tpu.memory_space<vmem>>
    tpu.enqueue_dma source(%dma_start3A_328 : memref<128x64xf32, #tpu.memory_space<vmem>>) target(%dma_start3A_324 : memref<128x64xf32, #tpu.memory_space<hbm>>) target_semaphore(%arg18 : memref<!tpu.dma_semaphore, #tpu.memory_space<semaphore_mem>>)
    %dma_wait3A_329 = arith.constant 1 : i32
    %dma_wait3A_330 = arith.constant 0 : i32
    %dma_wait3A_331 = arith.constant 0 : i32
    %dma_wait3A_332 = tpu.memref_slice %arg11[%dma_wait3A_329, %dma_wait3A_330, %dma_wait3A_331] : memref<4x128x64xf32, #tpu.memory_space<vmem>> -> memref<1x128x64xf32, #tpu.memory_space<vmem>>
    %dma_wait3A_333 = tpu.memref_squeeze %dma_wait3A_332 : memref<1x128x64xf32, #tpu.memory_space<vmem>> -> memref<128x64xf32, #tpu.memory_space<vmem>>
    %dma_wait3A_334 = arith.constant 0 : i32
    %dma_wait3A_335 = tpu.memref_slice %arg15[%add3A_236, %dma_wait3A_334] : memref<10240x64xf32, #tpu.memory_space<vmem_shared>> -> memref<128x64xf32, #tpu.memory_space<vmem_shared>>
    %dma_wait3A_336 = arith.constant 0 : i32
    %dma_wait3A_337 = arith.constant 0 : i32
    %dma_wait3A_338 = tpu.memref_slice %arg11[%dma_wait3A_329, %dma_wait3A_336, %dma_wait3A_337] : memref<4x128x64xf32, #tpu.memory_space<vmem>> -> memref<1x128x64xf32, #tpu.memory_space<vmem>>
    %dma_wait3A_339 = tpu.memref_squeeze %dma_wait3A_338 : memref<1x128x64xf32, #tpu.memory_space<vmem>> -> memref<128x64xf32, #tpu.memory_space<vmem>>
    %dma_wait3A_340 = arith.constant 0 : i32
    %dma_wait3A_341 = tpu.memref_slice %arg15[%add3A_236, %dma_wait3A_340] : memref<10240x64xf32, #tpu.memory_space<vmem_shared>> -> memref<128x64xf32, #tpu.memory_space<vmem_shared>>
    tpu.wait_dma2 semaphore(%arg17 : memref<!tpu.dma_semaphore, #tpu.memory_space<semaphore_mem>>) src(%dma_wait3A_341 : memref<128x64xf32, #tpu.memory_space<vmem_shared>>) dst(%dma_wait3A_339 : memref<128x64xf32, #tpu.memory_space<vmem>>)
    %dma_start3A_342 = arith.constant 1 : i32
    %dma_start3A_343 = arith.constant 0 : i32
    %dma_start3A_344 = arith.constant 0 : i32
    %dma_start3A_345 = tpu.memref_slice %arg11[%dma_start3A_342, %dma_start3A_343, %dma_start3A_344] : memref<4x128x64xf32, #tpu.memory_space<vmem>> -> memref<1x128x64xf32, #tpu.memory_space<vmem>>
    %dma_start3A_346 = tpu.memref_squeeze %dma_start3A_345 : memref<1x128x64xf32, #tpu.memory_space<vmem>> -> memref<128x64xf32, #tpu.memory_space<vmem>>
    %dma_start3A_347 = arith.constant 0 : i32
    %dma_start3A_348 = tpu.memref_slice %arg7[%arg0, %add3A_236, %dma_start3A_347] : memref<2x10240x64xf32, #tpu.memory_space<hbm>> -> memref<1x128x64xf32, #tpu.memory_space<hbm>>
    %dma_start3A_349 = tpu.memref_squeeze %dma_start3A_348 : memref<1x128x64xf32, #tpu.memory_space<hbm>> -> memref<128x64xf32, #tpu.memory_space<hbm>>
    %dma_start3A_350 = arith.constant 0 : i32
    %dma_start3A_351 = tpu.memref_slice %arg7[%arg0, %add3A_236, %dma_start3A_350] : memref<2x10240x64xf32, #tpu.memory_space<hbm>> -> memref<1x128x64xf32, #tpu.memory_space<hbm>>
    %dma_start3A_352 = tpu.memref_squeeze %dma_start3A_351 : memref<1x128x64xf32, #tpu.memory_space<hbm>> -> memref<128x64xf32, #tpu.memory_space<hbm>>
    %dma_start3A_353 = arith.constant 0 : i32
    %dma_start3A_354 = arith.constant 0 : i32
    %dma_start3A_355 = tpu.memref_slice %arg11[%dma_start3A_342, %dma_start3A_353, %dma_start3A_354] : memref<4x128x64xf32, #tpu.memory_space<vmem>> -> memref<1x128x64xf32, #tpu.memory_space<vmem>>
    %dma_start3A_356 = tpu.memref_squeeze %dma_start3A_355 : memref<1x128x64xf32, #tpu.memory_space<vmem>> -> memref<128x64xf32, #tpu.memory_space<vmem>>
    tpu.enqueue_dma source(%dma_start3A_356 : memref<128x64xf32, #tpu.memory_space<vmem>>) target(%dma_start3A_352 : memref<128x64xf32, #tpu.memory_space<hbm>>) target_semaphore(%arg18 : memref<!tpu.dma_semaphore, #tpu.memory_space<semaphore_mem>>)
    %dma_wait3A_357 = arith.constant 2 : i32
    %dma_wait3A_358 = arith.constant 0 : i32
    %dma_wait3A_359 = arith.constant 0 : i32
    %dma_wait3A_360 = tpu.memref_slice %arg11[%dma_wait3A_357, %dma_wait3A_358, %dma_wait3A_359] : memref<4x128x64xf32, #tpu.memory_space<vmem>> -> memref<1x128x64xf32, #tpu.memory_space<vmem>>
    %dma_wait3A_361 = tpu.memref_squeeze %dma_wait3A_360 : memref<1x128x64xf32, #tpu.memory_space<vmem>> -> memref<128x64xf32, #tpu.memory_space<vmem>>
    %dma_wait3A_362 = arith.constant 0 : i32
    %dma_wait3A_363 = tpu.memref_slice %arg15[%add3A_240, %dma_wait3A_362] : memref<10240x64xf32, #tpu.memory_space<vmem_shared>> -> memref<128x64xf32, #tpu.memory_space<vmem_shared>>
    %dma_wait3A_364 = arith.constant 0 : i32
    %dma_wait3A_365 = arith.constant 0 : i32
    %dma_wait3A_366 = tpu.memref_slice %arg11[%dma_wait3A_357, %dma_wait3A_364, %dma_wait3A_365] : memref<4x128x64xf32, #tpu.memory_space<vmem>> -> memref<1x128x64xf32, #tpu.memory_space<vmem>>
    %dma_wait3A_367 = tpu.memref_squeeze %dma_wait3A_366 : memref<1x128x64xf32, #tpu.memory_space<vmem>> -> memref<128x64xf32, #tpu.memory_space<vmem>>
    %dma_wait3A_368 = arith.constant 0 : i32
    %dma_wait3A_369 = tpu.memref_slice %arg15[%add3A_240, %dma_wait3A_368] : memref<10240x64xf32, #tpu.memory_space<vmem_shared>> -> memref<128x64xf32, #tpu.memory_space<vmem_shared>>
    tpu.wait_dma2 semaphore(%arg17 : memref<!tpu.dma_semaphore, #tpu.memory_space<semaphore_mem>>) src(%dma_wait3A_369 : memref<128x64xf32, #tpu.memory_space<vmem_shared>>) dst(%dma_wait3A_367 : memref<128x64xf32, #tpu.memory_space<vmem>>)
    %dma_start3A_370 = arith.constant 2 : i32
    %dma_start3A_371 = arith.constant 0 : i32
    %dma_start3A_372 = arith.constant 0 : i32
    %dma_start3A_373 = tpu.memref_slice %arg11[%dma_start3A_370, %dma_start3A_371, %dma_start3A_372] : memref<4x128x64xf32, #tpu.memory_space<vmem>> -> memref<1x128x64xf32, #tpu.memory_space<vmem>>
    %dma_start3A_374 = tpu.memref_squeeze %dma_start3A_373 : memref<1x128x64xf32, #tpu.memory_space<vmem>> -> memref<128x64xf32, #tpu.memory_space<vmem>>
    %dma_start3A_375 = arith.constant 0 : i32
    %dma_start3A_376 = tpu.memref_slice %arg7[%arg0, %add3A_240, %dma_start3A_375] : memref<2x10240x64xf32, #tpu.memory_space<hbm>> -> memref<1x128x64xf32, #tpu.memory_space<hbm>>
    %dma_start3A_377 = tpu.memref_squeeze %dma_start3A_376 : memref<1x128x64xf32, #tpu.memory_space<hbm>> -> memref<128x64xf32, #tpu.memory_space<hbm>>
    %dma_start3A_378 = arith.constant 0 : i32
    %dma_start3A_379 = tpu.memref_slice %arg7[%arg0, %add3A_240, %dma_start3A_378] : memref<2x10240x64xf32, #tpu.memory_space<hbm>> -> memref<1x128x64xf32, #tpu.memory_space<hbm>>
    %dma_start3A_380 = tpu.memref_squeeze %dma_start3A_379 : memref<1x128x64xf32, #tpu.memory_space<hbm>> -> memref<128x64xf32, #tpu.memory_space<hbm>>
    %dma_start3A_381 = arith.constant 0 : i32
    %dma_start3A_382 = arith.constant 0 : i32
    %dma_start3A_383 = tpu.memref_slice %arg11[%dma_start3A_370, %dma_start3A_381, %dma_start3A_382] : memref<4x128x64xf32, #tpu.memory_space<vmem>> -> memref<1x128x64xf32, #tpu.memory_space<vmem>>
    %dma_start3A_384 = tpu.memref_squeeze %dma_start3A_383 : memref<1x128x64xf32, #tpu.memory_space<vmem>> -> memref<128x64xf32, #tpu.memory_space<vmem>>
    tpu.enqueue_dma source(%dma_start3A_384 : memref<128x64xf32, #tpu.memory_space<vmem>>) target(%dma_start3A_380 : memref<128x64xf32, #tpu.memory_space<hbm>>) target_semaphore(%arg18 : memref<!tpu.dma_semaphore, #tpu.memory_space<semaphore_mem>>)
    %dma_wait3A_385 = arith.constant 3 : i32
    %dma_wait3A_386 = arith.constant 0 : i32
    %dma_wait3A_387 = arith.constant 0 : i32
    %dma_wait3A_388 = tpu.memref_slice %arg11[%dma_wait3A_385, %dma_wait3A_386, %dma_wait3A_387] : memref<4x128x64xf32, #tpu.memory_space<vmem>> -> memref<1x128x64xf32, #tpu.memory_space<vmem>>
    %dma_wait3A_389 = tpu.memref_squeeze %dma_wait3A_388 : memref<1x128x64xf32, #tpu.memory_space<vmem>> -> memref<128x64xf32, #tpu.memory_space<vmem>>
    %dma_wait3A_390 = arith.constant 0 : i32
    %dma_wait3A_391 = tpu.memref_slice %arg15[%add3A_244, %dma_wait3A_390] : memref<10240x64xf32, #tpu.memory_space<vmem_shared>> -> memref<128x64xf32, #tpu.memory_space<vmem_shared>>
    %dma_wait3A_392 = arith.constant 0 : i32
    %dma_wait3A_393 = arith.constant 0 : i32
    %dma_wait3A_394 = tpu.memref_slice %arg11[%dma_wait3A_385, %dma_wait3A_392, %dma_wait3A_393] : memref<4x128x64xf32, #tpu.memory_space<vmem>> -> memref<1x128x64xf32, #tpu.memory_space<vmem>>
    %dma_wait3A_395 = tpu.memref_squeeze %dma_wait3A_394 : memref<1x128x64xf32, #tpu.memory_space<vmem>> -> memref<128x64xf32, #tpu.memory_space<vmem>>
    %dma_wait3A_396 = arith.constant 0 : i32
    %dma_wait3A_397 = tpu.memref_slice %arg15[%add3A_244, %dma_wait3A_396] : memref<10240x64xf32, #tpu.memory_space<vmem_shared>> -> memref<128x64xf32, #tpu.memory_space<vmem_shared>>
    tpu.wait_dma2 semaphore(%arg17 : memref<!tpu.dma_semaphore, #tpu.memory_space<semaphore_mem>>) src(%dma_wait3A_397 : memref<128x64xf32, #tpu.memory_space<vmem_shared>>) dst(%dma_wait3A_395 : memref<128x64xf32, #tpu.memory_space<vmem>>)
    %dma_start3A_398 = arith.constant 3 : i32
    %dma_start3A_399 = arith.constant 0 : i32
    %dma_start3A_400 = arith.constant 0 : i32
    %dma_start3A_401 = tpu.memref_slice %arg11[%dma_start3A_398, %dma_start3A_399, %dma_start3A_400] : memref<4x128x64xf32, #tpu.memory_space<vmem>> -> memref<1x128x64xf32, #tpu.memory_space<vmem>>
    %dma_start3A_402 = tpu.memref_squeeze %dma_start3A_401 : memref<1x128x64xf32, #tpu.memory_space<vmem>> -> memref<128x64xf32, #tpu.memory_space<vmem>>
    %dma_start3A_403 = arith.constant 0 : i32
    %dma_start3A_404 = tpu.memref_slice %arg7[%arg0, %add3A_244, %dma_start3A_403] : memref<2x10240x64xf32, #tpu.memory_space<hbm>> -> memref<1x128x64xf32, #tpu.memory_space<hbm>>
    %dma_start3A_405 = tpu.memref_squeeze %dma_start3A_404 : memref<1x128x64xf32, #tpu.memory_space<hbm>> -> memref<128x64xf32, #tpu.memory_space<hbm>>
    %dma_start3A_406 = arith.constant 0 : i32
    %dma_start3A_407 = tpu.memref_slice %arg7[%arg0, %add3A_244, %dma_start3A_406] : memref<2x10240x64xf32, #tpu.memory_space<hbm>> -> memref<1x128x64xf32, #tpu.memory_space<hbm>>
    %dma_start3A_408 = tpu.memref_squeeze %dma_start3A_407 : memref<1x128x64xf32, #tpu.memory_space<hbm>> -> memref<128x64xf32, #tpu.memory_space<hbm>>
    %dma_start3A_409 = arith.constant 0 : i32
    %dma_start3A_410 = arith.constant 0 : i32
    %dma_start3A_411 = tpu.memref_slice %arg11[%dma_start3A_398, %dma_start3A_409, %dma_start3A_410] : memref<4x128x64xf32, #tpu.memory_space<vmem>> -> memref<1x128x64xf32, #tpu.memory_space<vmem>>
    %dma_start3A_412 = tpu.memref_squeeze %dma_start3A_411 : memref<1x128x64xf32, #tpu.memory_space<vmem>> -> memref<128x64xf32, #tpu.memory_space<vmem>>
    tpu.enqueue_dma source(%dma_start3A_412 : memref<128x64xf32, #tpu.memory_space<vmem>>) target(%dma_start3A_408 : memref<128x64xf32, #tpu.memory_space<hbm>>) target_semaphore(%arg18 : memref<!tpu.dma_semaphore, #tpu.memory_space<semaphore_mem>>)
    %dma_wait3A_413 = arith.constant 0 : i32
    %dma_wait3A_414 = arith.constant 0 : i32
    %dma_wait3A_415 = arith.constant 0 : i32
    %dma_wait3A_416 = tpu.memref_slice %arg11[%dma_wait3A_413, %dma_wait3A_414, %dma_wait3A_415] : memref<4x128x64xf32, #tpu.memory_space<vmem>> -> memref<1x128x64xf32, #tpu.memory_space<vmem>>
    %dma_wait3A_417 = tpu.memref_squeeze %dma_wait3A_416 : memref<1x128x64xf32, #tpu.memory_space<vmem>> -> memref<128x64xf32, #tpu.memory_space<vmem>>
    %dma_wait3A_418 = arith.constant 0 : i32
    %dma_wait3A_419 = tpu.memref_slice %arg7[%arg0, %add3A_232, %dma_wait3A_418] : memref<2x10240x64xf32, #tpu.memory_space<hbm>> -> memref<1x128x64xf32, #tpu.memory_space<hbm>>
    %dma_wait3A_420 = tpu.memref_squeeze %dma_wait3A_419 : memref<1x128x64xf32, #tpu.memory_space<hbm>> -> memref<128x64xf32, #tpu.memory_space<hbm>>
    %dma_wait3A_421 = arith.constant 0 : i32
    %dma_wait3A_422 = tpu.memref_slice %arg7[%arg0, %add3A_232, %dma_wait3A_421] : memref<2x10240x64xf32, #tpu.memory_space<hbm>> -> memref<1x128x64xf32, #tpu.memory_space<hbm>>
    %dma_wait3A_423 = tpu.memref_squeeze %dma_wait3A_422 : memref<1x128x64xf32, #tpu.memory_space<hbm>> -> memref<128x64xf32, #tpu.memory_space<hbm>>
    %dma_wait3A_424 = arith.constant 0 : i32
    %dma_wait3A_425 = arith.constant 0 : i32
    %dma_wait3A_426 = tpu.memref_slice %arg11[%dma_wait3A_413, %dma_wait3A_424, %dma_wait3A_425] : memref<4x128x64xf32, #tpu.memory_space<vmem>> -> memref<1x128x64xf32, #tpu.memory_space<vmem>>
    %dma_wait3A_427 = tpu.memref_squeeze %dma_wait3A_426 : memref<1x128x64xf32, #tpu.memory_space<vmem>> -> memref<128x64xf32, #tpu.memory_space<vmem>>
    tpu.wait_dma2 semaphore(%arg18 : memref<!tpu.dma_semaphore, #tpu.memory_space<semaphore_mem>>) src(%dma_wait3A_427 : memref<128x64xf32, #tpu.memory_space<vmem>>) dst(%dma_wait3A_423 : memref<128x64xf32, #tpu.memory_space<hbm>>)
    %dma_start3A_428 = arith.constant 0 : i32
    %dma_start3A_429 = arith.constant 0 : i32
    %dma_start3A_430 = arith.constant 0 : i32
    %dma_start3A_431 = tpu.memref_slice %arg11[%dma_start3A_428, %dma_start3A_429, %dma_start3A_430] : memref<4x128x64xf32, #tpu.memory_space<vmem>> -> memref<1x128x64xf32, #tpu.memory_space<vmem>>
    %dma_start3A_432 = tpu.memref_squeeze %dma_start3A_431 : memref<1x128x64xf32, #tpu.memory_space<vmem>> -> memref<128x64xf32, #tpu.memory_space<vmem>>
    %dma_start3A_433 = arith.constant 0 : i32
    %dma_start3A_434 = tpu.memref_slice %arg15[%add3A_248, %dma_start3A_433] : memref<10240x64xf32, #tpu.memory_space<vmem_shared>> -> memref<128x64xf32, #tpu.memory_space<vmem_shared>>
    %dma_start3A_435 = arith.constant 0 : i32
    %dma_start3A_436 = arith.constant 0 : i32
    %dma_start3A_437 = tpu.memref_slice %arg11[%dma_start3A_428, %dma_start3A_435, %dma_start3A_436] : memref<4x128x64xf32, #tpu.memory_space<vmem>> -> memref<1x128x64xf32, #tpu.memory_space<vmem>>
    %dma_start3A_438 = tpu.memref_squeeze %dma_start3A_437 : memref<1x128x64xf32, #tpu.memory_space<vmem>> -> memref<128x64xf32, #tpu.memory_space<vmem>>
    %dma_start3A_439 = arith.constant 0 : i32
    %dma_start3A_440 = tpu.memref_slice %arg15[%add3A_248, %dma_start3A_439] : memref<10240x64xf32, #tpu.memory_space<vmem_shared>> -> memref<128x64xf32, #tpu.memory_space<vmem_shared>>
    tpu.enqueue_dma source(%dma_start3A_440 : memref<128x64xf32, #tpu.memory_space<vmem_shared>>) target(%dma_start3A_438 : memref<128x64xf32, #tpu.memory_space<vmem>>) target_semaphore(%arg17 : memref<!tpu.dma_semaphore, #tpu.memory_space<semaphore_mem>>)
    %dma_wait3A_441 = arith.constant 0 : i32
    %dma_wait3A_442 = arith.constant 0 : i32
    %dma_wait3A_443 = arith.constant 0 : i32
    %dma_wait3A_444 = tpu.memref_slice %arg11[%dma_wait3A_441, %dma_wait3A_442, %dma_wait3A_443] : memref<4x128x64xf32, #tpu.memory_space<vmem>> -> memref<1x128x64xf32, #tpu.memory_space<vmem>>
    %dma_wait3A_445 = tpu.memref_squeeze %dma_wait3A_444 : memref<1x128x64xf32, #tpu.memory_space<vmem>> -> memref<128x64xf32, #tpu.memory_space<vmem>>
    %dma_wait3A_446 = arith.constant 0 : i32
    %dma_wait3A_447 = tpu.memref_slice %arg15[%add3A_248, %dma_wait3A_446] : memref<10240x64xf32, #tpu.memory_space<vmem_shared>> -> memref<128x64xf32, #tpu.memory_space<vmem_shared>>
    %dma_wait3A_448 = arith.constant 0 : i32
    %dma_wait3A_449 = arith.constant 0 : i32
    %dma_wait3A_450 = tpu.memref_slice %arg11[%dma_wait3A_441, %dma_wait3A_448, %dma_wait3A_449] : memref<4x128x64xf32, #tpu.memory_space<vmem>> -> memref<1x128x64xf32, #tpu.memory_space<vmem>>
    %dma_wait3A_451 = tpu.memref_squeeze %dma_wait3A_450 : memref<1x128x64xf32, #tpu.memory_space<vmem>> -> memref<128x64xf32, #tpu.memory_space<vmem>>
    %dma_wait3A_452 = arith.constant 0 : i32
    %dma_wait3A_453 = tpu.memref_slice %arg15[%add3A_248, %dma_wait3A_452] : memref<10240x64xf32, #tpu.memory_space<vmem_shared>> -> memref<128x64xf32, #tpu.memory_space<vmem_shared>>
    tpu.wait_dma2 semaphore(%arg17 : memref<!tpu.dma_semaphore, #tpu.memory_space<semaphore_mem>>) src(%dma_wait3A_453 : memref<128x64xf32, #tpu.memory_space<vmem_shared>>) dst(%dma_wait3A_451 : memref<128x64xf32, #tpu.memory_space<vmem>>)
    %dma_start3A_454 = arith.constant 0 : i32
    %dma_start3A_455 = arith.constant 0 : i32
    %dma_start3A_456 = arith.constant 0 : i32
    %dma_start3A_457 = tpu.memref_slice %arg11[%dma_start3A_454, %dma_start3A_455, %dma_start3A_456] : memref<4x128x64xf32, #tpu.memory_space<vmem>> -> memref<1x128x64xf32, #tpu.memory_space<vmem>>
    %dma_start3A_458 = tpu.memref_squeeze %dma_start3A_457 : memref<1x128x64xf32, #tpu.memory_space<vmem>> -> memref<128x64xf32, #tpu.memory_space<vmem>>
    %dma_start3A_459 = arith.constant 0 : i32
    %dma_start3A_460 = tpu.memref_slice %arg7[%arg0, %add3A_248, %dma_start3A_459] : memref<2x10240x64xf32, #tpu.memory_space<hbm>> -> memref<1x128x64xf32, #tpu.memory_space<hbm>>
    %dma_start3A_461 = tpu.memref_squeeze %dma_start3A_460 : memref<1x128x64xf32, #tpu.memory_space<hbm>> -> memref<128x64xf32, #tpu.memory_space<hbm>>
    %dma_start3A_462 = arith.constant 0 : i32
    %dma_start3A_463 = tpu.memref_slice %arg7[%arg0, %add3A_248, %dma_start3A_462] : memref<2x10240x64xf32, #tpu.memory_space<hbm>> -> memref<1x128x64xf32, #tpu.memory_space<hbm>>
    %dma_start3A_464 = tpu.memref_squeeze %dma_start3A_463 : memref<1x128x64xf32, #tpu.memory_space<hbm>> -> memref<128x64xf32, #tpu.memory_space<hbm>>
    %dma_start3A_465 = arith.constant 0 : i32
    %dma_start3A_466 = arith.constant 0 : i32
    %dma_start3A_467 = tpu.memref_slice %arg11[%dma_start3A_454, %dma_start3A_465, %dma_start3A_466] : memref<4x128x64xf32, #tpu.memory_space<vmem>> -> memref<1x128x64xf32, #tpu.memory_space<vmem>>
    %dma_start3A_468 = tpu.memref_squeeze %dma_start3A_467 : memref<1x128x64xf32, #tpu.memory_space<vmem>> -> memref<128x64xf32, #tpu.memory_space<vmem>>
    tpu.enqueue_dma source(%dma_start3A_468 : memref<128x64xf32, #tpu.memory_space<vmem>>) target(%dma_start3A_464 : memref<128x64xf32, #tpu.memory_space<hbm>>) target_semaphore(%arg18 : memref<!tpu.dma_semaphore, #tpu.memory_space<semaphore_mem>>)
    %dma_wait3A_469 = arith.constant 1 : i32
    %dma_wait3A_470 = arith.constant 0 : i32
    %dma_wait3A_471 = arith.constant 0 : i32
    %dma_wait3A_472 = tpu.memref_slice %arg11[%dma_wait3A_469, %dma_wait3A_470, %dma_wait3A_471] : memref<4x128x64xf32, #tpu.memory_space<vmem>> -> memref<1x128x64xf32, #tpu.memory_space<vmem>>
    %dma_wait3A_473 = tpu.memref_squeeze %dma_wait3A_472 : memref<1x128x64xf32, #tpu.memory_space<vmem>> -> memref<128x64xf32, #tpu.memory_space<vmem>>
    %dma_wait3A_474 = arith.constant 0 : i32
    %dma_wait3A_475 = tpu.memref_slice %arg7[%arg0, %add3A_236, %dma_wait3A_474] : memref<2x10240x64xf32, #tpu.memory_space<hbm>> -> memref<1x128x64xf32, #tpu.memory_space<hbm>>
    %dma_wait3A_476 = tpu.memref_squeeze %dma_wait3A_475 : memref<1x128x64xf32, #tpu.memory_space<hbm>> -> memref<128x64xf32, #tpu.memory_space<hbm>>
    %dma_wait3A_477 = arith.constant 0 : i32
    %dma_wait3A_478 = tpu.memref_slice %arg7[%arg0, %add3A_236, %dma_wait3A_477] : memref<2x10240x64xf32, #tpu.memory_space<hbm>> -> memref<1x128x64xf32, #tpu.memory_space<hbm>>
    %dma_wait3A_479 = tpu.memref_squeeze %dma_wait3A_478 : memref<1x128x64xf32, #tpu.memory_space<hbm>> -> memref<128x64xf32, #tpu.memory_space<hbm>>
    %dma_wait3A_480 = arith.constant 0 : i32
    %dma_wait3A_481 = arith.constant 0 : i32
    %dma_wait3A_482 = tpu.memref_slice %arg11[%dma_wait3A_469, %dma_wait3A_480, %dma_wait3A_481] : memref<4x128x64xf32, #tpu.memory_space<vmem>> -> memref<1x128x64xf32, #tpu.memory_space<vmem>>
    %dma_wait3A_483 = tpu.memref_squeeze %dma_wait3A_482 : memref<1x128x64xf32, #tpu.memory_space<vmem>> -> memref<128x64xf32, #tpu.memory_space<vmem>>
    tpu.wait_dma2 semaphore(%arg18 : memref<!tpu.dma_semaphore, #tpu.memory_space<semaphore_mem>>) src(%dma_wait3A_483 : memref<128x64xf32, #tpu.memory_space<vmem>>) dst(%dma_wait3A_479 : memref<128x64xf32, #tpu.memory_space<hbm>>)
    %dma_wait3A_484 = arith.constant 2 : i32
    %dma_wait3A_485 = arith.constant 0 : i32
    %dma_wait3A_486 = arith.constant 0 : i32
    %dma_wait3A_487 = tpu.memref_slice %arg11[%dma_wait3A_484, %dma_wait3A_485, %dma_wait3A_486] : memref<4x128x64xf32, #tpu.memory_space<vmem>> -> memref<1x128x64xf32, #tpu.memory_space<vmem>>
    %dma_wait3A_488 = tpu.memref_squeeze %dma_wait3A_487 : memref<1x128x64xf32, #tpu.memory_space<vmem>> -> memref<128x64xf32, #tpu.memory_space<vmem>>
    %dma_wait3A_489 = arith.constant 0 : i32
    %dma_wait3A_490 = tpu.memref_slice %arg7[%arg0, %add3A_240, %dma_wait3A_489] : memref<2x10240x64xf32, #tpu.memory_space<hbm>> -> memref<1x128x64xf32, #tpu.memory_space<hbm>>
    %dma_wait3A_491 = tpu.memref_squeeze %dma_wait3A_490 : memref<1x128x64xf32, #tpu.memory_space<hbm>> -> memref<128x64xf32, #tpu.memory_space<hbm>>
    %dma_wait3A_492 = arith.constant 0 : i32
    %dma_wait3A_493 = tpu.memref_slice %arg7[%arg0, %add3A_240, %dma_wait3A_492] : memref<2x10240x64xf32, #tpu.memory_space<hbm>> -> memref<1x128x64xf32, #tpu.memory_space<hbm>>
    %dma_wait3A_494 = tpu.memref_squeeze %dma_wait3A_493 : memref<1x128x64xf32, #tpu.memory_space<hbm>> -> memref<128x64xf32, #tpu.memory_space<hbm>>
    %dma_wait3A_495 = arith.constant 0 : i32
    %dma_wait3A_496 = arith.constant 0 : i32
    %dma_wait3A_497 = tpu.memref_slice %arg11[%dma_wait3A_484, %dma_wait3A_495, %dma_wait3A_496] : memref<4x128x64xf32, #tpu.memory_space<vmem>> -> memref<1x128x64xf32, #tpu.memory_space<vmem>>
    %dma_wait3A_498 = tpu.memref_squeeze %dma_wait3A_497 : memref<1x128x64xf32, #tpu.memory_space<vmem>> -> memref<128x64xf32, #tpu.memory_space<vmem>>
    tpu.wait_dma2 semaphore(%arg18 : memref<!tpu.dma_semaphore, #tpu.memory_space<semaphore_mem>>) src(%dma_wait3A_498 : memref<128x64xf32, #tpu.memory_space<vmem>>) dst(%dma_wait3A_494 : memref<128x64xf32, #tpu.memory_space<hbm>>)
    %dma_wait3A_499 = arith.constant 3 : i32
    %dma_wait3A_500 = arith.constant 0 : i32
    %dma_wait3A_501 = arith.constant 0 : i32
    %dma_wait3A_502 = tpu.memref_slice %arg11[%dma_wait3A_499, %dma_wait3A_500, %dma_wait3A_501] : memref<4x128x64xf32, #tpu.memory_space<vmem>> -> memref<1x128x64xf32, #tpu.memory_space<vmem>>
    %dma_wait3A_503 = tpu.memref_squeeze %dma_wait3A_502 : memref<1x128x64xf32, #tpu.memory_space<vmem>> -> memref<128x64xf32, #tpu.memory_space<vmem>>
    %dma_wait3A_504 = arith.constant 0 : i32
    %dma_wait3A_505 = tpu.memref_slice %arg7[%arg0, %add3A_244, %dma_wait3A_504] : memref<2x10240x64xf32, #tpu.memory_space<hbm>> -> memref<1x128x64xf32, #tpu.memory_space<hbm>>
    %dma_wait3A_506 = tpu.memref_squeeze %dma_wait3A_505 : memref<1x128x64xf32, #tpu.memory_space<hbm>> -> memref<128x64xf32, #tpu.memory_space<hbm>>
    %dma_wait3A_507 = arith.constant 0 : i32
    %dma_wait3A_508 = tpu.memref_slice %arg7[%arg0, %add3A_244, %dma_wait3A_507] : memref<2x10240x64xf32, #tpu.memory_space<hbm>> -> memref<1x128x64xf32, #tpu.memory_space<hbm>>
    %dma_wait3A_509 = tpu.memref_squeeze %dma_wait3A_508 : memref<1x128x64xf32, #tpu.memory_space<hbm>> -> memref<128x64xf32, #tpu.memory_space<hbm>>
    %dma_wait3A_510 = arith.constant 0 : i32
    %dma_wait3A_511 = arith.constant 0 : i32
    %dma_wait3A_512 = tpu.memref_slice %arg11[%dma_wait3A_499, %dma_wait3A_510, %dma_wait3A_511] : memref<4x128x64xf32, #tpu.memory_space<vmem>> -> memref<1x128x64xf32, #tpu.memory_space<vmem>>
    %dma_wait3A_513 = tpu.memref_squeeze %dma_wait3A_512 : memref<1x128x64xf32, #tpu.memory_space<vmem>> -> memref<128x64xf32, #tpu.memory_space<vmem>>
    tpu.wait_dma2 semaphore(%arg18 : memref<!tpu.dma_semaphore, #tpu.memory_space<semaphore_mem>>) src(%dma_wait3A_513 : memref<128x64xf32, #tpu.memory_space<vmem>>) dst(%dma_wait3A_509 : memref<128x64xf32, #tpu.memory_space<hbm>>)
    %dma_wait3A_514 = arith.constant 0 : i32
    %dma_wait3A_515 = arith.constant 0 : i32
    %dma_wait3A_516 = arith.constant 0 : i32
    %dma_wait3A_517 = tpu.memref_slice %arg11[%dma_wait3A_514, %dma_wait3A_515, %dma_wait3A_516] : memref<4x128x64xf32, #tpu.memory_space<vmem>> -> memref<1x128x64xf32, #tpu.memory_space<vmem>>
    %dma_wait3A_518 = tpu.memref_squeeze %dma_wait3A_517 : memref<1x128x64xf32, #tpu.memory_space<vmem>> -> memref<128x64xf32, #tpu.memory_space<vmem>>
    %dma_wait3A_519 = arith.constant 0 : i32
    %dma_wait3A_520 = tpu.memref_slice %arg7[%arg0, %add3A_248, %dma_wait3A_519] : memref<2x10240x64xf32, #tpu.memory_space<hbm>> -> memref<1x128x64xf32, #tpu.memory_space<hbm>>
    %dma_wait3A_521 = tpu.memref_squeeze %dma_wait3A_520 : memref<1x128x64xf32, #tpu.memory_space<hbm>> -> memref<128x64xf32, #tpu.memory_space<hbm>>
    %dma_wait3A_522 = arith.constant 0 : i32
    %dma_wait3A_523 = tpu.memref_slice %arg7[%arg0, %add3A_248, %dma_wait3A_522] : memref<2x10240x64xf32, #tpu.memory_space<hbm>> -> memref<1x128x64xf32, #tpu.memory_space<hbm>>
    %dma_wait3A_524 = tpu.memref_squeeze %dma_wait3A_523 : memref<1x128x64xf32, #tpu.memory_space<hbm>> -> memref<128x64xf32, #tpu.memory_space<hbm>>
    %dma_wait3A_525 = arith.constant 0 : i32
    %dma_wait3A_526 = arith.constant 0 : i32
    %dma_wait3A_527 = tpu.memref_slice %arg11[%dma_wait3A_514, %dma_wait3A_525, %dma_wait3A_526] : memref<4x128x64xf32, #tpu.memory_space<vmem>> -> memref<1x128x64xf32, #tpu.memory_space<vmem>>
    %dma_wait3A_528 = tpu.memref_squeeze %dma_wait3A_527 : memref<1x128x64xf32, #tpu.memory_space<vmem>> -> memref<128x64xf32, #tpu.memory_space<vmem>>
    tpu.wait_dma2 semaphore(%arg18 : memref<!tpu.dma_semaphore, #tpu.memory_space<semaphore_mem>>) src(%dma_wait3A_528 : memref<128x64xf32, #tpu.memory_space<vmem>>) dst(%dma_wait3A_524 : memref<128x64xf32, #tpu.memory_space<hbm>>)
    %eq3A = arith.constant 0 : i32
    %eq3A_529 = arith.cmpi eq, %arg0, %eq3A : i32
    %convert_element_type3A = arith.extui %eq3A_529 : i1 to i32
    %cond3A = arith.constant 0 : i32
    %cond3A_530 = arith.cmpi ne, %convert_element_type3A, %cond3A : i32
    scf.if %cond3A_530 {
      %mul3A_531 = arith.constant 640 : i32
      %mul3A_532 = arith.muli %arg1, %mul3A_531 : i32
      %add3A_533 = arith.constant 0 : i32
      %add3A_534 = arith.addi %mul3A_532, %add3A_533 : i32
      "tpu.region"() ({
        %run_scoped3A_551 = tpu.sem_alloc : memref<!tpu.dma_semaphore, #tpu.memory_space<semaphore_mem>>
        %dma_start3A_552 = arith.constant 0 : i32
        %dma_start3A_553 = tpu.memref_slice %arg16[%add3A_534, %dma_start3A_552] : memref<10240x8xf32, #tpu.memory_space<vmem_shared>> -> memref<128x8xf32, #tpu.memory_space<vmem_shared>>
        %dma_start3A_554 = arith.constant 0 : i32
        %dma_start3A_555 = tpu.memref_slice %arg16[%add3A_534, %dma_start3A_554] : memref<10240x8xf32, #tpu.memory_space<vmem_shared>> -> memref<128x8xf32, #tpu.memory_space<vmem_shared>>
        tpu.enqueue_dma source(%dma_start3A_555 : memref<128x8xf32, #tpu.memory_space<vmem_shared>>) target(%arg14 : memref<128x8xf32, #tpu.memory_space<vmem>>) target_semaphore(%run_scoped3A_551 : memref<!tpu.dma_semaphore, #tpu.memory_space<semaphore_mem>>)
        %dma_wait3A_556 = arith.constant 0 : i32
        %dma_wait3A_557 = tpu.memref_slice %arg16[%add3A_534, %dma_wait3A_556] : memref<10240x8xf32, #tpu.memory_space<vmem_shared>> -> memref<128x8xf32, #tpu.memory_space<vmem_shared>>
        %dma_wait3A_558 = arith.constant 0 : i32
        %dma_wait3A_559 = tpu.memref_slice %arg16[%add3A_534, %dma_wait3A_558] : memref<10240x8xf32, #tpu.memory_space<vmem_shared>> -> memref<128x8xf32, #tpu.memory_space<vmem_shared>>
        tpu.wait_dma2 semaphore(%run_scoped3A_551 : memref<!tpu.dma_semaphore, #tpu.memory_space<semaphore_mem>>) src(%dma_wait3A_559 : memref<128x8xf32, #tpu.memory_space<vmem_shared>>) dst(%arg14 : memref<128x8xf32, #tpu.memory_space<vmem>>)
        tpu.yield
      }) : () -> ()
      "tpu.region"() ({
        %run_scoped3A_551 = tpu.sem_alloc : memref<!tpu.dma_semaphore, #tpu.memory_space<semaphore_mem>>
        %dma_start3A_552 = arith.constant 0 : i32
        %dma_start3A_553 = tpu.memref_slice %arg8[%add3A_534, %dma_start3A_552] : memref<10240x8xf32, #tpu.memory_space<hbm>> -> memref<128x8xf32, #tpu.memory_space<hbm>>
        %dma_start3A_554 = arith.constant 0 : i32
        %dma_start3A_555 = tpu.memref_slice %arg8[%add3A_534, %dma_start3A_554] : memref<10240x8xf32, #tpu.memory_space<hbm>> -> memref<128x8xf32, #tpu.memory_space<hbm>>
        tpu.enqueue_dma source(%arg14 : memref<128x8xf32, #tpu.memory_space<vmem>>) target(%dma_start3A_555 : memref<128x8xf32, #tpu.memory_space<hbm>>) target_semaphore(%run_scoped3A_551 : memref<!tpu.dma_semaphore, #tpu.memory_space<semaphore_mem>>)
        %dma_wait3A_556 = arith.constant 0 : i32
        %dma_wait3A_557 = tpu.memref_slice %arg8[%add3A_534, %dma_wait3A_556] : memref<10240x8xf32, #tpu.memory_space<hbm>> -> memref<128x8xf32, #tpu.memory_space<hbm>>
        %dma_wait3A_558 = arith.constant 0 : i32
        %dma_wait3A_559 = tpu.memref_slice %arg8[%add3A_534, %dma_wait3A_558] : memref<10240x8xf32, #tpu.memory_space<hbm>> -> memref<128x8xf32, #tpu.memory_space<hbm>>
        tpu.wait_dma2 semaphore(%run_scoped3A_551 : memref<!tpu.dma_semaphore, #tpu.memory_space<semaphore_mem>>) src(%arg14 : memref<128x8xf32, #tpu.memory_space<vmem>>) dst(%dma_wait3A_559 : memref<128x8xf32, #tpu.memory_space<hbm>>)
        tpu.yield
      }) : () -> ()
      %mul3A_535 = arith.constant 640 : i32
      %mul3A_536 = arith.muli %arg1, %mul3A_535 : i32
      %add3A_537 = arith.constant 128 : i32
      %add3A_538 = arith.addi %mul3A_536, %add3A_537 : i32
      "tpu.region"() ({
        %run_scoped3A_551 = tpu.sem_alloc : memref<!tpu.dma_semaphore, #tpu.memory_space<semaphore_mem>>
        %dma_start3A_552 = arith.constant 0 : i32
        %dma_start3A_553 = tpu.memref_slice %arg16[%add3A_538, %dma_start3A_552] : memref<10240x8xf32, #tpu.memory_space<vmem_shared>> -> memref<128x8xf32, #tpu.memory_space<vmem_shared>>
        %dma_start3A_554 = arith.constant 0 : i32
        %dma_start3A_555 = tpu.memref_slice %arg16[%add3A_538, %dma_start3A_554] : memref<10240x8xf32, #tpu.memory_space<vmem_shared>> -> memref<128x8xf32, #tpu.memory_space<vmem_shared>>
        tpu.enqueue_dma source(%dma_start3A_555 : memref<128x8xf32, #tpu.memory_space<vmem_shared>>) target(%arg14 : memref<128x8xf32, #tpu.memory_space<vmem>>) target_semaphore(%run_scoped3A_551 : memref<!tpu.dma_semaphore, #tpu.memory_space<semaphore_mem>>)
        %dma_wait3A_556 = arith.constant 0 : i32
        %dma_wait3A_557 = tpu.memref_slice %arg16[%add3A_538, %dma_wait3A_556] : memref<10240x8xf32, #tpu.memory_space<vmem_shared>> -> memref<128x8xf32, #tpu.memory_space<vmem_shared>>
        %dma_wait3A_558 = arith.constant 0 : i32
        %dma_wait3A_559 = tpu.memref_slice %arg16[%add3A_538, %dma_wait3A_558] : memref<10240x8xf32, #tpu.memory_space<vmem_shared>> -> memref<128x8xf32, #tpu.memory_space<vmem_shared>>
        tpu.wait_dma2 semaphore(%run_scoped3A_551 : memref<!tpu.dma_semaphore, #tpu.memory_space<semaphore_mem>>) src(%dma_wait3A_559 : memref<128x8xf32, #tpu.memory_space<vmem_shared>>) dst(%arg14 : memref<128x8xf32, #tpu.memory_space<vmem>>)
        tpu.yield
      }) : () -> ()
      "tpu.region"() ({
        %run_scoped3A_551 = tpu.sem_alloc : memref<!tpu.dma_semaphore, #tpu.memory_space<semaphore_mem>>
        %dma_start3A_552 = arith.constant 0 : i32
        %dma_start3A_553 = tpu.memref_slice %arg8[%add3A_538, %dma_start3A_552] : memref<10240x8xf32, #tpu.memory_space<hbm>> -> memref<128x8xf32, #tpu.memory_space<hbm>>
        %dma_start3A_554 = arith.constant 0 : i32
        %dma_start3A_555 = tpu.memref_slice %arg8[%add3A_538, %dma_start3A_554] : memref<10240x8xf32, #tpu.memory_space<hbm>> -> memref<128x8xf32, #tpu.memory_space<hbm>>
        tpu.enqueue_dma source(%arg14 : memref<128x8xf32, #tpu.memory_space<vmem>>) target(%dma_start3A_555 : memref<128x8xf32, #tpu.memory_space<hbm>>) target_semaphore(%run_scoped3A_551 : memref<!tpu.dma_semaphore, #tpu.memory_space<semaphore_mem>>)
        %dma_wait3A_556 = arith.constant 0 : i32
        %dma_wait3A_557 = tpu.memref_slice %arg8[%add3A_538, %dma_wait3A_556] : memref<10240x8xf32, #tpu.memory_space<hbm>> -> memref<128x8xf32, #tpu.memory_space<hbm>>
        %dma_wait3A_558 = arith.constant 0 : i32
        %dma_wait3A_559 = tpu.memref_slice %arg8[%add3A_538, %dma_wait3A_558] : memref<10240x8xf32, #tpu.memory_space<hbm>> -> memref<128x8xf32, #tpu.memory_space<hbm>>
        tpu.wait_dma2 semaphore(%run_scoped3A_551 : memref<!tpu.dma_semaphore, #tpu.memory_space<semaphore_mem>>) src(%arg14 : memref<128x8xf32, #tpu.memory_space<vmem>>) dst(%dma_wait3A_559 : memref<128x8xf32, #tpu.memory_space<hbm>>)
        tpu.yield
      }) : () -> ()
      %mul3A_539 = arith.constant 640 : i32
      %mul3A_540 = arith.muli %arg1, %mul3A_539 : i32
      %add3A_541 = arith.constant 256 : i32
      %add3A_542 = arith.addi %mul3A_540, %add3A_541 : i32
      "tpu.region"() ({
        %run_scoped3A_551 = tpu.sem_alloc : memref<!tpu.dma_semaphore, #tpu.memory_space<semaphore_mem>>
        %dma_start3A_552 = arith.constant 0 : i32
        %dma_start3A_553 = tpu.memref_slice %arg16[%add3A_542, %dma_start3A_552] : memref<10240x8xf32, #tpu.memory_space<vmem_shared>> -> memref<128x8xf32, #tpu.memory_space<vmem_shared>>
        %dma_start3A_554 = arith.constant 0 : i32
        %dma_start3A_555 = tpu.memref_slice %arg16[%add3A_542, %dma_start3A_554] : memref<10240x8xf32, #tpu.memory_space<vmem_shared>> -> memref<128x8xf32, #tpu.memory_space<vmem_shared>>
        tpu.enqueue_dma source(%dma_start3A_555 : memref<128x8xf32, #tpu.memory_space<vmem_shared>>) target(%arg14 : memref<128x8xf32, #tpu.memory_space<vmem>>) target_semaphore(%run_scoped3A_551 : memref<!tpu.dma_semaphore, #tpu.memory_space<semaphore_mem>>)
        %dma_wait3A_556 = arith.constant 0 : i32
        %dma_wait3A_557 = tpu.memref_slice %arg16[%add3A_542, %dma_wait3A_556] : memref<10240x8xf32, #tpu.memory_space<vmem_shared>> -> memref<128x8xf32, #tpu.memory_space<vmem_shared>>
        %dma_wait3A_558 = arith.constant 0 : i32
        %dma_wait3A_559 = tpu.memref_slice %arg16[%add3A_542, %dma_wait3A_558] : memref<10240x8xf32, #tpu.memory_space<vmem_shared>> -> memref<128x8xf32, #tpu.memory_space<vmem_shared>>
        tpu.wait_dma2 semaphore(%run_scoped3A_551 : memref<!tpu.dma_semaphore, #tpu.memory_space<semaphore_mem>>) src(%dma_wait3A_559 : memref<128x8xf32, #tpu.memory_space<vmem_shared>>) dst(%arg14 : memref<128x8xf32, #tpu.memory_space<vmem>>)
        tpu.yield
      }) : () -> ()
      "tpu.region"() ({
        %run_scoped3A_551 = tpu.sem_alloc : memref<!tpu.dma_semaphore, #tpu.memory_space<semaphore_mem>>
        %dma_start3A_552 = arith.constant 0 : i32
        %dma_start3A_553 = tpu.memref_slice %arg8[%add3A_542, %dma_start3A_552] : memref<10240x8xf32, #tpu.memory_space<hbm>> -> memref<128x8xf32, #tpu.memory_space<hbm>>
        %dma_start3A_554 = arith.constant 0 : i32
        %dma_start3A_555 = tpu.memref_slice %arg8[%add3A_542, %dma_start3A_554] : memref<10240x8xf32, #tpu.memory_space<hbm>> -> memref<128x8xf32, #tpu.memory_space<hbm>>
        tpu.enqueue_dma source(%arg14 : memref<128x8xf32, #tpu.memory_space<vmem>>) target(%dma_start3A_555 : memref<128x8xf32, #tpu.memory_space<hbm>>) target_semaphore(%run_scoped3A_551 : memref<!tpu.dma_semaphore, #tpu.memory_space<semaphore_mem>>)
        %dma_wait3A_556 = arith.constant 0 : i32
        %dma_wait3A_557 = tpu.memref_slice %arg8[%add3A_542, %dma_wait3A_556] : memref<10240x8xf32, #tpu.memory_space<hbm>> -> memref<128x8xf32, #tpu.memory_space<hbm>>
        %dma_wait3A_558 = arith.constant 0 : i32
        %dma_wait3A_559 = tpu.memref_slice %arg8[%add3A_542, %dma_wait3A_558] : memref<10240x8xf32, #tpu.memory_space<hbm>> -> memref<128x8xf32, #tpu.memory_space<hbm>>
        tpu.wait_dma2 semaphore(%run_scoped3A_551 : memref<!tpu.dma_semaphore, #tpu.memory_space<semaphore_mem>>) src(%arg14 : memref<128x8xf32, #tpu.memory_space<vmem>>) dst(%dma_wait3A_559 : memref<128x8xf32, #tpu.memory_space<hbm>>)
        tpu.yield
      }) : () -> ()
      %mul3A_543 = arith.constant 640 : i32
      %mul3A_544 = arith.muli %arg1, %mul3A_543 : i32
      %add3A_545 = arith.constant 384 : i32
      %add3A_546 = arith.addi %mul3A_544, %add3A_545 : i32
      "tpu.region"() ({
        %run_scoped3A_551 = tpu.sem_alloc : memref<!tpu.dma_semaphore, #tpu.memory_space<semaphore_mem>>
        %dma_start3A_552 = arith.constant 0 : i32
        %dma_start3A_553 = tpu.memref_slice %arg16[%add3A_546, %dma_start3A_552] : memref<10240x8xf32, #tpu.memory_space<vmem_shared>> -> memref<128x8xf32, #tpu.memory_space<vmem_shared>>
        %dma_start3A_554 = arith.constant 0 : i32
        %dma_start3A_555 = tpu.memref_slice %arg16[%add3A_546, %dma_start3A_554] : memref<10240x8xf32, #tpu.memory_space<vmem_shared>> -> memref<128x8xf32, #tpu.memory_space<vmem_shared>>
        tpu.enqueue_dma source(%dma_start3A_555 : memref<128x8xf32, #tpu.memory_space<vmem_shared>>) target(%arg14 : memref<128x8xf32, #tpu.memory_space<vmem>>) target_semaphore(%run_scoped3A_551 : memref<!tpu.dma_semaphore, #tpu.memory_space<semaphore_mem>>)
        %dma_wait3A_556 = arith.constant 0 : i32
        %dma_wait3A_557 = tpu.memref_slice %arg16[%add3A_546, %dma_wait3A_556] : memref<10240x8xf32, #tpu.memory_space<vmem_shared>> -> memref<128x8xf32, #tpu.memory_space<vmem_shared>>
        %dma_wait3A_558 = arith.constant 0 : i32
        %dma_wait3A_559 = tpu.memref_slice %arg16[%add3A_546, %dma_wait3A_558] : memref<10240x8xf32, #tpu.memory_space<vmem_shared>> -> memref<128x8xf32, #tpu.memory_space<vmem_shared>>
        tpu.wait_dma2 semaphore(%run_scoped3A_551 : memref<!tpu.dma_semaphore, #tpu.memory_space<semaphore_mem>>) src(%dma_wait3A_559 : memref<128x8xf32, #tpu.memory_space<vmem_shared>>) dst(%arg14 : memref<128x8xf32, #tpu.memory_space<vmem>>)
        tpu.yield
      }) : () -> ()
      "tpu.region"() ({
        %run_scoped3A_551 = tpu.sem_alloc : memref<!tpu.dma_semaphore, #tpu.memory_space<semaphore_mem>>
        %dma_start3A_552 = arith.constant 0 : i32
        %dma_start3A_553 = tpu.memref_slice %arg8[%add3A_546, %dma_start3A_552] : memref<10240x8xf32, #tpu.memory_space<hbm>> -> memref<128x8xf32, #tpu.memory_space<hbm>>
        %dma_start3A_554 = arith.constant 0 : i32
        %dma_start3A_555 = tpu.memref_slice %arg8[%add3A_546, %dma_start3A_554] : memref<10240x8xf32, #tpu.memory_space<hbm>> -> memref<128x8xf32, #tpu.memory_space<hbm>>
        tpu.enqueue_dma source(%arg14 : memref<128x8xf32, #tpu.memory_space<vmem>>) target(%dma_start3A_555 : memref<128x8xf32, #tpu.memory_space<hbm>>) target_semaphore(%run_scoped3A_551 : memref<!tpu.dma_semaphore, #tpu.memory_space<semaphore_mem>>)
        %dma_wait3A_556 = arith.constant 0 : i32
        %dma_wait3A_557 = tpu.memref_slice %arg8[%add3A_546, %dma_wait3A_556] : memref<10240x8xf32, #tpu.memory_space<hbm>> -> memref<128x8xf32, #tpu.memory_space<hbm>>
        %dma_wait3A_558 = arith.constant 0 : i32
        %dma_wait3A_559 = tpu.memref_slice %arg8[%add3A_546, %dma_wait3A_558] : memref<10240x8xf32, #tpu.memory_space<hbm>> -> memref<128x8xf32, #tpu.memory_space<hbm>>
        tpu.wait_dma2 semaphore(%run_scoped3A_551 : memref<!tpu.dma_semaphore, #tpu.memory_space<semaphore_mem>>) src(%arg14 : memref<128x8xf32, #tpu.memory_space<vmem>>) dst(%dma_wait3A_559 : memref<128x8xf32, #tpu.memory_space<hbm>>)
        tpu.yield
      }) : () -> ()
      %mul3A_547 = arith.constant 640 : i32
      %mul3A_548 = arith.muli %arg1, %mul3A_547 : i32
      %add3A_549 = arith.constant 512 : i32
      %add3A_550 = arith.addi %mul3A_548, %add3A_549 : i32
      "tpu.region"() ({
        %run_scoped3A_551 = tpu.sem_alloc : memref<!tpu.dma_semaphore, #tpu.memory_space<semaphore_mem>>
        %dma_start3A_552 = arith.constant 0 : i32
        %dma_start3A_553 = tpu.memref_slice %arg16[%add3A_550, %dma_start3A_552] : memref<10240x8xf32, #tpu.memory_space<vmem_shared>> -> memref<128x8xf32, #tpu.memory_space<vmem_shared>>
        %dma_start3A_554 = arith.constant 0 : i32
        %dma_start3A_555 = tpu.memref_slice %arg16[%add3A_550, %dma_start3A_554] : memref<10240x8xf32, #tpu.memory_space<vmem_shared>> -> memref<128x8xf32, #tpu.memory_space<vmem_shared>>
        tpu.enqueue_dma source(%dma_start3A_555 : memref<128x8xf32, #tpu.memory_space<vmem_shared>>) target(%arg14 : memref<128x8xf32, #tpu.memory_space<vmem>>) target_semaphore(%run_scoped3A_551 : memref<!tpu.dma_semaphore, #tpu.memory_space<semaphore_mem>>)
        %dma_wait3A_556 = arith.constant 0 : i32
        %dma_wait3A_557 = tpu.memref_slice %arg16[%add3A_550, %dma_wait3A_556] : memref<10240x8xf32, #tpu.memory_space<vmem_shared>> -> memref<128x8xf32, #tpu.memory_space<vmem_shared>>
        %dma_wait3A_558 = arith.constant 0 : i32
        %dma_wait3A_559 = tpu.memref_slice %arg16[%add3A_550, %dma_wait3A_558] : memref<10240x8xf32, #tpu.memory_space<vmem_shared>> -> memref<128x8xf32, #tpu.memory_space<vmem_shared>>
        tpu.wait_dma2 semaphore(%run_scoped3A_551 : memref<!tpu.dma_semaphore, #tpu.memory_space<semaphore_mem>>) src(%dma_wait3A_559 : memref<128x8xf32, #tpu.memory_space<vmem_shared>>) dst(%arg14 : memref<128x8xf32, #tpu.memory_space<vmem>>)
        tpu.yield
      }) : () -> ()
      "tpu.region"() ({
        %run_scoped3A_551 = tpu.sem_alloc : memref<!tpu.dma_semaphore, #tpu.memory_space<semaphore_mem>>
        %dma_start3A_552 = arith.constant 0 : i32
        %dma_start3A_553 = tpu.memref_slice %arg8[%add3A_550, %dma_start3A_552] : memref<10240x8xf32, #tpu.memory_space<hbm>> -> memref<128x8xf32, #tpu.memory_space<hbm>>
        %dma_start3A_554 = arith.constant 0 : i32
        %dma_start3A_555 = tpu.memref_slice %arg8[%add3A_550, %dma_start3A_554] : memref<10240x8xf32, #tpu.memory_space<hbm>> -> memref<128x8xf32, #tpu.memory_space<hbm>>
        tpu.enqueue_dma source(%arg14 : memref<128x8xf32, #tpu.memory_space<vmem>>) target(%dma_start3A_555 : memref<128x8xf32, #tpu.memory_space<hbm>>) target_semaphore(%run_scoped3A_551 : memref<!tpu.dma_semaphore, #tpu.memory_space<semaphore_mem>>)
        %dma_wait3A_556 = arith.constant 0 : i32
        %dma_wait3A_557 = tpu.memref_slice %arg8[%add3A_550, %dma_wait3A_556] : memref<10240x8xf32, #tpu.memory_space<hbm>> -> memref<128x8xf32, #tpu.memory_space<hbm>>
        %dma_wait3A_558 = arith.constant 0 : i32
        %dma_wait3A_559 = tpu.memref_slice %arg8[%add3A_550, %dma_wait3A_558] : memref<10240x8xf32, #tpu.memory_space<hbm>> -> memref<128x8xf32, #tpu.memory_space<hbm>>
        tpu.wait_dma2 semaphore(%run_scoped3A_551 : memref<!tpu.dma_semaphore, #tpu.memory_space<semaphore_mem>>) src(%arg14 : memref<128x8xf32, #tpu.memory_space<vmem>>) dst(%dma_wait3A_559 : memref<128x8xf32, #tpu.memory_space<hbm>>)
        tpu.yield
      }) : () -> ()
    } else {
    }
    return
  }
}

#map = affine_map<(d0, d1) -> (0, 0, 0)>
#map1 = affine_map<(d0, d1) -> (0, 0, 0, 0)>
#map2 = affine_map<(d0, d1) -> (0, 0)>
module attributes {stable_mosaic.version = 14 : i64} {
  func.func @_sc_agg2_body(%arg0: i32, %arg1: i32, %arg2: memref<2x10000x24xf32, #tpu.memory_space<hbm>>, %arg3: memref<2x16x157x128xi32, #tpu.memory_space<hbm>>, %arg4: memref<128x24xf32, #tpu.memory_space<hbm>>, %arg5: memref<2x10240x24xf32, #tpu.memory_space<hbm>>, %arg6: memref<157x128xi32, #tpu.memory_space<vmem>>, %arg7: memref<157x128xi32, #tpu.memory_space<vmem>>, %arg8: memref<8x128x24xf32, #tpu.memory_space<vmem>>, %arg9: memref<128x24xf32, #tpu.memory_space<vmem>>, %arg10: memref<10240x24xf32, #tpu.memory_space<vmem_shared>>, %arg11: memref<!tpu.dma_semaphore, #tpu.memory_space<semaphore_mem>>, %arg12: memref<!tpu.dma_semaphore, #tpu.memory_space<semaphore_mem>>) attributes {dimension_semantics = [#tpu.dimension_semantics<core_parallel>, #tpu.dimension_semantics<subcore_parallel>], iteration_bounds = array<i64: 2, 16>, scalar_prefetch = 0 : i64, scratch_operands = 7 : i64, tpu.core_type = #tpu.core_type<sc_vector_subcore>, window_params = [{transform_indices = #map}, {transform_indices = #map1}, {transform_indices = #map2}, {transform_indices = #map}]} {
    "tpu.region"() ({
      %run_scoped3A_531 = tpu.sem_alloc : memref<!tpu.dma_semaphore, #tpu.memory_space<semaphore_mem>>
      tpu.enqueue_dma source(%arg4 : memref<128x24xf32, #tpu.memory_space<hbm>>) target(%arg9 : memref<128x24xf32, #tpu.memory_space<vmem>>) target_semaphore(%run_scoped3A_531 : memref<!tpu.dma_semaphore, #tpu.memory_space<semaphore_mem>>)
      tpu.wait_dma2 semaphore(%run_scoped3A_531 : memref<!tpu.dma_semaphore, #tpu.memory_space<semaphore_mem>>) src(%arg4 : memref<128x24xf32, #tpu.memory_space<hbm>>) dst(%arg9 : memref<128x24xf32, #tpu.memory_space<vmem>>)
      tpu.yield
    }) : () -> ()
    %run_scoped3A = arith.constant 0 : i32
    "tpu.region"() ({
      %run_scoped3A_531 = tpu.sem_alloc : memref<!tpu.dma_semaphore, #tpu.memory_space<semaphore_mem>>
      %dma_start3A_532 = arith.constant 0 : i32
      %dma_start3A_533 = arith.constant 0 : i32
      %dma_start3A_534 = tpu.memref_slice %arg3[%run_scoped3A, %arg1, %dma_start3A_532, %dma_start3A_533] : memref<2x16x157x128xi32, #tpu.memory_space<hbm>> -> memref<1x1x157x128xi32, #tpu.memory_space<hbm>>
      %dma_start3A_535 = tpu.memref_squeeze %dma_start3A_534 : memref<1x1x157x128xi32, #tpu.memory_space<hbm>> -> memref<157x128xi32, #tpu.memory_space<hbm>>
      %dma_start3A_536 = arith.constant 0 : i32
      %dma_start3A_537 = arith.constant 0 : i32
      %dma_start3A_538 = tpu.memref_slice %arg3[%run_scoped3A, %arg1, %dma_start3A_536, %dma_start3A_537] : memref<2x16x157x128xi32, #tpu.memory_space<hbm>> -> memref<1x1x157x128xi32, #tpu.memory_space<hbm>>
      %dma_start3A_539 = tpu.memref_squeeze %dma_start3A_538 : memref<1x1x157x128xi32, #tpu.memory_space<hbm>> -> memref<157x128xi32, #tpu.memory_space<hbm>>
      tpu.enqueue_dma source(%dma_start3A_539 : memref<157x128xi32, #tpu.memory_space<hbm>>) target(%arg6 : memref<157x128xi32, #tpu.memory_space<vmem>>) target_semaphore(%run_scoped3A_531 : memref<!tpu.dma_semaphore, #tpu.memory_space<semaphore_mem>>)
      %dma_wait3A_540 = arith.constant 0 : i32
      %dma_wait3A_541 = arith.constant 0 : i32
      %dma_wait3A_542 = tpu.memref_slice %arg3[%run_scoped3A, %arg1, %dma_wait3A_540, %dma_wait3A_541] : memref<2x16x157x128xi32, #tpu.memory_space<hbm>> -> memref<1x1x157x128xi32, #tpu.memory_space<hbm>>
      %dma_wait3A_543 = tpu.memref_squeeze %dma_wait3A_542 : memref<1x1x157x128xi32, #tpu.memory_space<hbm>> -> memref<157x128xi32, #tpu.memory_space<hbm>>
      %dma_wait3A_544 = arith.constant 0 : i32
      %dma_wait3A_545 = arith.constant 0 : i32
      %dma_wait3A_546 = tpu.memref_slice %arg3[%run_scoped3A, %arg1, %dma_wait3A_544, %dma_wait3A_545] : memref<2x16x157x128xi32, #tpu.memory_space<hbm>> -> memref<1x1x157x128xi32, #tpu.memory_space<hbm>>
      %dma_wait3A_547 = tpu.memref_squeeze %dma_wait3A_546 : memref<1x1x157x128xi32, #tpu.memory_space<hbm>> -> memref<157x128xi32, #tpu.memory_space<hbm>>
      tpu.wait_dma2 semaphore(%run_scoped3A_531 : memref<!tpu.dma_semaphore, #tpu.memory_space<semaphore_mem>>) src(%dma_wait3A_547 : memref<157x128xi32, #tpu.memory_space<hbm>>) dst(%arg6 : memref<157x128xi32, #tpu.memory_space<vmem>>)
      tpu.yield
    }) : () -> ()
    %run_scoped3A_0 = arith.constant 1 : i32
    "tpu.region"() ({
      %run_scoped3A_531 = tpu.sem_alloc : memref<!tpu.dma_semaphore, #tpu.memory_space<semaphore_mem>>
      %dma_start3A_532 = arith.constant 0 : i32
      %dma_start3A_533 = arith.constant 0 : i32
      %dma_start3A_534 = tpu.memref_slice %arg3[%run_scoped3A_0, %arg1, %dma_start3A_532, %dma_start3A_533] : memref<2x16x157x128xi32, #tpu.memory_space<hbm>> -> memref<1x1x157x128xi32, #tpu.memory_space<hbm>>
      %dma_start3A_535 = tpu.memref_squeeze %dma_start3A_534 : memref<1x1x157x128xi32, #tpu.memory_space<hbm>> -> memref<157x128xi32, #tpu.memory_space<hbm>>
      %dma_start3A_536 = arith.constant 0 : i32
      %dma_start3A_537 = arith.constant 0 : i32
      %dma_start3A_538 = tpu.memref_slice %arg3[%run_scoped3A_0, %arg1, %dma_start3A_536, %dma_start3A_537] : memref<2x16x157x128xi32, #tpu.memory_space<hbm>> -> memref<1x1x157x128xi32, #tpu.memory_space<hbm>>
      %dma_start3A_539 = tpu.memref_squeeze %dma_start3A_538 : memref<1x1x157x128xi32, #tpu.memory_space<hbm>> -> memref<157x128xi32, #tpu.memory_space<hbm>>
      tpu.enqueue_dma source(%dma_start3A_539 : memref<157x128xi32, #tpu.memory_space<hbm>>) target(%arg7 : memref<157x128xi32, #tpu.memory_space<vmem>>) target_semaphore(%run_scoped3A_531 : memref<!tpu.dma_semaphore, #tpu.memory_space<semaphore_mem>>)
      %dma_wait3A_540 = arith.constant 0 : i32
      %dma_wait3A_541 = arith.constant 0 : i32
      %dma_wait3A_542 = tpu.memref_slice %arg3[%run_scoped3A_0, %arg1, %dma_wait3A_540, %dma_wait3A_541] : memref<2x16x157x128xi32, #tpu.memory_space<hbm>> -> memref<1x1x157x128xi32, #tpu.memory_space<hbm>>
      %dma_wait3A_543 = tpu.memref_squeeze %dma_wait3A_542 : memref<1x1x157x128xi32, #tpu.memory_space<hbm>> -> memref<157x128xi32, #tpu.memory_space<hbm>>
      %dma_wait3A_544 = arith.constant 0 : i32
      %dma_wait3A_545 = arith.constant 0 : i32
      %dma_wait3A_546 = tpu.memref_slice %arg3[%run_scoped3A_0, %arg1, %dma_wait3A_544, %dma_wait3A_545] : memref<2x16x157x128xi32, #tpu.memory_space<hbm>> -> memref<1x1x157x128xi32, #tpu.memory_space<hbm>>
      %dma_wait3A_547 = tpu.memref_squeeze %dma_wait3A_546 : memref<1x1x157x128xi32, #tpu.memory_space<hbm>> -> memref<157x128xi32, #tpu.memory_space<hbm>>
      tpu.wait_dma2 semaphore(%run_scoped3A_531 : memref<!tpu.dma_semaphore, #tpu.memory_space<semaphore_mem>>) src(%dma_wait3A_547 : memref<157x128xi32, #tpu.memory_space<hbm>>) dst(%arg7 : memref<157x128xi32, #tpu.memory_space<vmem>>)
      tpu.yield
    }) : () -> ()
    %broadcast_in_dim3A = arith.constant 10016 : i32
    %broadcast_in_dim3A_1 = vector.broadcast %broadcast_in_dim3A : i32 to vector<16xi32>
    %swap3A = arith.constant 156 : i32
    %swap3A_2 = arith.index_cast %swap3A : i32 to index
    %swap3A_3 = arith.constant 32 : index
    %swap3A_4 = tpu.vector_load %arg7[%swap3A_2, %swap3A_3] {strides = array<i32>} : memref<157x128xi32, #tpu.memory_space<vmem>>, vector<1x16xi32>,
    %swap3A_5 = vector.shape_cast %swap3A_4 : vector<1x16xi32> to vector<16xi32>
    %swap3A_6 = vector.shape_cast %broadcast_in_dim3A_1 : vector<16xi32> to vector<1x16xi32>
    tpu.vector_store %arg7[%swap3A_2, %swap3A_3], %swap3A_6 {strides = array<i32>} : memref<157x128xi32, #tpu.memory_space<vmem>>, vector<1x16xi32>,
    %swap3A_7 = arith.constant 156 : i32
    %swap3A_8 = arith.index_cast %swap3A_7 : i32 to index
    %swap3A_9 = arith.constant 48 : index
    %swap3A_10 = tpu.vector_load %arg7[%swap3A_8, %swap3A_9] {strides = array<i32>} : memref<157x128xi32, #tpu.memory_space<vmem>>, vector<1x16xi32>,
    %swap3A_11 = vector.shape_cast %swap3A_10 : vector<1x16xi32> to vector<16xi32>
    %swap3A_12 = vector.shape_cast %broadcast_in_dim3A_1 : vector<16xi32> to vector<1x16xi32>
    tpu.vector_store %arg7[%swap3A_8, %swap3A_9], %swap3A_12 {strides = array<i32>} : memref<157x128xi32, #tpu.memory_space<vmem>>, vector<1x16xi32>,
    %swap3A_13 = arith.constant 156 : i32
    %swap3A_14 = arith.index_cast %swap3A_13 : i32 to index
    %swap3A_15 = arith.constant 64 : index
    %swap3A_16 = tpu.vector_load %arg7[%swap3A_14, %swap3A_15] {strides = array<i32>} : memref<157x128xi32, #tpu.memory_space<vmem>>, vector<1x16xi32>,
    %swap3A_17 = vector.shape_cast %swap3A_16 : vector<1x16xi32> to vector<16xi32>
    %swap3A_18 = vector.shape_cast %broadcast_in_dim3A_1 : vector<16xi32> to vector<1x16xi32>
    tpu.vector_store %arg7[%swap3A_14, %swap3A_15], %swap3A_18 {strides = array<i32>} : memref<157x128xi32, #tpu.memory_space<vmem>>, vector<1x16xi32>,
    %swap3A_19 = arith.constant 156 : i32
    %swap3A_20 = arith.index_cast %swap3A_19 : i32 to index
    %swap3A_21 = arith.constant 80 : index
    %swap3A_22 = tpu.vector_load %arg7[%swap3A_20, %swap3A_21] {strides = array<i32>} : memref<157x128xi32, #tpu.memory_space<vmem>>, vector<1x16xi32>,
    %swap3A_23 = vector.shape_cast %swap3A_22 : vector<1x16xi32> to vector<16xi32>
    %swap3A_24 = vector.shape_cast %broadcast_in_dim3A_1 : vector<16xi32> to vector<1x16xi32>
    tpu.vector_store %arg7[%swap3A_20, %swap3A_21], %swap3A_24 {strides = array<i32>} : memref<157x128xi32, #tpu.memory_space<vmem>>, vector<1x16xi32>,
    %swap3A_25 = arith.constant 156 : i32
    %swap3A_26 = arith.index_cast %swap3A_25 : i32 to index
    %swap3A_27 = arith.constant 96 : index
    %swap3A_28 = tpu.vector_load %arg7[%swap3A_26, %swap3A_27] {strides = array<i32>} : memref<157x128xi32, #tpu.memory_space<vmem>>, vector<1x16xi32>,
    %swap3A_29 = vector.shape_cast %swap3A_28 : vector<1x16xi32> to vector<16xi32>
    %swap3A_30 = vector.shape_cast %broadcast_in_dim3A_1 : vector<16xi32> to vector<1x16xi32>
    tpu.vector_store %arg7[%swap3A_26, %swap3A_27], %swap3A_30 {strides = array<i32>} : memref<157x128xi32, #tpu.memory_space<vmem>>, vector<1x16xi32>,
    %swap3A_31 = arith.constant 156 : i32
    %swap3A_32 = arith.index_cast %swap3A_31 : i32 to index
    %swap3A_33 = arith.constant 112 : index
    %swap3A_34 = tpu.vector_load %arg7[%swap3A_32, %swap3A_33] {strides = array<i32>} : memref<157x128xi32, #tpu.memory_space<vmem>>, vector<1x16xi32>,
    %swap3A_35 = vector.shape_cast %swap3A_34 : vector<1x16xi32> to vector<16xi32>
    %swap3A_36 = vector.shape_cast %broadcast_in_dim3A_1 : vector<16xi32> to vector<1x16xi32>
    tpu.vector_store %arg7[%swap3A_32, %swap3A_33], %swap3A_36 {strides = array<i32>} : memref<157x128xi32, #tpu.memory_space<vmem>>, vector<1x16xi32>,
    %mul3A = arith.constant 640 : i32
    %mul3A_37 = arith.muli %arg1, %mul3A : i32
    %add3A = arith.constant 0 : i32
    %add3A_38 = arith.addi %mul3A_37, %add3A : i32
    %dma_start3A = arith.constant 0 : i32
    %dma_start3A_39 = tpu.memref_slice %arg10[%add3A_38, %dma_start3A] : memref<10240x24xf32, #tpu.memory_space<vmem_shared>> -> memref<128x24xf32, #tpu.memory_space<vmem_shared>>
    %dma_start3A_40 = arith.constant 0 : i32
    %dma_start3A_41 = tpu.memref_slice %arg10[%add3A_38, %dma_start3A_40] : memref<10240x24xf32, #tpu.memory_space<vmem_shared>> -> memref<128x24xf32, #tpu.memory_space<vmem_shared>>
    tpu.enqueue_dma source(%arg9 : memref<128x24xf32, #tpu.memory_space<vmem>>) target(%dma_start3A_41 : memref<128x24xf32, #tpu.memory_space<vmem_shared>>) target_semaphore(%arg11 : memref<!tpu.dma_semaphore, #tpu.memory_space<semaphore_mem>>)
    %mul3A_42 = arith.constant 640 : i32
    %mul3A_43 = arith.muli %arg1, %mul3A_42 : i32
    %add3A_44 = arith.constant 128 : i32
    %add3A_45 = arith.addi %mul3A_43, %add3A_44 : i32
    %dma_start3A_46 = arith.constant 0 : i32
    %dma_start3A_47 = tpu.memref_slice %arg10[%add3A_45, %dma_start3A_46] : memref<10240x24xf32, #tpu.memory_space<vmem_shared>> -> memref<128x24xf32, #tpu.memory_space<vmem_shared>>
    %dma_start3A_48 = arith.constant 0 : i32
    %dma_start3A_49 = tpu.memref_slice %arg10[%add3A_45, %dma_start3A_48] : memref<10240x24xf32, #tpu.memory_space<vmem_shared>> -> memref<128x24xf32, #tpu.memory_space<vmem_shared>>
    tpu.enqueue_dma source(%arg9 : memref<128x24xf32, #tpu.memory_space<vmem>>) target(%dma_start3A_49 : memref<128x24xf32, #tpu.memory_space<vmem_shared>>) target_semaphore(%arg11 : memref<!tpu.dma_semaphore, #tpu.memory_space<semaphore_mem>>)
    %mul3A_50 = arith.constant 640 : i32
    %mul3A_51 = arith.muli %arg1, %mul3A_50 : i32
    %add3A_52 = arith.constant 256 : i32
    %add3A_53 = arith.addi %mul3A_51, %add3A_52 : i32
    %dma_start3A_54 = arith.constant 0 : i32
    %dma_start3A_55 = tpu.memref_slice %arg10[%add3A_53, %dma_start3A_54] : memref<10240x24xf32, #tpu.memory_space<vmem_shared>> -> memref<128x24xf32, #tpu.memory_space<vmem_shared>>
    %dma_start3A_56 = arith.constant 0 : i32
    %dma_start3A_57 = tpu.memref_slice %arg10[%add3A_53, %dma_start3A_56] : memref<10240x24xf32, #tpu.memory_space<vmem_shared>> -> memref<128x24xf32, #tpu.memory_space<vmem_shared>>
    tpu.enqueue_dma source(%arg9 : memref<128x24xf32, #tpu.memory_space<vmem>>) target(%dma_start3A_57 : memref<128x24xf32, #tpu.memory_space<vmem_shared>>) target_semaphore(%arg11 : memref<!tpu.dma_semaphore, #tpu.memory_space<semaphore_mem>>)
    %mul3A_58 = arith.constant 640 : i32
    %mul3A_59 = arith.muli %arg1, %mul3A_58 : i32
    %add3A_60 = arith.constant 384 : i32
    %add3A_61 = arith.addi %mul3A_59, %add3A_60 : i32
    %dma_start3A_62 = arith.constant 0 : i32
    %dma_start3A_63 = tpu.memref_slice %arg10[%add3A_61, %dma_start3A_62] : memref<10240x24xf32, #tpu.memory_space<vmem_shared>> -> memref<128x24xf32, #tpu.memory_space<vmem_shared>>
    %dma_start3A_64 = arith.constant 0 : i32
    %dma_start3A_65 = tpu.memref_slice %arg10[%add3A_61, %dma_start3A_64] : memref<10240x24xf32, #tpu.memory_space<vmem_shared>> -> memref<128x24xf32, #tpu.memory_space<vmem_shared>>
    tpu.enqueue_dma source(%arg9 : memref<128x24xf32, #tpu.memory_space<vmem>>) target(%dma_start3A_65 : memref<128x24xf32, #tpu.memory_space<vmem_shared>>) target_semaphore(%arg11 : memref<!tpu.dma_semaphore, #tpu.memory_space<semaphore_mem>>)
    %mul3A_66 = arith.constant 640 : i32
    %mul3A_67 = arith.muli %arg1, %mul3A_66 : i32
    %add3A_68 = arith.constant 512 : i32
    %add3A_69 = arith.addi %mul3A_67, %add3A_68 : i32
    %dma_start3A_70 = arith.constant 0 : i32
    %dma_start3A_71 = tpu.memref_slice %arg10[%add3A_69, %dma_start3A_70] : memref<10240x24xf32, #tpu.memory_space<vmem_shared>> -> memref<128x24xf32, #tpu.memory_space<vmem_shared>>
    %dma_start3A_72 = arith.constant 0 : i32
    %dma_start3A_73 = tpu.memref_slice %arg10[%add3A_69, %dma_start3A_72] : memref<10240x24xf32, #tpu.memory_space<vmem_shared>> -> memref<128x24xf32, #tpu.memory_space<vmem_shared>>
    tpu.enqueue_dma source(%arg9 : memref<128x24xf32, #tpu.memory_space<vmem>>) target(%dma_start3A_73 : memref<128x24xf32, #tpu.memory_space<vmem_shared>>) target_semaphore(%arg11 : memref<!tpu.dma_semaphore, #tpu.memory_space<semaphore_mem>>)
    %mul3A_74 = arith.constant 640 : i32
    %mul3A_75 = arith.muli %arg1, %mul3A_74 : i32
    %add3A_76 = arith.constant 0 : i32
    %add3A_77 = arith.addi %mul3A_75, %add3A_76 : i32
    %dma_wait3A = arith.constant 0 : i32
    %dma_wait3A_78 = tpu.memref_slice %arg10[%add3A_77, %dma_wait3A] : memref<10240x24xf32, #tpu.memory_space<vmem_shared>> -> memref<128x24xf32, #tpu.memory_space<vmem_shared>>
    %dma_wait3A_79 = arith.constant 0 : i32
    %dma_wait3A_80 = tpu.memref_slice %arg10[%add3A_77, %dma_wait3A_79] : memref<10240x24xf32, #tpu.memory_space<vmem_shared>> -> memref<128x24xf32, #tpu.memory_space<vmem_shared>>
    tpu.wait_dma2 semaphore(%arg11 : memref<!tpu.dma_semaphore, #tpu.memory_space<semaphore_mem>>) src(%arg9 : memref<128x24xf32, #tpu.memory_space<vmem>>) dst(%dma_wait3A_80 : memref<128x24xf32, #tpu.memory_space<vmem_shared>>)
    %mul3A_81 = arith.constant 640 : i32
    %mul3A_82 = arith.muli %arg1, %mul3A_81 : i32
    %add3A_83 = arith.constant 128 : i32
    %add3A_84 = arith.addi %mul3A_82, %add3A_83 : i32
    %dma_wait3A_85 = arith.constant 0 : i32
    %dma_wait3A_86 = tpu.memref_slice %arg10[%add3A_84, %dma_wait3A_85] : memref<10240x24xf32, #tpu.memory_space<vmem_shared>> -> memref<128x24xf32, #tpu.memory_space<vmem_shared>>
    %dma_wait3A_87 = arith.constant 0 : i32
    %dma_wait3A_88 = tpu.memref_slice %arg10[%add3A_84, %dma_wait3A_87] : memref<10240x24xf32, #tpu.memory_space<vmem_shared>> -> memref<128x24xf32, #tpu.memory_space<vmem_shared>>
    tpu.wait_dma2 semaphore(%arg11 : memref<!tpu.dma_semaphore, #tpu.memory_space<semaphore_mem>>) src(%arg9 : memref<128x24xf32, #tpu.memory_space<vmem>>) dst(%dma_wait3A_88 : memref<128x24xf32, #tpu.memory_space<vmem_shared>>)
    %mul3A_89 = arith.constant 640 : i32
    %mul3A_90 = arith.muli %arg1, %mul3A_89 : i32
    %add3A_91 = arith.constant 256 : i32
    %add3A_92 = arith.addi %mul3A_90, %add3A_91 : i32
    %dma_wait3A_93 = arith.constant 0 : i32
    %dma_wait3A_94 = tpu.memref_slice %arg10[%add3A_92, %dma_wait3A_93] : memref<10240x24xf32, #tpu.memory_space<vmem_shared>> -> memref<128x24xf32, #tpu.memory_space<vmem_shared>>
    %dma_wait3A_95 = arith.constant 0 : i32
    %dma_wait3A_96 = tpu.memref_slice %arg10[%add3A_92, %dma_wait3A_95] : memref<10240x24xf32, #tpu.memory_space<vmem_shared>> -> memref<128x24xf32, #tpu.memory_space<vmem_shared>>
    tpu.wait_dma2 semaphore(%arg11 : memref<!tpu.dma_semaphore, #tpu.memory_space<semaphore_mem>>) src(%arg9 : memref<128x24xf32, #tpu.memory_space<vmem>>) dst(%dma_wait3A_96 : memref<128x24xf32, #tpu.memory_space<vmem_shared>>)
    %mul3A_97 = arith.constant 640 : i32
    %mul3A_98 = arith.muli %arg1, %mul3A_97 : i32
    %add3A_99 = arith.constant 384 : i32
    %add3A_100 = arith.addi %mul3A_98, %add3A_99 : i32
    %dma_wait3A_101 = arith.constant 0 : i32
    %dma_wait3A_102 = tpu.memref_slice %arg10[%add3A_100, %dma_wait3A_101] : memref<10240x24xf32, #tpu.memory_space<vmem_shared>> -> memref<128x24xf32, #tpu.memory_space<vmem_shared>>
    %dma_wait3A_103 = arith.constant 0 : i32
    %dma_wait3A_104 = tpu.memref_slice %arg10[%add3A_100, %dma_wait3A_103] : memref<10240x24xf32, #tpu.memory_space<vmem_shared>> -> memref<128x24xf32, #tpu.memory_space<vmem_shared>>
    tpu.wait_dma2 semaphore(%arg11 : memref<!tpu.dma_semaphore, #tpu.memory_space<semaphore_mem>>) src(%arg9 : memref<128x24xf32, #tpu.memory_space<vmem>>) dst(%dma_wait3A_104 : memref<128x24xf32, #tpu.memory_space<vmem_shared>>)
    %mul3A_105 = arith.constant 640 : i32
    %mul3A_106 = arith.muli %arg1, %mul3A_105 : i32
    %add3A_107 = arith.constant 512 : i32
    %add3A_108 = arith.addi %mul3A_106, %add3A_107 : i32
    %dma_wait3A_109 = arith.constant 0 : i32
    %dma_wait3A_110 = tpu.memref_slice %arg10[%add3A_108, %dma_wait3A_109] : memref<10240x24xf32, #tpu.memory_space<vmem_shared>> -> memref<128x24xf32, #tpu.memory_space<vmem_shared>>
    %dma_wait3A_111 = arith.constant 0 : i32
    %dma_wait3A_112 = tpu.memref_slice %arg10[%add3A_108, %dma_wait3A_111] : memref<10240x24xf32, #tpu.memory_space<vmem_shared>> -> memref<128x24xf32, #tpu.memory_space<vmem_shared>>
    tpu.wait_dma2 semaphore(%arg11 : memref<!tpu.dma_semaphore, #tpu.memory_space<semaphore_mem>>) src(%arg9 : memref<128x24xf32, #tpu.memory_space<vmem>>) dst(%dma_wait3A_112 : memref<128x24xf32, #tpu.memory_space<vmem_shared>>)
    %barrier3A = arith.constant 0 : index
    tpu.barrier barrier_id(%barrier3A)
    %dma_start3A_113 = arith.constant 0 : i32
    %dma_start3A_114 = arith.constant 0 : i32
    %dma_start3A_115 = arith.constant 0 : i32
    %dma_start3A_116 = arith.constant 0 : i32
    %dma_start3A_117 = tpu.memref_slice %arg8[%dma_start3A_114, %dma_start3A_115, %dma_start3A_116] : memref<8x128x24xf32, #tpu.memory_space<vmem>> -> memref<1x128x24xf32, #tpu.memory_space<vmem>>
    %dma_start3A_118 = tpu.memref_squeeze %dma_start3A_117 : memref<1x128x24xf32, #tpu.memory_space<vmem>> -> memref<128x24xf32, #tpu.memory_space<vmem>>
    %dma_start3A_119 = arith.constant 0 : i32
    %dma_start3A_120 = tpu.memref_slice %arg6[%dma_start3A_113, %dma_start3A_119] : memref<157x128xi32, #tpu.memory_space<vmem>> -> memref<1x128xi32, #tpu.memory_space<vmem>>
    %dma_start3A_121 = tpu.memref_squeeze %dma_start3A_120 : memref<1x128xi32, #tpu.memory_space<vmem>> -> memref<128xi32, #tpu.memory_space<vmem>>
    %dma_start3A_122 = arith.constant 0 : i32
    %dma_start3A_123 = arith.constant 0 : i32
    %dma_start3A_124 = tpu.memref_slice %arg2[%arg0, %dma_start3A_122, %dma_start3A_123] : memref<2x10000x24xf32, #tpu.memory_space<hbm>> -> memref<1x10000x24xf32, #tpu.memory_space<hbm>>
    %dma_start3A_125 = tpu.memref_squeeze %dma_start3A_124 : memref<1x10000x24xf32, #tpu.memory_space<hbm>> -> memref<10000x24xf32, #tpu.memory_space<hbm>>
    %dma_start3A_126 = arith.constant 0 : i32
    %dma_start3A_127 = arith.constant 0 : i32
    %dma_start3A_128 = tpu.memref_slice %dma_start3A_125[%dma_start3A_126, %dma_start3A_127] : memref<10000x24xf32, #tpu.memory_space<hbm>> -> memref<10000x24xf32, #tpu.memory_space<hbm>>
    tpu.enqueue_indirect_dma source(%dma_start3A_128 : memref<10000x24xf32, #tpu.memory_space<hbm>>) target(%dma_start3A_118 : memref<128x24xf32, #tpu.memory_space<vmem>>) offsets(%dma_start3A_121 : memref<128xi32, #tpu.memory_space<vmem>>) semaphore(%arg11 : memref<!tpu.dma_semaphore, #tpu.memory_space<semaphore_mem>>)
    %dma_start3A_129 = arith.constant 1 : i32
    %dma_start3A_130 = arith.constant 1 : i32
    %dma_start3A_131 = arith.constant 0 : i32
    %dma_start3A_132 = arith.constant 0 : i32
    %dma_start3A_133 = tpu.memref_slice %arg8[%dma_start3A_130, %dma_start3A_131, %dma_start3A_132] : memref<8x128x24xf32, #tpu.memory_space<vmem>> -> memref<1x128x24xf32, #tpu.memory_space<vmem>>
    %dma_start3A_134 = tpu.memref_squeeze %dma_start3A_133 : memref<1x128x24xf32, #tpu.memory_space<vmem>> -> memref<128x24xf32, #tpu.memory_space<vmem>>
    %dma_start3A_135 = arith.constant 0 : i32
    %dma_start3A_136 = tpu.memref_slice %arg6[%dma_start3A_129, %dma_start3A_135] : memref<157x128xi32, #tpu.memory_space<vmem>> -> memref<1x128xi32, #tpu.memory_space<vmem>>
    %dma_start3A_137 = tpu.memref_squeeze %dma_start3A_136 : memref<1x128xi32, #tpu.memory_space<vmem>> -> memref<128xi32, #tpu.memory_space<vmem>>
    %dma_start3A_138 = arith.constant 0 : i32
    %dma_start3A_139 = arith.constant 0 : i32
    %dma_start3A_140 = tpu.memref_slice %arg2[%arg0, %dma_start3A_138, %dma_start3A_139] : memref<2x10000x24xf32, #tpu.memory_space<hbm>> -> memref<1x10000x24xf32, #tpu.memory_space<hbm>>
    %dma_start3A_141 = tpu.memref_squeeze %dma_start3A_140 : memref<1x10000x24xf32, #tpu.memory_space<hbm>> -> memref<10000x24xf32, #tpu.memory_space<hbm>>
    %dma_start3A_142 = arith.constant 0 : i32
    %dma_start3A_143 = arith.constant 0 : i32
    %dma_start3A_144 = tpu.memref_slice %dma_start3A_141[%dma_start3A_142, %dma_start3A_143] : memref<10000x24xf32, #tpu.memory_space<hbm>> -> memref<10000x24xf32, #tpu.memory_space<hbm>>
    tpu.enqueue_indirect_dma source(%dma_start3A_144 : memref<10000x24xf32, #tpu.memory_space<hbm>>) target(%dma_start3A_134 : memref<128x24xf32, #tpu.memory_space<vmem>>) offsets(%dma_start3A_137 : memref<128xi32, #tpu.memory_space<vmem>>) semaphore(%arg11 : memref<!tpu.dma_semaphore, #tpu.memory_space<semaphore_mem>>)
    %dma_start3A_145 = arith.constant 2 : i32
    %dma_start3A_146 = arith.constant 2 : i32
    %dma_start3A_147 = arith.constant 0 : i32
    %dma_start3A_148 = arith.constant 0 : i32
    %dma_start3A_149 = tpu.memref_slice %arg8[%dma_start3A_146, %dma_start3A_147, %dma_start3A_148] : memref<8x128x24xf32, #tpu.memory_space<vmem>> -> memref<1x128x24xf32, #tpu.memory_space<vmem>>
    %dma_start3A_150 = tpu.memref_squeeze %dma_start3A_149 : memref<1x128x24xf32, #tpu.memory_space<vmem>> -> memref<128x24xf32, #tpu.memory_space<vmem>>
    %dma_start3A_151 = arith.constant 0 : i32
    %dma_start3A_152 = tpu.memref_slice %arg6[%dma_start3A_145, %dma_start3A_151] : memref<157x128xi32, #tpu.memory_space<vmem>> -> memref<1x128xi32, #tpu.memory_space<vmem>>
    %dma_start3A_153 = tpu.memref_squeeze %dma_start3A_152 : memref<1x128xi32, #tpu.memory_space<vmem>> -> memref<128xi32, #tpu.memory_space<vmem>>
    %dma_start3A_154 = arith.constant 0 : i32
    %dma_start3A_155 = arith.constant 0 : i32
    %dma_start3A_156 = tpu.memref_slice %arg2[%arg0, %dma_start3A_154, %dma_start3A_155] : memref<2x10000x24xf32, #tpu.memory_space<hbm>> -> memref<1x10000x24xf32, #tpu.memory_space<hbm>>
    %dma_start3A_157 = tpu.memref_squeeze %dma_start3A_156 : memref<1x10000x24xf32, #tpu.memory_space<hbm>> -> memref<10000x24xf32, #tpu.memory_space<hbm>>
    %dma_start3A_158 = arith.constant 0 : i32
    %dma_start3A_159 = arith.constant 0 : i32
    %dma_start3A_160 = tpu.memref_slice %dma_start3A_157[%dma_start3A_158, %dma_start3A_159] : memref<10000x24xf32, #tpu.memory_space<hbm>> -> memref<10000x24xf32, #tpu.memory_space<hbm>>
    tpu.enqueue_indirect_dma source(%dma_start3A_160 : memref<10000x24xf32, #tpu.memory_space<hbm>>) target(%dma_start3A_150 : memref<128x24xf32, #tpu.memory_space<vmem>>) offsets(%dma_start3A_153 : memref<128xi32, #tpu.memory_space<vmem>>) semaphore(%arg11 : memref<!tpu.dma_semaphore, #tpu.memory_space<semaphore_mem>>)
    %dma_start3A_161 = arith.constant 3 : i32
    %dma_start3A_162 = arith.constant 3 : i32
    %dma_start3A_163 = arith.constant 0 : i32
    %dma_start3A_164 = arith.constant 0 : i32
    %dma_start3A_165 = tpu.memref_slice %arg8[%dma_start3A_162, %dma_start3A_163, %dma_start3A_164] : memref<8x128x24xf32, #tpu.memory_space<vmem>> -> memref<1x128x24xf32, #tpu.memory_space<vmem>>
    %dma_start3A_166 = tpu.memref_squeeze %dma_start3A_165 : memref<1x128x24xf32, #tpu.memory_space<vmem>> -> memref<128x24xf32, #tpu.memory_space<vmem>>
    %dma_start3A_167 = arith.constant 0 : i32
    %dma_start3A_168 = tpu.memref_slice %arg6[%dma_start3A_161, %dma_start3A_167] : memref<157x128xi32, #tpu.memory_space<vmem>> -> memref<1x128xi32, #tpu.memory_space<vmem>>
    %dma_start3A_169 = tpu.memref_squeeze %dma_start3A_168 : memref<1x128xi32, #tpu.memory_space<vmem>> -> memref<128xi32, #tpu.memory_space<vmem>>
    %dma_start3A_170 = arith.constant 0 : i32
    %dma_start3A_171 = arith.constant 0 : i32
    %dma_start3A_172 = tpu.memref_slice %arg2[%arg0, %dma_start3A_170, %dma_start3A_171] : memref<2x10000x24xf32, #tpu.memory_space<hbm>> -> memref<1x10000x24xf32, #tpu.memory_space<hbm>>
    %dma_start3A_173 = tpu.memref_squeeze %dma_start3A_172 : memref<1x10000x24xf32, #tpu.memory_space<hbm>> -> memref<10000x24xf32, #tpu.memory_space<hbm>>
    %dma_start3A_174 = arith.constant 0 : i32
    %dma_start3A_175 = arith.constant 0 : i32
    %dma_start3A_176 = tpu.memref_slice %dma_start3A_173[%dma_start3A_174, %dma_start3A_175] : memref<10000x24xf32, #tpu.memory_space<hbm>> -> memref<10000x24xf32, #tpu.memory_space<hbm>>
    tpu.enqueue_indirect_dma source(%dma_start3A_176 : memref<10000x24xf32, #tpu.memory_space<hbm>>) target(%dma_start3A_166 : memref<128x24xf32, #tpu.memory_space<vmem>>) offsets(%dma_start3A_169 : memref<128xi32, #tpu.memory_space<vmem>>) semaphore(%arg11 : memref<!tpu.dma_semaphore, #tpu.memory_space<semaphore_mem>>)
    %scan3A = arith.constant 0 : i32
    %scan3A_177 = arith.constant 0 : i32
    %scan3A_178 = arith.constant 157 : i32
    %scan3A_179 = arith.addi %scan3A_177, %scan3A_178 : i32
    %scan3A_180 = arith.constant 1 : i32
    scf.for %scan3A_531 = %scan3A_177 to %scan3A_179 step %scan3A_180  : i32 {
      %rem3A = arith.constant 8 : i32
      %rem3A_532 = arith.remsi %scan3A_531, %rem3A : i32
      %add3A_533 = arith.constant 4 : i32
      %add3A_534 = arith.addi %scan3A_531, %add3A_533 : i32
      %rem3A_535 = arith.constant 8 : i32
      %rem3A_536 = arith.remsi %add3A_534, %rem3A_535 : i32
      %dma_wait3A_537 = arith.constant 0 : i32
      %dma_wait3A_538 = arith.constant 0 : i32
      %dma_wait3A_539 = tpu.memref_slice %arg8[%rem3A_532, %dma_wait3A_537, %dma_wait3A_538] : memref<8x128x24xf32, #tpu.memory_space<vmem>> -> memref<1x128x24xf32, #tpu.memory_space<vmem>>
      %dma_wait3A_540 = tpu.memref_squeeze %dma_wait3A_539 : memref<1x128x24xf32, #tpu.memory_space<vmem>> -> memref<128x24xf32, #tpu.memory_space<vmem>>
      %dma_wait3A_541 = arith.constant 0 : i32
      %dma_wait3A_542 = tpu.memref_slice %arg6[%scan3A_531, %dma_wait3A_541] : memref<157x128xi32, #tpu.memory_space<vmem>> -> memref<1x128xi32, #tpu.memory_space<vmem>>
      %dma_wait3A_543 = tpu.memref_squeeze %dma_wait3A_542 : memref<1x128xi32, #tpu.memory_space<vmem>> -> memref<128xi32, #tpu.memory_space<vmem>>
      %dma_wait3A_544 = arith.constant 0 : i32
      %dma_wait3A_545 = arith.constant 0 : i32
      %dma_wait3A_546 = tpu.memref_slice %arg2[%arg0, %dma_wait3A_544, %dma_wait3A_545] : memref<2x10000x24xf32, #tpu.memory_space<hbm>> -> memref<1x10000x24xf32, #tpu.memory_space<hbm>>
      %dma_wait3A_547 = tpu.memref_squeeze %dma_wait3A_546 : memref<1x10000x24xf32, #tpu.memory_space<hbm>> -> memref<10000x24xf32, #tpu.memory_space<hbm>>
      %dma_wait3A_548 = arith.constant 0 : i32
      %dma_wait3A_549 = arith.constant 0 : i32
      %dma_wait3A_550 = tpu.memref_slice %dma_wait3A_547[%dma_wait3A_548, %dma_wait3A_549] : memref<10000x24xf32, #tpu.memory_space<hbm>> -> memref<10000x24xf32, #tpu.memory_space<hbm>>
      tpu.wait_indirect_dma semaphore(%arg11 : memref<!tpu.dma_semaphore, #tpu.memory_space<semaphore_mem>>) src(%dma_wait3A_550 : memref<10000x24xf32, #tpu.memory_space<hbm>>) dst(%dma_wait3A_540 : memref<128x24xf32, #tpu.memory_space<vmem>>)
      %gt3A = arith.constant 3 : i32
      %gt3A_551 = arith.cmpi sgt, %scan3A_531, %gt3A : i32
      %convert_element_type3A = arith.extui %gt3A_551 : i1 to i32
      %cond3A = arith.constant 0 : i32
      %cond3A_552 = arith.cmpi ne, %convert_element_type3A, %cond3A : i32
      scf.if %cond3A_552 {
        %dma_wait3A_569 = arith.constant 0 : i32
        %dma_wait3A_570 = arith.constant 0 : i32
        %dma_wait3A_571 = tpu.memref_slice %arg8[%rem3A_536, %dma_wait3A_569, %dma_wait3A_570] : memref<8x128x24xf32, #tpu.memory_space<vmem>> -> memref<1x128x24xf32, #tpu.memory_space<vmem>>
        %dma_wait3A_572 = tpu.memref_squeeze %dma_wait3A_571 : memref<1x128x24xf32, #tpu.memory_space<vmem>> -> memref<128x24xf32, #tpu.memory_space<vmem>>
        %dma_wait3A_573 = arith.constant 0 : i32
        %dma_wait3A_574 = tpu.memref_slice %arg7[%scan3A_531, %dma_wait3A_573] : memref<157x128xi32, #tpu.memory_space<vmem>> -> memref<1x128xi32, #tpu.memory_space<vmem>>
        %dma_wait3A_575 = tpu.memref_squeeze %dma_wait3A_574 : memref<1x128xi32, #tpu.memory_space<vmem>> -> memref<128xi32, #tpu.memory_space<vmem>>
        %dma_wait3A_576 = arith.constant 0 : i32
        %dma_wait3A_577 = arith.constant 0 : i32
        %dma_wait3A_578 = tpu.memref_slice %arg10[%dma_wait3A_576, %dma_wait3A_577] : memref<10240x24xf32, #tpu.memory_space<vmem_shared>> -> memref<10240x24xf32, #tpu.memory_space<vmem_shared>>
        tpu.wait_indirect_dma semaphore(%arg12 : memref<!tpu.dma_semaphore, #tpu.memory_space<semaphore_mem>>) src(%dma_wait3A_572 : memref<128x24xf32, #tpu.memory_space<vmem>>) dst(%dma_wait3A_578 : memref<10240x24xf32, #tpu.memory_space<vmem_shared>>)
      } else {
      }
      %add3A_553 = arith.constant 4 : i32
      %add3A_554 = arith.addi %scan3A_531, %add3A_553 : i32
      %lt3A = arith.constant 157 : i32
      %lt3A_555 = arith.cmpi slt, %add3A_554, %lt3A : i32
      %convert_element_type3A_556 = arith.extui %lt3A_555 : i1 to i32
      %cond3A_557 = arith.constant 0 : i32
      %cond3A_558 = arith.cmpi ne, %convert_element_type3A_556, %cond3A_557 : i32
      scf.if %cond3A_558 {
        %add3A_569 = arith.constant 4 : i32
        %add3A_570 = arith.addi %scan3A_531, %add3A_569 : i32
        %dma_start3A_571 = arith.constant 0 : i32
        %dma_start3A_572 = arith.constant 0 : i32
        %dma_start3A_573 = tpu.memref_slice %arg8[%rem3A_536, %dma_start3A_571, %dma_start3A_572] : memref<8x128x24xf32, #tpu.memory_space<vmem>> -> memref<1x128x24xf32, #tpu.memory_space<vmem>>
        %dma_start3A_574 = tpu.memref_squeeze %dma_start3A_573 : memref<1x128x24xf32, #tpu.memory_space<vmem>> -> memref<128x24xf32, #tpu.memory_space<vmem>>
        %dma_start3A_575 = arith.constant 0 : i32
        %dma_start3A_576 = tpu.memref_slice %arg6[%add3A_570, %dma_start3A_575] : memref<157x128xi32, #tpu.memory_space<vmem>> -> memref<1x128xi32, #tpu.memory_space<vmem>>
        %dma_start3A_577 = tpu.memref_squeeze %dma_start3A_576 : memref<1x128xi32, #tpu.memory_space<vmem>> -> memref<128xi32, #tpu.memory_space<vmem>>
        %dma_start3A_578 = arith.constant 0 : i32
        %dma_start3A_579 = arith.constant 0 : i32
        %dma_start3A_580 = tpu.memref_slice %arg2[%arg0, %dma_start3A_578, %dma_start3A_579] : memref<2x10000x24xf32, #tpu.memory_space<hbm>> -> memref<1x10000x24xf32, #tpu.memory_space<hbm>>
        %dma_start3A_581 = tpu.memref_squeeze %dma_start3A_580 : memref<1x10000x24xf32, #tpu.memory_space<hbm>> -> memref<10000x24xf32, #tpu.memory_space<hbm>>
        %dma_start3A_582 = arith.constant 0 : i32
        %dma_start3A_583 = arith.constant 0 : i32
        %dma_start3A_584 = tpu.memref_slice %dma_start3A_581[%dma_start3A_582, %dma_start3A_583] : memref<10000x24xf32, #tpu.memory_space<hbm>> -> memref<10000x24xf32, #tpu.memory_space<hbm>>
        tpu.enqueue_indirect_dma source(%dma_start3A_584 : memref<10000x24xf32, #tpu.memory_space<hbm>>) target(%dma_start3A_574 : memref<128x24xf32, #tpu.memory_space<vmem>>) offsets(%dma_start3A_577 : memref<128xi32, #tpu.memory_space<vmem>>) semaphore(%arg11 : memref<!tpu.dma_semaphore, #tpu.memory_space<semaphore_mem>>)
      } else {
      }
      %dma_start3A_559 = arith.constant 0 : i32
      %dma_start3A_560 = arith.constant 0 : i32
      %dma_start3A_561 = tpu.memref_slice %arg8[%rem3A_532, %dma_start3A_559, %dma_start3A_560] : memref<8x128x24xf32, #tpu.memory_space<vmem>> -> memref<1x128x24xf32, #tpu.memory_space<vmem>>
      %dma_start3A_562 = tpu.memref_squeeze %dma_start3A_561 : memref<1x128x24xf32, #tpu.memory_space<vmem>> -> memref<128x24xf32, #tpu.memory_space<vmem>>
      %dma_start3A_563 = arith.constant 0 : i32
      %dma_start3A_564 = tpu.memref_slice %arg7[%scan3A_531, %dma_start3A_563] : memref<157x128xi32, #tpu.memory_space<vmem>> -> memref<1x128xi32, #tpu.memory_space<vmem>>
      %dma_start3A_565 = tpu.memref_squeeze %dma_start3A_564 : memref<1x128xi32, #tpu.memory_space<vmem>> -> memref<128xi32, #tpu.memory_space<vmem>>
      %dma_start3A_566 = arith.constant 0 : i32
      %dma_start3A_567 = arith.constant 0 : i32
      %dma_start3A_568 = tpu.memref_slice %arg10[%dma_start3A_566, %dma_start3A_567] : memref<10240x24xf32, #tpu.memory_space<vmem_shared>> -> memref<10240x24xf32, #tpu.memory_space<vmem_shared>>
      tpu.enqueue_indirect_dma source(%dma_start3A_562 : memref<128x24xf32, #tpu.memory_space<vmem>>) target(%dma_start3A_568 : memref<10240x24xf32, #tpu.memory_space<vmem_shared>>) offsets(%dma_start3A_565 : memref<128xi32, #tpu.memory_space<vmem>>) semaphore(%arg12 : memref<!tpu.dma_semaphore, #tpu.memory_space<semaphore_mem>>) {add = true}
    }
    %scan3A_181 = arith.constant 157 : i32
    %dma_wait3A_182 = arith.constant 1 : i32
    %dma_wait3A_183 = arith.constant 153 : i32
    %dma_wait3A_184 = arith.constant 0 : i32
    %dma_wait3A_185 = arith.constant 0 : i32
    %dma_wait3A_186 = tpu.memref_slice %arg8[%dma_wait3A_182, %dma_wait3A_184, %dma_wait3A_185] : memref<8x128x24xf32, #tpu.memory_space<vmem>> -> memref<1x128x24xf32, #tpu.memory_space<vmem>>
    %dma_wait3A_187 = tpu.memref_squeeze %dma_wait3A_186 : memref<1x128x24xf32, #tpu.memory_space<vmem>> -> memref<128x24xf32, #tpu.memory_space<vmem>>
    %dma_wait3A_188 = arith.constant 0 : i32
    %dma_wait3A_189 = tpu.memref_slice %arg7[%dma_wait3A_183, %dma_wait3A_188] : memref<157x128xi32, #tpu.memory_space<vmem>> -> memref<1x128xi32, #tpu.memory_space<vmem>>
    %dma_wait3A_190 = tpu.memref_squeeze %dma_wait3A_189 : memref<1x128xi32, #tpu.memory_space<vmem>> -> memref<128xi32, #tpu.memory_space<vmem>>
    %dma_wait3A_191 = arith.constant 0 : i32
    %dma_wait3A_192 = arith.constant 0 : i32
    %dma_wait3A_193 = tpu.memref_slice %arg10[%dma_wait3A_191, %dma_wait3A_192] : memref<10240x24xf32, #tpu.memory_space<vmem_shared>> -> memref<10240x24xf32, #tpu.memory_space<vmem_shared>>
    tpu.wait_indirect_dma semaphore(%arg12 : memref<!tpu.dma_semaphore, #tpu.memory_space<semaphore_mem>>) src(%dma_wait3A_187 : memref<128x24xf32, #tpu.memory_space<vmem>>) dst(%dma_wait3A_193 : memref<10240x24xf32, #tpu.memory_space<vmem_shared>>)
    %dma_wait3A_194 = arith.constant 2 : i32
    %dma_wait3A_195 = arith.constant 154 : i32
    %dma_wait3A_196 = arith.constant 0 : i32
    %dma_wait3A_197 = arith.constant 0 : i32
    %dma_wait3A_198 = tpu.memref_slice %arg8[%dma_wait3A_194, %dma_wait3A_196, %dma_wait3A_197] : memref<8x128x24xf32, #tpu.memory_space<vmem>> -> memref<1x128x24xf32, #tpu.memory_space<vmem>>
    %dma_wait3A_199 = tpu.memref_squeeze %dma_wait3A_198 : memref<1x128x24xf32, #tpu.memory_space<vmem>> -> memref<128x24xf32, #tpu.memory_space<vmem>>
    %dma_wait3A_200 = arith.constant 0 : i32
    %dma_wait3A_201 = tpu.memref_slice %arg7[%dma_wait3A_195, %dma_wait3A_200] : memref<157x128xi32, #tpu.memory_space<vmem>> -> memref<1x128xi32, #tpu.memory_space<vmem>>
    %dma_wait3A_202 = tpu.memref_squeeze %dma_wait3A_201 : memref<1x128xi32, #tpu.memory_space<vmem>> -> memref<128xi32, #tpu.memory_space<vmem>>
    %dma_wait3A_203 = arith.constant 0 : i32
    %dma_wait3A_204 = arith.constant 0 : i32
    %dma_wait3A_205 = tpu.memref_slice %arg10[%dma_wait3A_203, %dma_wait3A_204] : memref<10240x24xf32, #tpu.memory_space<vmem_shared>> -> memref<10240x24xf32, #tpu.memory_space<vmem_shared>>
    tpu.wait_indirect_dma semaphore(%arg12 : memref<!tpu.dma_semaphore, #tpu.memory_space<semaphore_mem>>) src(%dma_wait3A_199 : memref<128x24xf32, #tpu.memory_space<vmem>>) dst(%dma_wait3A_205 : memref<10240x24xf32, #tpu.memory_space<vmem_shared>>)
    %dma_wait3A_206 = arith.constant 3 : i32
    %dma_wait3A_207 = arith.constant 155 : i32
    %dma_wait3A_208 = arith.constant 0 : i32
    %dma_wait3A_209 = arith.constant 0 : i32
    %dma_wait3A_210 = tpu.memref_slice %arg8[%dma_wait3A_206, %dma_wait3A_208, %dma_wait3A_209] : memref<8x128x24xf32, #tpu.memory_space<vmem>> -> memref<1x128x24xf32, #tpu.memory_space<vmem>>
    %dma_wait3A_211 = tpu.memref_squeeze %dma_wait3A_210 : memref<1x128x24xf32, #tpu.memory_space<vmem>> -> memref<128x24xf32, #tpu.memory_space<vmem>>
    %dma_wait3A_212 = arith.constant 0 : i32
    %dma_wait3A_213 = tpu.memref_slice %arg7[%dma_wait3A_207, %dma_wait3A_212] : memref<157x128xi32, #tpu.memory_space<vmem>> -> memref<1x128xi32, #tpu.memory_space<vmem>>
    %dma_wait3A_214 = tpu.memref_squeeze %dma_wait3A_213 : memref<1x128xi32, #tpu.memory_space<vmem>> -> memref<128xi32, #tpu.memory_space<vmem>>
    %dma_wait3A_215 = arith.constant 0 : i32
    %dma_wait3A_216 = arith.constant 0 : i32
    %dma_wait3A_217 = tpu.memref_slice %arg10[%dma_wait3A_215, %dma_wait3A_216] : memref<10240x24xf32, #tpu.memory_space<vmem_shared>> -> memref<10240x24xf32, #tpu.memory_space<vmem_shared>>
    tpu.wait_indirect_dma semaphore(%arg12 : memref<!tpu.dma_semaphore, #tpu.memory_space<semaphore_mem>>) src(%dma_wait3A_211 : memref<128x24xf32, #tpu.memory_space<vmem>>) dst(%dma_wait3A_217 : memref<10240x24xf32, #tpu.memory_space<vmem_shared>>)
    %dma_wait3A_218 = arith.constant 4 : i32
    %dma_wait3A_219 = arith.constant 156 : i32
    %dma_wait3A_220 = arith.constant 0 : i32
    %dma_wait3A_221 = arith.constant 0 : i32
    %dma_wait3A_222 = tpu.memref_slice %arg8[%dma_wait3A_218, %dma_wait3A_220, %dma_wait3A_221] : memref<8x128x24xf32, #tpu.memory_space<vmem>> -> memref<1x128x24xf32, #tpu.memory_space<vmem>>
    %dma_wait3A_223 = tpu.memref_squeeze %dma_wait3A_222 : memref<1x128x24xf32, #tpu.memory_space<vmem>> -> memref<128x24xf32, #tpu.memory_space<vmem>>
    %dma_wait3A_224 = arith.constant 0 : i32
    %dma_wait3A_225 = tpu.memref_slice %arg7[%dma_wait3A_219, %dma_wait3A_224] : memref<157x128xi32, #tpu.memory_space<vmem>> -> memref<1x128xi32, #tpu.memory_space<vmem>>
    %dma_wait3A_226 = tpu.memref_squeeze %dma_wait3A_225 : memref<1x128xi32, #tpu.memory_space<vmem>> -> memref<128xi32, #tpu.memory_space<vmem>>
    %dma_wait3A_227 = arith.constant 0 : i32
    %dma_wait3A_228 = arith.constant 0 : i32
    %dma_wait3A_229 = tpu.memref_slice %arg10[%dma_wait3A_227, %dma_wait3A_228] : memref<10240x24xf32, #tpu.memory_space<vmem_shared>> -> memref<10240x24xf32, #tpu.memory_space<vmem_shared>>
    tpu.wait_indirect_dma semaphore(%arg12 : memref<!tpu.dma_semaphore, #tpu.memory_space<semaphore_mem>>) src(%dma_wait3A_223 : memref<128x24xf32, #tpu.memory_space<vmem>>) dst(%dma_wait3A_229 : memref<10240x24xf32, #tpu.memory_space<vmem_shared>>)
    %barrier3A_230 = arith.constant 0 : index
    tpu.barrier barrier_id(%barrier3A_230)
    %mul3A_231 = arith.constant 640 : i32
    %mul3A_232 = arith.muli %arg1, %mul3A_231 : i32
    %add3A_233 = arith.constant 0 : i32
    %add3A_234 = arith.addi %mul3A_232, %add3A_233 : i32
    %mul3A_235 = arith.constant 640 : i32
    %mul3A_236 = arith.muli %arg1, %mul3A_235 : i32
    %add3A_237 = arith.constant 128 : i32
    %add3A_238 = arith.addi %mul3A_236, %add3A_237 : i32
    %mul3A_239 = arith.constant 640 : i32
    %mul3A_240 = arith.muli %arg1, %mul3A_239 : i32
    %add3A_241 = arith.constant 256 : i32
    %add3A_242 = arith.addi %mul3A_240, %add3A_241 : i32
    %mul3A_243 = arith.constant 640 : i32
    %mul3A_244 = arith.muli %arg1, %mul3A_243 : i32
    %add3A_245 = arith.constant 384 : i32
    %add3A_246 = arith.addi %mul3A_244, %add3A_245 : i32
    %mul3A_247 = arith.constant 640 : i32
    %mul3A_248 = arith.muli %arg1, %mul3A_247 : i32
    %add3A_249 = arith.constant 512 : i32
    %add3A_250 = arith.addi %mul3A_248, %add3A_249 : i32
    %dma_start3A_251 = arith.constant 0 : i32
    %dma_start3A_252 = arith.constant 0 : i32
    %dma_start3A_253 = arith.constant 0 : i32
    %dma_start3A_254 = tpu.memref_slice %arg8[%dma_start3A_251, %dma_start3A_252, %dma_start3A_253] : memref<8x128x24xf32, #tpu.memory_space<vmem>> -> memref<1x128x24xf32, #tpu.memory_space<vmem>>
    %dma_start3A_255 = tpu.memref_squeeze %dma_start3A_254 : memref<1x128x24xf32, #tpu.memory_space<vmem>> -> memref<128x24xf32, #tpu.memory_space<vmem>>
    %dma_start3A_256 = arith.constant 0 : i32
    %dma_start3A_257 = tpu.memref_slice %arg10[%add3A_234, %dma_start3A_256] : memref<10240x24xf32, #tpu.memory_space<vmem_shared>> -> memref<128x24xf32, #tpu.memory_space<vmem_shared>>
    %dma_start3A_258 = arith.constant 0 : i32
    %dma_start3A_259 = arith.constant 0 : i32
    %dma_start3A_260 = tpu.memref_slice %arg8[%dma_start3A_251, %dma_start3A_258, %dma_start3A_259] : memref<8x128x24xf32, #tpu.memory_space<vmem>> -> memref<1x128x24xf32, #tpu.memory_space<vmem>>
    %dma_start3A_261 = tpu.memref_squeeze %dma_start3A_260 : memref<1x128x24xf32, #tpu.memory_space<vmem>> -> memref<128x24xf32, #tpu.memory_space<vmem>>
    %dma_start3A_262 = arith.constant 0 : i32
    %dma_start3A_263 = tpu.memref_slice %arg10[%add3A_234, %dma_start3A_262] : memref<10240x24xf32, #tpu.memory_space<vmem_shared>> -> memref<128x24xf32, #tpu.memory_space<vmem_shared>>
    tpu.enqueue_dma source(%dma_start3A_263 : memref<128x24xf32, #tpu.memory_space<vmem_shared>>) target(%dma_start3A_261 : memref<128x24xf32, #tpu.memory_space<vmem>>) target_semaphore(%arg11 : memref<!tpu.dma_semaphore, #tpu.memory_space<semaphore_mem>>)
    %dma_start3A_264 = arith.constant 1 : i32
    %dma_start3A_265 = arith.constant 0 : i32
    %dma_start3A_266 = arith.constant 0 : i32
    %dma_start3A_267 = tpu.memref_slice %arg8[%dma_start3A_264, %dma_start3A_265, %dma_start3A_266] : memref<8x128x24xf32, #tpu.memory_space<vmem>> -> memref<1x128x24xf32, #tpu.memory_space<vmem>>
    %dma_start3A_268 = tpu.memref_squeeze %dma_start3A_267 : memref<1x128x24xf32, #tpu.memory_space<vmem>> -> memref<128x24xf32, #tpu.memory_space<vmem>>
    %dma_start3A_269 = arith.constant 0 : i32
    %dma_start3A_270 = tpu.memref_slice %arg10[%add3A_238, %dma_start3A_269] : memref<10240x24xf32, #tpu.memory_space<vmem_shared>> -> memref<128x24xf32, #tpu.memory_space<vmem_shared>>
    %dma_start3A_271 = arith.constant 0 : i32
    %dma_start3A_272 = arith.constant 0 : i32
    %dma_start3A_273 = tpu.memref_slice %arg8[%dma_start3A_264, %dma_start3A_271, %dma_start3A_272] : memref<8x128x24xf32, #tpu.memory_space<vmem>> -> memref<1x128x24xf32, #tpu.memory_space<vmem>>
    %dma_start3A_274 = tpu.memref_squeeze %dma_start3A_273 : memref<1x128x24xf32, #tpu.memory_space<vmem>> -> memref<128x24xf32, #tpu.memory_space<vmem>>
    %dma_start3A_275 = arith.constant 0 : i32
    %dma_start3A_276 = tpu.memref_slice %arg10[%add3A_238, %dma_start3A_275] : memref<10240x24xf32, #tpu.memory_space<vmem_shared>> -> memref<128x24xf32, #tpu.memory_space<vmem_shared>>
    tpu.enqueue_dma source(%dma_start3A_276 : memref<128x24xf32, #tpu.memory_space<vmem_shared>>) target(%dma_start3A_274 : memref<128x24xf32, #tpu.memory_space<vmem>>) target_semaphore(%arg11 : memref<!tpu.dma_semaphore, #tpu.memory_space<semaphore_mem>>)
    %dma_start3A_277 = arith.constant 2 : i32
    %dma_start3A_278 = arith.constant 0 : i32
    %dma_start3A_279 = arith.constant 0 : i32
    %dma_start3A_280 = tpu.memref_slice %arg8[%dma_start3A_277, %dma_start3A_278, %dma_start3A_279] : memref<8x128x24xf32, #tpu.memory_space<vmem>> -> memref<1x128x24xf32, #tpu.memory_space<vmem>>
    %dma_start3A_281 = tpu.memref_squeeze %dma_start3A_280 : memref<1x128x24xf32, #tpu.memory_space<vmem>> -> memref<128x24xf32, #tpu.memory_space<vmem>>
    %dma_start3A_282 = arith.constant 0 : i32
    %dma_start3A_283 = tpu.memref_slice %arg10[%add3A_242, %dma_start3A_282] : memref<10240x24xf32, #tpu.memory_space<vmem_shared>> -> memref<128x24xf32, #tpu.memory_space<vmem_shared>>
    %dma_start3A_284 = arith.constant 0 : i32
    %dma_start3A_285 = arith.constant 0 : i32
    %dma_start3A_286 = tpu.memref_slice %arg8[%dma_start3A_277, %dma_start3A_284, %dma_start3A_285] : memref<8x128x24xf32, #tpu.memory_space<vmem>> -> memref<1x128x24xf32, #tpu.memory_space<vmem>>
    %dma_start3A_287 = tpu.memref_squeeze %dma_start3A_286 : memref<1x128x24xf32, #tpu.memory_space<vmem>> -> memref<128x24xf32, #tpu.memory_space<vmem>>
    %dma_start3A_288 = arith.constant 0 : i32
    %dma_start3A_289 = tpu.memref_slice %arg10[%add3A_242, %dma_start3A_288] : memref<10240x24xf32, #tpu.memory_space<vmem_shared>> -> memref<128x24xf32, #tpu.memory_space<vmem_shared>>
    tpu.enqueue_dma source(%dma_start3A_289 : memref<128x24xf32, #tpu.memory_space<vmem_shared>>) target(%dma_start3A_287 : memref<128x24xf32, #tpu.memory_space<vmem>>) target_semaphore(%arg11 : memref<!tpu.dma_semaphore, #tpu.memory_space<semaphore_mem>>)
    %dma_start3A_290 = arith.constant 3 : i32
    %dma_start3A_291 = arith.constant 0 : i32
    %dma_start3A_292 = arith.constant 0 : i32
    %dma_start3A_293 = tpu.memref_slice %arg8[%dma_start3A_290, %dma_start3A_291, %dma_start3A_292] : memref<8x128x24xf32, #tpu.memory_space<vmem>> -> memref<1x128x24xf32, #tpu.memory_space<vmem>>
    %dma_start3A_294 = tpu.memref_squeeze %dma_start3A_293 : memref<1x128x24xf32, #tpu.memory_space<vmem>> -> memref<128x24xf32, #tpu.memory_space<vmem>>
    %dma_start3A_295 = arith.constant 0 : i32
    %dma_start3A_296 = tpu.memref_slice %arg10[%add3A_246, %dma_start3A_295] : memref<10240x24xf32, #tpu.memory_space<vmem_shared>> -> memref<128x24xf32, #tpu.memory_space<vmem_shared>>
    %dma_start3A_297 = arith.constant 0 : i32
    %dma_start3A_298 = arith.constant 0 : i32
    %dma_start3A_299 = tpu.memref_slice %arg8[%dma_start3A_290, %dma_start3A_297, %dma_start3A_298] : memref<8x128x24xf32, #tpu.memory_space<vmem>> -> memref<1x128x24xf32, #tpu.memory_space<vmem>>
    %dma_start3A_300 = tpu.memref_squeeze %dma_start3A_299 : memref<1x128x24xf32, #tpu.memory_space<vmem>> -> memref<128x24xf32, #tpu.memory_space<vmem>>
    %dma_start3A_301 = arith.constant 0 : i32
    %dma_start3A_302 = tpu.memref_slice %arg10[%add3A_246, %dma_start3A_301] : memref<10240x24xf32, #tpu.memory_space<vmem_shared>> -> memref<128x24xf32, #tpu.memory_space<vmem_shared>>
    tpu.enqueue_dma source(%dma_start3A_302 : memref<128x24xf32, #tpu.memory_space<vmem_shared>>) target(%dma_start3A_300 : memref<128x24xf32, #tpu.memory_space<vmem>>) target_semaphore(%arg11 : memref<!tpu.dma_semaphore, #tpu.memory_space<semaphore_mem>>)
    %dma_start3A_303 = arith.constant 4 : i32
    %dma_start3A_304 = arith.constant 0 : i32
    %dma_start3A_305 = arith.constant 0 : i32
    %dma_start3A_306 = tpu.memref_slice %arg8[%dma_start3A_303, %dma_start3A_304, %dma_start3A_305] : memref<8x128x24xf32, #tpu.memory_space<vmem>> -> memref<1x128x24xf32, #tpu.memory_space<vmem>>
    %dma_start3A_307 = tpu.memref_squeeze %dma_start3A_306 : memref<1x128x24xf32, #tpu.memory_space<vmem>> -> memref<128x24xf32, #tpu.memory_space<vmem>>
    %dma_start3A_308 = arith.constant 0 : i32
    %dma_start3A_309 = tpu.memref_slice %arg10[%add3A_250, %dma_start3A_308] : memref<10240x24xf32, #tpu.memory_space<vmem_shared>> -> memref<128x24xf32, #tpu.memory_space<vmem_shared>>
    %dma_start3A_310 = arith.constant 0 : i32
    %dma_start3A_311 = arith.constant 0 : i32
    %dma_start3A_312 = tpu.memref_slice %arg8[%dma_start3A_303, %dma_start3A_310, %dma_start3A_311] : memref<8x128x24xf32, #tpu.memory_space<vmem>> -> memref<1x128x24xf32, #tpu.memory_space<vmem>>
    %dma_start3A_313 = tpu.memref_squeeze %dma_start3A_312 : memref<1x128x24xf32, #tpu.memory_space<vmem>> -> memref<128x24xf32, #tpu.memory_space<vmem>>
    %dma_start3A_314 = arith.constant 0 : i32
    %dma_start3A_315 = tpu.memref_slice %arg10[%add3A_250, %dma_start3A_314] : memref<10240x24xf32, #tpu.memory_space<vmem_shared>> -> memref<128x24xf32, #tpu.memory_space<vmem_shared>>
    tpu.enqueue_dma source(%dma_start3A_315 : memref<128x24xf32, #tpu.memory_space<vmem_shared>>) target(%dma_start3A_313 : memref<128x24xf32, #tpu.memory_space<vmem>>) target_semaphore(%arg11 : memref<!tpu.dma_semaphore, #tpu.memory_space<semaphore_mem>>)
    %dma_wait3A_316 = arith.constant 0 : i32
    %dma_wait3A_317 = arith.constant 0 : i32
    %dma_wait3A_318 = arith.constant 0 : i32
    %dma_wait3A_319 = tpu.memref_slice %arg8[%dma_wait3A_316, %dma_wait3A_317, %dma_wait3A_318] : memref<8x128x24xf32, #tpu.memory_space<vmem>> -> memref<1x128x24xf32, #tpu.memory_space<vmem>>
    %dma_wait3A_320 = tpu.memref_squeeze %dma_wait3A_319 : memref<1x128x24xf32, #tpu.memory_space<vmem>> -> memref<128x24xf32, #tpu.memory_space<vmem>>
    %dma_wait3A_321 = arith.constant 0 : i32
    %dma_wait3A_322 = tpu.memref_slice %arg10[%add3A_234, %dma_wait3A_321] : memref<10240x24xf32, #tpu.memory_space<vmem_shared>> -> memref<128x24xf32, #tpu.memory_space<vmem_shared>>
    %dma_wait3A_323 = arith.constant 0 : i32
    %dma_wait3A_324 = arith.constant 0 : i32
    %dma_wait3A_325 = tpu.memref_slice %arg8[%dma_wait3A_316, %dma_wait3A_323, %dma_wait3A_324] : memref<8x128x24xf32, #tpu.memory_space<vmem>> -> memref<1x128x24xf32, #tpu.memory_space<vmem>>
    %dma_wait3A_326 = tpu.memref_squeeze %dma_wait3A_325 : memref<1x128x24xf32, #tpu.memory_space<vmem>> -> memref<128x24xf32, #tpu.memory_space<vmem>>
    %dma_wait3A_327 = arith.constant 0 : i32
    %dma_wait3A_328 = tpu.memref_slice %arg10[%add3A_234, %dma_wait3A_327] : memref<10240x24xf32, #tpu.memory_space<vmem_shared>> -> memref<128x24xf32, #tpu.memory_space<vmem_shared>>
    tpu.wait_dma2 semaphore(%arg11 : memref<!tpu.dma_semaphore, #tpu.memory_space<semaphore_mem>>) src(%dma_wait3A_328 : memref<128x24xf32, #tpu.memory_space<vmem_shared>>) dst(%dma_wait3A_326 : memref<128x24xf32, #tpu.memory_space<vmem>>)
    %dma_start3A_329 = arith.constant 0 : i32
    %dma_start3A_330 = arith.constant 0 : i32
    %dma_start3A_331 = arith.constant 0 : i32
    %dma_start3A_332 = tpu.memref_slice %arg8[%dma_start3A_329, %dma_start3A_330, %dma_start3A_331] : memref<8x128x24xf32, #tpu.memory_space<vmem>> -> memref<1x128x24xf32, #tpu.memory_space<vmem>>
    %dma_start3A_333 = tpu.memref_squeeze %dma_start3A_332 : memref<1x128x24xf32, #tpu.memory_space<vmem>> -> memref<128x24xf32, #tpu.memory_space<vmem>>
    %dma_start3A_334 = arith.constant 0 : i32
    %dma_start3A_335 = tpu.memref_slice %arg5[%arg0, %add3A_234, %dma_start3A_334] : memref<2x10240x24xf32, #tpu.memory_space<hbm>> -> memref<1x128x24xf32, #tpu.memory_space<hbm>>
    %dma_start3A_336 = tpu.memref_squeeze %dma_start3A_335 : memref<1x128x24xf32, #tpu.memory_space<hbm>> -> memref<128x24xf32, #tpu.memory_space<hbm>>
    %dma_start3A_337 = arith.constant 0 : i32
    %dma_start3A_338 = tpu.memref_slice %arg5[%arg0, %add3A_234, %dma_start3A_337] : memref<2x10240x24xf32, #tpu.memory_space<hbm>> -> memref<1x128x24xf32, #tpu.memory_space<hbm>>
    %dma_start3A_339 = tpu.memref_squeeze %dma_start3A_338 : memref<1x128x24xf32, #tpu.memory_space<hbm>> -> memref<128x24xf32, #tpu.memory_space<hbm>>
    %dma_start3A_340 = arith.constant 0 : i32
    %dma_start3A_341 = arith.constant 0 : i32
    %dma_start3A_342 = tpu.memref_slice %arg8[%dma_start3A_329, %dma_start3A_340, %dma_start3A_341] : memref<8x128x24xf32, #tpu.memory_space<vmem>> -> memref<1x128x24xf32, #tpu.memory_space<vmem>>
    %dma_start3A_343 = tpu.memref_squeeze %dma_start3A_342 : memref<1x128x24xf32, #tpu.memory_space<vmem>> -> memref<128x24xf32, #tpu.memory_space<vmem>>
    tpu.enqueue_dma source(%dma_start3A_343 : memref<128x24xf32, #tpu.memory_space<vmem>>) target(%dma_start3A_339 : memref<128x24xf32, #tpu.memory_space<hbm>>) target_semaphore(%arg12 : memref<!tpu.dma_semaphore, #tpu.memory_space<semaphore_mem>>)
    %dma_wait3A_344 = arith.constant 1 : i32
    %dma_wait3A_345 = arith.constant 0 : i32
    %dma_wait3A_346 = arith.constant 0 : i32
    %dma_wait3A_347 = tpu.memref_slice %arg8[%dma_wait3A_344, %dma_wait3A_345, %dma_wait3A_346] : memref<8x128x24xf32, #tpu.memory_space<vmem>> -> memref<1x128x24xf32, #tpu.memory_space<vmem>>
    %dma_wait3A_348 = tpu.memref_squeeze %dma_wait3A_347 : memref<1x128x24xf32, #tpu.memory_space<vmem>> -> memref<128x24xf32, #tpu.memory_space<vmem>>
    %dma_wait3A_349 = arith.constant 0 : i32
    %dma_wait3A_350 = tpu.memref_slice %arg10[%add3A_238, %dma_wait3A_349] : memref<10240x24xf32, #tpu.memory_space<vmem_shared>> -> memref<128x24xf32, #tpu.memory_space<vmem_shared>>
    %dma_wait3A_351 = arith.constant 0 : i32
    %dma_wait3A_352 = arith.constant 0 : i32
    %dma_wait3A_353 = tpu.memref_slice %arg8[%dma_wait3A_344, %dma_wait3A_351, %dma_wait3A_352] : memref<8x128x24xf32, #tpu.memory_space<vmem>> -> memref<1x128x24xf32, #tpu.memory_space<vmem>>
    %dma_wait3A_354 = tpu.memref_squeeze %dma_wait3A_353 : memref<1x128x24xf32, #tpu.memory_space<vmem>> -> memref<128x24xf32, #tpu.memory_space<vmem>>
    %dma_wait3A_355 = arith.constant 0 : i32
    %dma_wait3A_356 = tpu.memref_slice %arg10[%add3A_238, %dma_wait3A_355] : memref<10240x24xf32, #tpu.memory_space<vmem_shared>> -> memref<128x24xf32, #tpu.memory_space<vmem_shared>>
    tpu.wait_dma2 semaphore(%arg11 : memref<!tpu.dma_semaphore, #tpu.memory_space<semaphore_mem>>) src(%dma_wait3A_356 : memref<128x24xf32, #tpu.memory_space<vmem_shared>>) dst(%dma_wait3A_354 : memref<128x24xf32, #tpu.memory_space<vmem>>)
    %dma_start3A_357 = arith.constant 1 : i32
    %dma_start3A_358 = arith.constant 0 : i32
    %dma_start3A_359 = arith.constant 0 : i32
    %dma_start3A_360 = tpu.memref_slice %arg8[%dma_start3A_357, %dma_start3A_358, %dma_start3A_359] : memref<8x128x24xf32, #tpu.memory_space<vmem>> -> memref<1x128x24xf32, #tpu.memory_space<vmem>>
    %dma_start3A_361 = tpu.memref_squeeze %dma_start3A_360 : memref<1x128x24xf32, #tpu.memory_space<vmem>> -> memref<128x24xf32, #tpu.memory_space<vmem>>
    %dma_start3A_362 = arith.constant 0 : i32
    %dma_start3A_363 = tpu.memref_slice %arg5[%arg0, %add3A_238, %dma_start3A_362] : memref<2x10240x24xf32, #tpu.memory_space<hbm>> -> memref<1x128x24xf32, #tpu.memory_space<hbm>>
    %dma_start3A_364 = tpu.memref_squeeze %dma_start3A_363 : memref<1x128x24xf32, #tpu.memory_space<hbm>> -> memref<128x24xf32, #tpu.memory_space<hbm>>
    %dma_start3A_365 = arith.constant 0 : i32
    %dma_start3A_366 = tpu.memref_slice %arg5[%arg0, %add3A_238, %dma_start3A_365] : memref<2x10240x24xf32, #tpu.memory_space<hbm>> -> memref<1x128x24xf32, #tpu.memory_space<hbm>>
    %dma_start3A_367 = tpu.memref_squeeze %dma_start3A_366 : memref<1x128x24xf32, #tpu.memory_space<hbm>> -> memref<128x24xf32, #tpu.memory_space<hbm>>
    %dma_start3A_368 = arith.constant 0 : i32
    %dma_start3A_369 = arith.constant 0 : i32
    %dma_start3A_370 = tpu.memref_slice %arg8[%dma_start3A_357, %dma_start3A_368, %dma_start3A_369] : memref<8x128x24xf32, #tpu.memory_space<vmem>> -> memref<1x128x24xf32, #tpu.memory_space<vmem>>
    %dma_start3A_371 = tpu.memref_squeeze %dma_start3A_370 : memref<1x128x24xf32, #tpu.memory_space<vmem>> -> memref<128x24xf32, #tpu.memory_space<vmem>>
    tpu.enqueue_dma source(%dma_start3A_371 : memref<128x24xf32, #tpu.memory_space<vmem>>) target(%dma_start3A_367 : memref<128x24xf32, #tpu.memory_space<hbm>>) target_semaphore(%arg12 : memref<!tpu.dma_semaphore, #tpu.memory_space<semaphore_mem>>)
    %dma_wait3A_372 = arith.constant 2 : i32
    %dma_wait3A_373 = arith.constant 0 : i32
    %dma_wait3A_374 = arith.constant 0 : i32
    %dma_wait3A_375 = tpu.memref_slice %arg8[%dma_wait3A_372, %dma_wait3A_373, %dma_wait3A_374] : memref<8x128x24xf32, #tpu.memory_space<vmem>> -> memref<1x128x24xf32, #tpu.memory_space<vmem>>
    %dma_wait3A_376 = tpu.memref_squeeze %dma_wait3A_375 : memref<1x128x24xf32, #tpu.memory_space<vmem>> -> memref<128x24xf32, #tpu.memory_space<vmem>>
    %dma_wait3A_377 = arith.constant 0 : i32
    %dma_wait3A_378 = tpu.memref_slice %arg10[%add3A_242, %dma_wait3A_377] : memref<10240x24xf32, #tpu.memory_space<vmem_shared>> -> memref<128x24xf32, #tpu.memory_space<vmem_shared>>
    %dma_wait3A_379 = arith.constant 0 : i32
    %dma_wait3A_380 = arith.constant 0 : i32
    %dma_wait3A_381 = tpu.memref_slice %arg8[%dma_wait3A_372, %dma_wait3A_379, %dma_wait3A_380] : memref<8x128x24xf32, #tpu.memory_space<vmem>> -> memref<1x128x24xf32, #tpu.memory_space<vmem>>
    %dma_wait3A_382 = tpu.memref_squeeze %dma_wait3A_381 : memref<1x128x24xf32, #tpu.memory_space<vmem>> -> memref<128x24xf32, #tpu.memory_space<vmem>>
    %dma_wait3A_383 = arith.constant 0 : i32
    %dma_wait3A_384 = tpu.memref_slice %arg10[%add3A_242, %dma_wait3A_383] : memref<10240x24xf32, #tpu.memory_space<vmem_shared>> -> memref<128x24xf32, #tpu.memory_space<vmem_shared>>
    tpu.wait_dma2 semaphore(%arg11 : memref<!tpu.dma_semaphore, #tpu.memory_space<semaphore_mem>>) src(%dma_wait3A_384 : memref<128x24xf32, #tpu.memory_space<vmem_shared>>) dst(%dma_wait3A_382 : memref<128x24xf32, #tpu.memory_space<vmem>>)
    %dma_start3A_385 = arith.constant 2 : i32
    %dma_start3A_386 = arith.constant 0 : i32
    %dma_start3A_387 = arith.constant 0 : i32
    %dma_start3A_388 = tpu.memref_slice %arg8[%dma_start3A_385, %dma_start3A_386, %dma_start3A_387] : memref<8x128x24xf32, #tpu.memory_space<vmem>> -> memref<1x128x24xf32, #tpu.memory_space<vmem>>
    %dma_start3A_389 = tpu.memref_squeeze %dma_start3A_388 : memref<1x128x24xf32, #tpu.memory_space<vmem>> -> memref<128x24xf32, #tpu.memory_space<vmem>>
    %dma_start3A_390 = arith.constant 0 : i32
    %dma_start3A_391 = tpu.memref_slice %arg5[%arg0, %add3A_242, %dma_start3A_390] : memref<2x10240x24xf32, #tpu.memory_space<hbm>> -> memref<1x128x24xf32, #tpu.memory_space<hbm>>
    %dma_start3A_392 = tpu.memref_squeeze %dma_start3A_391 : memref<1x128x24xf32, #tpu.memory_space<hbm>> -> memref<128x24xf32, #tpu.memory_space<hbm>>
    %dma_start3A_393 = arith.constant 0 : i32
    %dma_start3A_394 = tpu.memref_slice %arg5[%arg0, %add3A_242, %dma_start3A_393] : memref<2x10240x24xf32, #tpu.memory_space<hbm>> -> memref<1x128x24xf32, #tpu.memory_space<hbm>>
    %dma_start3A_395 = tpu.memref_squeeze %dma_start3A_394 : memref<1x128x24xf32, #tpu.memory_space<hbm>> -> memref<128x24xf32, #tpu.memory_space<hbm>>
    %dma_start3A_396 = arith.constant 0 : i32
    %dma_start3A_397 = arith.constant 0 : i32
    %dma_start3A_398 = tpu.memref_slice %arg8[%dma_start3A_385, %dma_start3A_396, %dma_start3A_397] : memref<8x128x24xf32, #tpu.memory_space<vmem>> -> memref<1x128x24xf32, #tpu.memory_space<vmem>>
    %dma_start3A_399 = tpu.memref_squeeze %dma_start3A_398 : memref<1x128x24xf32, #tpu.memory_space<vmem>> -> memref<128x24xf32, #tpu.memory_space<vmem>>
    tpu.enqueue_dma source(%dma_start3A_399 : memref<128x24xf32, #tpu.memory_space<vmem>>) target(%dma_start3A_395 : memref<128x24xf32, #tpu.memory_space<hbm>>) target_semaphore(%arg12 : memref<!tpu.dma_semaphore, #tpu.memory_space<semaphore_mem>>)
    %dma_wait3A_400 = arith.constant 3 : i32
    %dma_wait3A_401 = arith.constant 0 : i32
    %dma_wait3A_402 = arith.constant 0 : i32
    %dma_wait3A_403 = tpu.memref_slice %arg8[%dma_wait3A_400, %dma_wait3A_401, %dma_wait3A_402] : memref<8x128x24xf32, #tpu.memory_space<vmem>> -> memref<1x128x24xf32, #tpu.memory_space<vmem>>
    %dma_wait3A_404 = tpu.memref_squeeze %dma_wait3A_403 : memref<1x128x24xf32, #tpu.memory_space<vmem>> -> memref<128x24xf32, #tpu.memory_space<vmem>>
    %dma_wait3A_405 = arith.constant 0 : i32
    %dma_wait3A_406 = tpu.memref_slice %arg10[%add3A_246, %dma_wait3A_405] : memref<10240x24xf32, #tpu.memory_space<vmem_shared>> -> memref<128x24xf32, #tpu.memory_space<vmem_shared>>
    %dma_wait3A_407 = arith.constant 0 : i32
    %dma_wait3A_408 = arith.constant 0 : i32
    %dma_wait3A_409 = tpu.memref_slice %arg8[%dma_wait3A_400, %dma_wait3A_407, %dma_wait3A_408] : memref<8x128x24xf32, #tpu.memory_space<vmem>> -> memref<1x128x24xf32, #tpu.memory_space<vmem>>
    %dma_wait3A_410 = tpu.memref_squeeze %dma_wait3A_409 : memref<1x128x24xf32, #tpu.memory_space<vmem>> -> memref<128x24xf32, #tpu.memory_space<vmem>>
    %dma_wait3A_411 = arith.constant 0 : i32
    %dma_wait3A_412 = tpu.memref_slice %arg10[%add3A_246, %dma_wait3A_411] : memref<10240x24xf32, #tpu.memory_space<vmem_shared>> -> memref<128x24xf32, #tpu.memory_space<vmem_shared>>
    tpu.wait_dma2 semaphore(%arg11 : memref<!tpu.dma_semaphore, #tpu.memory_space<semaphore_mem>>) src(%dma_wait3A_412 : memref<128x24xf32, #tpu.memory_space<vmem_shared>>) dst(%dma_wait3A_410 : memref<128x24xf32, #tpu.memory_space<vmem>>)
    %dma_start3A_413 = arith.constant 3 : i32
    %dma_start3A_414 = arith.constant 0 : i32
    %dma_start3A_415 = arith.constant 0 : i32
    %dma_start3A_416 = tpu.memref_slice %arg8[%dma_start3A_413, %dma_start3A_414, %dma_start3A_415] : memref<8x128x24xf32, #tpu.memory_space<vmem>> -> memref<1x128x24xf32, #tpu.memory_space<vmem>>
    %dma_start3A_417 = tpu.memref_squeeze %dma_start3A_416 : memref<1x128x24xf32, #tpu.memory_space<vmem>> -> memref<128x24xf32, #tpu.memory_space<vmem>>
    %dma_start3A_418 = arith.constant 0 : i32
    %dma_start3A_419 = tpu.memref_slice %arg5[%arg0, %add3A_246, %dma_start3A_418] : memref<2x10240x24xf32, #tpu.memory_space<hbm>> -> memref<1x128x24xf32, #tpu.memory_space<hbm>>
    %dma_start3A_420 = tpu.memref_squeeze %dma_start3A_419 : memref<1x128x24xf32, #tpu.memory_space<hbm>> -> memref<128x24xf32, #tpu.memory_space<hbm>>
    %dma_start3A_421 = arith.constant 0 : i32
    %dma_start3A_422 = tpu.memref_slice %arg5[%arg0, %add3A_246, %dma_start3A_421] : memref<2x10240x24xf32, #tpu.memory_space<hbm>> -> memref<1x128x24xf32, #tpu.memory_space<hbm>>
    %dma_start3A_423 = tpu.memref_squeeze %dma_start3A_422 : memref<1x128x24xf32, #tpu.memory_space<hbm>> -> memref<128x24xf32, #tpu.memory_space<hbm>>
    %dma_start3A_424 = arith.constant 0 : i32
    %dma_start3A_425 = arith.constant 0 : i32
    %dma_start3A_426 = tpu.memref_slice %arg8[%dma_start3A_413, %dma_start3A_424, %dma_start3A_425] : memref<8x128x24xf32, #tpu.memory_space<vmem>> -> memref<1x128x24xf32, #tpu.memory_space<vmem>>
    %dma_start3A_427 = tpu.memref_squeeze %dma_start3A_426 : memref<1x128x24xf32, #tpu.memory_space<vmem>> -> memref<128x24xf32, #tpu.memory_space<vmem>>
    tpu.enqueue_dma source(%dma_start3A_427 : memref<128x24xf32, #tpu.memory_space<vmem>>) target(%dma_start3A_423 : memref<128x24xf32, #tpu.memory_space<hbm>>) target_semaphore(%arg12 : memref<!tpu.dma_semaphore, #tpu.memory_space<semaphore_mem>>)
    %dma_wait3A_428 = arith.constant 4 : i32
    %dma_wait3A_429 = arith.constant 0 : i32
    %dma_wait3A_430 = arith.constant 0 : i32
    %dma_wait3A_431 = tpu.memref_slice %arg8[%dma_wait3A_428, %dma_wait3A_429, %dma_wait3A_430] : memref<8x128x24xf32, #tpu.memory_space<vmem>> -> memref<1x128x24xf32, #tpu.memory_space<vmem>>
    %dma_wait3A_432 = tpu.memref_squeeze %dma_wait3A_431 : memref<1x128x24xf32, #tpu.memory_space<vmem>> -> memref<128x24xf32, #tpu.memory_space<vmem>>
    %dma_wait3A_433 = arith.constant 0 : i32
    %dma_wait3A_434 = tpu.memref_slice %arg10[%add3A_250, %dma_wait3A_433] : memref<10240x24xf32, #tpu.memory_space<vmem_shared>> -> memref<128x24xf32, #tpu.memory_space<vmem_shared>>
    %dma_wait3A_435 = arith.constant 0 : i32
    %dma_wait3A_436 = arith.constant 0 : i32
    %dma_wait3A_437 = tpu.memref_slice %arg8[%dma_wait3A_428, %dma_wait3A_435, %dma_wait3A_436] : memref<8x128x24xf32, #tpu.memory_space<vmem>> -> memref<1x128x24xf32, #tpu.memory_space<vmem>>
    %dma_wait3A_438 = tpu.memref_squeeze %dma_wait3A_437 : memref<1x128x24xf32, #tpu.memory_space<vmem>> -> memref<128x24xf32, #tpu.memory_space<vmem>>
    %dma_wait3A_439 = arith.constant 0 : i32
    %dma_wait3A_440 = tpu.memref_slice %arg10[%add3A_250, %dma_wait3A_439] : memref<10240x24xf32, #tpu.memory_space<vmem_shared>> -> memref<128x24xf32, #tpu.memory_space<vmem_shared>>
    tpu.wait_dma2 semaphore(%arg11 : memref<!tpu.dma_semaphore, #tpu.memory_space<semaphore_mem>>) src(%dma_wait3A_440 : memref<128x24xf32, #tpu.memory_space<vmem_shared>>) dst(%dma_wait3A_438 : memref<128x24xf32, #tpu.memory_space<vmem>>)
    %dma_start3A_441 = arith.constant 4 : i32
    %dma_start3A_442 = arith.constant 0 : i32
    %dma_start3A_443 = arith.constant 0 : i32
    %dma_start3A_444 = tpu.memref_slice %arg8[%dma_start3A_441, %dma_start3A_442, %dma_start3A_443] : memref<8x128x24xf32, #tpu.memory_space<vmem>> -> memref<1x128x24xf32, #tpu.memory_space<vmem>>
    %dma_start3A_445 = tpu.memref_squeeze %dma_start3A_444 : memref<1x128x24xf32, #tpu.memory_space<vmem>> -> memref<128x24xf32, #tpu.memory_space<vmem>>
    %dma_start3A_446 = arith.constant 0 : i32
    %dma_start3A_447 = tpu.memref_slice %arg5[%arg0, %add3A_250, %dma_start3A_446] : memref<2x10240x24xf32, #tpu.memory_space<hbm>> -> memref<1x128x24xf32, #tpu.memory_space<hbm>>
    %dma_start3A_448 = tpu.memref_squeeze %dma_start3A_447 : memref<1x128x24xf32, #tpu.memory_space<hbm>> -> memref<128x24xf32, #tpu.memory_space<hbm>>
    %dma_start3A_449 = arith.constant 0 : i32
    %dma_start3A_450 = tpu.memref_slice %arg5[%arg0, %add3A_250, %dma_start3A_449] : memref<2x10240x24xf32, #tpu.memory_space<hbm>> -> memref<1x128x24xf32, #tpu.memory_space<hbm>>
    %dma_start3A_451 = tpu.memref_squeeze %dma_start3A_450 : memref<1x128x24xf32, #tpu.memory_space<hbm>> -> memref<128x24xf32, #tpu.memory_space<hbm>>
    %dma_start3A_452 = arith.constant 0 : i32
    %dma_start3A_453 = arith.constant 0 : i32
    %dma_start3A_454 = tpu.memref_slice %arg8[%dma_start3A_441, %dma_start3A_452, %dma_start3A_453] : memref<8x128x24xf32, #tpu.memory_space<vmem>> -> memref<1x128x24xf32, #tpu.memory_space<vmem>>
    %dma_start3A_455 = tpu.memref_squeeze %dma_start3A_454 : memref<1x128x24xf32, #tpu.memory_space<vmem>> -> memref<128x24xf32, #tpu.memory_space<vmem>>
    tpu.enqueue_dma source(%dma_start3A_455 : memref<128x24xf32, #tpu.memory_space<vmem>>) target(%dma_start3A_451 : memref<128x24xf32, #tpu.memory_space<hbm>>) target_semaphore(%arg12 : memref<!tpu.dma_semaphore, #tpu.memory_space<semaphore_mem>>)
    %dma_wait3A_456 = arith.constant 0 : i32
    %dma_wait3A_457 = arith.constant 0 : i32
    %dma_wait3A_458 = arith.constant 0 : i32
    %dma_wait3A_459 = tpu.memref_slice %arg8[%dma_wait3A_456, %dma_wait3A_457, %dma_wait3A_458] : memref<8x128x24xf32, #tpu.memory_space<vmem>> -> memref<1x128x24xf32, #tpu.memory_space<vmem>>
    %dma_wait3A_460 = tpu.memref_squeeze %dma_wait3A_459 : memref<1x128x24xf32, #tpu.memory_space<vmem>> -> memref<128x24xf32, #tpu.memory_space<vmem>>
    %dma_wait3A_461 = arith.constant 0 : i32
    %dma_wait3A_462 = tpu.memref_slice %arg5[%arg0, %add3A_234, %dma_wait3A_461] : memref<2x10240x24xf32, #tpu.memory_space<hbm>> -> memref<1x128x24xf32, #tpu.memory_space<hbm>>
    %dma_wait3A_463 = tpu.memref_squeeze %dma_wait3A_462 : memref<1x128x24xf32, #tpu.memory_space<hbm>> -> memref<128x24xf32, #tpu.memory_space<hbm>>
    %dma_wait3A_464 = arith.constant 0 : i32
    %dma_wait3A_465 = tpu.memref_slice %arg5[%arg0, %add3A_234, %dma_wait3A_464] : memref<2x10240x24xf32, #tpu.memory_space<hbm>> -> memref<1x128x24xf32, #tpu.memory_space<hbm>>
    %dma_wait3A_466 = tpu.memref_squeeze %dma_wait3A_465 : memref<1x128x24xf32, #tpu.memory_space<hbm>> -> memref<128x24xf32, #tpu.memory_space<hbm>>
    %dma_wait3A_467 = arith.constant 0 : i32
    %dma_wait3A_468 = arith.constant 0 : i32
    %dma_wait3A_469 = tpu.memref_slice %arg8[%dma_wait3A_456, %dma_wait3A_467, %dma_wait3A_468] : memref<8x128x24xf32, #tpu.memory_space<vmem>> -> memref<1x128x24xf32, #tpu.memory_space<vmem>>
    %dma_wait3A_470 = tpu.memref_squeeze %dma_wait3A_469 : memref<1x128x24xf32, #tpu.memory_space<vmem>> -> memref<128x24xf32, #tpu.memory_space<vmem>>
    tpu.wait_dma2 semaphore(%arg12 : memref<!tpu.dma_semaphore, #tpu.memory_space<semaphore_mem>>) src(%dma_wait3A_470 : memref<128x24xf32, #tpu.memory_space<vmem>>) dst(%dma_wait3A_466 : memref<128x24xf32, #tpu.memory_space<hbm>>)
    %dma_wait3A_471 = arith.constant 1 : i32
    %dma_wait3A_472 = arith.constant 0 : i32
    %dma_wait3A_473 = arith.constant 0 : i32
    %dma_wait3A_474 = tpu.memref_slice %arg8[%dma_wait3A_471, %dma_wait3A_472, %dma_wait3A_473] : memref<8x128x24xf32, #tpu.memory_space<vmem>> -> memref<1x128x24xf32, #tpu.memory_space<vmem>>
    %dma_wait3A_475 = tpu.memref_squeeze %dma_wait3A_474 : memref<1x128x24xf32, #tpu.memory_space<vmem>> -> memref<128x24xf32, #tpu.memory_space<vmem>>
    %dma_wait3A_476 = arith.constant 0 : i32
    %dma_wait3A_477 = tpu.memref_slice %arg5[%arg0, %add3A_238, %dma_wait3A_476] : memref<2x10240x24xf32, #tpu.memory_space<hbm>> -> memref<1x128x24xf32, #tpu.memory_space<hbm>>
    %dma_wait3A_478 = tpu.memref_squeeze %dma_wait3A_477 : memref<1x128x24xf32, #tpu.memory_space<hbm>> -> memref<128x24xf32, #tpu.memory_space<hbm>>
    %dma_wait3A_479 = arith.constant 0 : i32
    %dma_wait3A_480 = tpu.memref_slice %arg5[%arg0, %add3A_238, %dma_wait3A_479] : memref<2x10240x24xf32, #tpu.memory_space<hbm>> -> memref<1x128x24xf32, #tpu.memory_space<hbm>>
    %dma_wait3A_481 = tpu.memref_squeeze %dma_wait3A_480 : memref<1x128x24xf32, #tpu.memory_space<hbm>> -> memref<128x24xf32, #tpu.memory_space<hbm>>
    %dma_wait3A_482 = arith.constant 0 : i32
    %dma_wait3A_483 = arith.constant 0 : i32
    %dma_wait3A_484 = tpu.memref_slice %arg8[%dma_wait3A_471, %dma_wait3A_482, %dma_wait3A_483] : memref<8x128x24xf32, #tpu.memory_space<vmem>> -> memref<1x128x24xf32, #tpu.memory_space<vmem>>
    %dma_wait3A_485 = tpu.memref_squeeze %dma_wait3A_484 : memref<1x128x24xf32, #tpu.memory_space<vmem>> -> memref<128x24xf32, #tpu.memory_space<vmem>>
    tpu.wait_dma2 semaphore(%arg12 : memref<!tpu.dma_semaphore, #tpu.memory_space<semaphore_mem>>) src(%dma_wait3A_485 : memref<128x24xf32, #tpu.memory_space<vmem>>) dst(%dma_wait3A_481 : memref<128x24xf32, #tpu.memory_space<hbm>>)
    %dma_wait3A_486 = arith.constant 2 : i32
    %dma_wait3A_487 = arith.constant 0 : i32
    %dma_wait3A_488 = arith.constant 0 : i32
    %dma_wait3A_489 = tpu.memref_slice %arg8[%dma_wait3A_486, %dma_wait3A_487, %dma_wait3A_488] : memref<8x128x24xf32, #tpu.memory_space<vmem>> -> memref<1x128x24xf32, #tpu.memory_space<vmem>>
    %dma_wait3A_490 = tpu.memref_squeeze %dma_wait3A_489 : memref<1x128x24xf32, #tpu.memory_space<vmem>> -> memref<128x24xf32, #tpu.memory_space<vmem>>
    %dma_wait3A_491 = arith.constant 0 : i32
    %dma_wait3A_492 = tpu.memref_slice %arg5[%arg0, %add3A_242, %dma_wait3A_491] : memref<2x10240x24xf32, #tpu.memory_space<hbm>> -> memref<1x128x24xf32, #tpu.memory_space<hbm>>
    %dma_wait3A_493 = tpu.memref_squeeze %dma_wait3A_492 : memref<1x128x24xf32, #tpu.memory_space<hbm>> -> memref<128x24xf32, #tpu.memory_space<hbm>>
    %dma_wait3A_494 = arith.constant 0 : i32
    %dma_wait3A_495 = tpu.memref_slice %arg5[%arg0, %add3A_242, %dma_wait3A_494] : memref<2x10240x24xf32, #tpu.memory_space<hbm>> -> memref<1x128x24xf32, #tpu.memory_space<hbm>>
    %dma_wait3A_496 = tpu.memref_squeeze %dma_wait3A_495 : memref<1x128x24xf32, #tpu.memory_space<hbm>> -> memref<128x24xf32, #tpu.memory_space<hbm>>
    %dma_wait3A_497 = arith.constant 0 : i32
    %dma_wait3A_498 = arith.constant 0 : i32
    %dma_wait3A_499 = tpu.memref_slice %arg8[%dma_wait3A_486, %dma_wait3A_497, %dma_wait3A_498] : memref<8x128x24xf32, #tpu.memory_space<vmem>> -> memref<1x128x24xf32, #tpu.memory_space<vmem>>
    %dma_wait3A_500 = tpu.memref_squeeze %dma_wait3A_499 : memref<1x128x24xf32, #tpu.memory_space<vmem>> -> memref<128x24xf32, #tpu.memory_space<vmem>>
    tpu.wait_dma2 semaphore(%arg12 : memref<!tpu.dma_semaphore, #tpu.memory_space<semaphore_mem>>) src(%dma_wait3A_500 : memref<128x24xf32, #tpu.memory_space<vmem>>) dst(%dma_wait3A_496 : memref<128x24xf32, #tpu.memory_space<hbm>>)
    %dma_wait3A_501 = arith.constant 3 : i32
    %dma_wait3A_502 = arith.constant 0 : i32
    %dma_wait3A_503 = arith.constant 0 : i32
    %dma_wait3A_504 = tpu.memref_slice %arg8[%dma_wait3A_501, %dma_wait3A_502, %dma_wait3A_503] : memref<8x128x24xf32, #tpu.memory_space<vmem>> -> memref<1x128x24xf32, #tpu.memory_space<vmem>>
    %dma_wait3A_505 = tpu.memref_squeeze %dma_wait3A_504 : memref<1x128x24xf32, #tpu.memory_space<vmem>> -> memref<128x24xf32, #tpu.memory_space<vmem>>
    %dma_wait3A_506 = arith.constant 0 : i32
    %dma_wait3A_507 = tpu.memref_slice %arg5[%arg0, %add3A_246, %dma_wait3A_506] : memref<2x10240x24xf32, #tpu.memory_space<hbm>> -> memref<1x128x24xf32, #tpu.memory_space<hbm>>
    %dma_wait3A_508 = tpu.memref_squeeze %dma_wait3A_507 : memref<1x128x24xf32, #tpu.memory_space<hbm>> -> memref<128x24xf32, #tpu.memory_space<hbm>>
    %dma_wait3A_509 = arith.constant 0 : i32
    %dma_wait3A_510 = tpu.memref_slice %arg5[%arg0, %add3A_246, %dma_wait3A_509] : memref<2x10240x24xf32, #tpu.memory_space<hbm>> -> memref<1x128x24xf32, #tpu.memory_space<hbm>>
    %dma_wait3A_511 = tpu.memref_squeeze %dma_wait3A_510 : memref<1x128x24xf32, #tpu.memory_space<hbm>> -> memref<128x24xf32, #tpu.memory_space<hbm>>
    %dma_wait3A_512 = arith.constant 0 : i32
    %dma_wait3A_513 = arith.constant 0 : i32
    %dma_wait3A_514 = tpu.memref_slice %arg8[%dma_wait3A_501, %dma_wait3A_512, %dma_wait3A_513] : memref<8x128x24xf32, #tpu.memory_space<vmem>> -> memref<1x128x24xf32, #tpu.memory_space<vmem>>
    %dma_wait3A_515 = tpu.memref_squeeze %dma_wait3A_514 : memref<1x128x24xf32, #tpu.memory_space<vmem>> -> memref<128x24xf32, #tpu.memory_space<vmem>>
    tpu.wait_dma2 semaphore(%arg12 : memref<!tpu.dma_semaphore, #tpu.memory_space<semaphore_mem>>) src(%dma_wait3A_515 : memref<128x24xf32, #tpu.memory_space<vmem>>) dst(%dma_wait3A_511 : memref<128x24xf32, #tpu.memory_space<hbm>>)
    %dma_wait3A_516 = arith.constant 4 : i32
    %dma_wait3A_517 = arith.constant 0 : i32
    %dma_wait3A_518 = arith.constant 0 : i32
    %dma_wait3A_519 = tpu.memref_slice %arg8[%dma_wait3A_516, %dma_wait3A_517, %dma_wait3A_518] : memref<8x128x24xf32, #tpu.memory_space<vmem>> -> memref<1x128x24xf32, #tpu.memory_space<vmem>>
    %dma_wait3A_520 = tpu.memref_squeeze %dma_wait3A_519 : memref<1x128x24xf32, #tpu.memory_space<vmem>> -> memref<128x24xf32, #tpu.memory_space<vmem>>
    %dma_wait3A_521 = arith.constant 0 : i32
    %dma_wait3A_522 = tpu.memref_slice %arg5[%arg0, %add3A_250, %dma_wait3A_521] : memref<2x10240x24xf32, #tpu.memory_space<hbm>> -> memref<1x128x24xf32, #tpu.memory_space<hbm>>
    %dma_wait3A_523 = tpu.memref_squeeze %dma_wait3A_522 : memref<1x128x24xf32, #tpu.memory_space<hbm>> -> memref<128x24xf32, #tpu.memory_space<hbm>>
    %dma_wait3A_524 = arith.constant 0 : i32
    %dma_wait3A_525 = tpu.memref_slice %arg5[%arg0, %add3A_250, %dma_wait3A_524] : memref<2x10240x24xf32, #tpu.memory_space<hbm>> -> memref<1x128x24xf32, #tpu.memory_space<hbm>>
    %dma_wait3A_526 = tpu.memref_squeeze %dma_wait3A_525 : memref<1x128x24xf32, #tpu.memory_space<hbm>> -> memref<128x24xf32, #tpu.memory_space<hbm>>
    %dma_wait3A_527 = arith.constant 0 : i32
    %dma_wait3A_528 = arith.constant 0 : i32
    %dma_wait3A_529 = tpu.memref_slice %arg8[%dma_wait3A_516, %dma_wait3A_527, %dma_wait3A_528] : memref<8x128x24xf32, #tpu.memory_space<vmem>> -> memref<1x128x24xf32, #tpu.memory_space<vmem>>
    %dma_wait3A_530 = tpu.memref_squeeze %dma_wait3A_529 : memref<1x128x24xf32, #tpu.memory_space<vmem>> -> memref<128x24xf32, #tpu.memory_space<vmem>>
    tpu.wait_dma2 semaphore(%arg12 : memref<!tpu.dma_semaphore, #tpu.memory_space<semaphore_mem>>) src(%dma_wait3A_530 : memref<128x24xf32, #tpu.memory_space<vmem>>) dst(%dma_wait3A_526 : memref<128x24xf32, #tpu.memory_space<hbm>>)
    return
  }
}

module attributes {stable_mosaic.version = 14 : i64} {
  func.func @_tc_layer1_body(%arg0: i32, %arg1: memref<1x1000x64xf32, #tpu.memory_space<vmem>>, %arg2: memref<1x1000x64xf32, #tpu.memory_space<vmem>>, %arg3: memref<1000x1xf32, #tpu.memory_space<vmem>>, %arg4: memref<1000x128xf32, #tpu.memory_space<vmem>>, %arg5: memref<128x256xf32, #tpu.memory_space<vmem>>, %arg6: memref<1x128xf32, #tpu.memory_space<vmem>>, %arg7: memref<80x128xf32, #tpu.memory_space<vmem>>, %arg8: memref<1x40xf32, #tpu.memory_space<vmem>>, %arg9: memref<2x1000x24xf32, #tpu.memory_space<vmem>>, %arg10: memref<1000x40xf32, #tpu.memory_space<vmem>>) attributes {dimension_semantics = [#tpu.dimension_semantics<arbitrary>], iteration_bounds = array<i64: 10>, scalar_prefetch = 0 : i64, scratch_operands = 0 : i64, tpu.core_type = #tpu.core_type<tc>, window_params = [{transform_indices = @transform_0, window_bounds = array<i64: 1, 1000, 64>}, {transform_indices = @transform_1, window_bounds = array<i64: 1, 1000, 64>}, {transform_indices = @transform_2, window_bounds = array<i64: 1000, 1>}, {transform_indices = @transform_3, window_bounds = array<i64: 1000, 128>}, {pipeline_mode = #tpu.pipeline_mode<synchronous>, transform_indices = @transform_4, window_bounds = array<i64: 128, 256>}, {pipeline_mode = #tpu.pipeline_mode<synchronous>, transform_indices = @transform_5, window_bounds = array<i64: 1, 128>}, {pipeline_mode = #tpu.pipeline_mode<synchronous>, transform_indices = @transform_6, window_bounds = array<i64: 80, 128>}, {pipeline_mode = #tpu.pipeline_mode<synchronous>, transform_indices = @transform_7, window_bounds = array<i64: 1, 40>}, {transform_indices = @transform_8, window_bounds = array<i64: 2, 1000, 24>}, {transform_indices = @transform_9, window_bounds = array<i64: 1000, 40>}]} {
    %get3A = arith.constant 0 : index
    %get3A_0 = arith.constant 0 : index
    %get3A_1 = vector.load %arg3[%get3A, %get3A_0] : memref<1000x1xf32, #tpu.memory_space<vmem>>, vector<1000x1xf32>
    %max3A = arith.constant 1.000000e+00 : f32
    %max3A_2 = vector.broadcast %max3A : f32 to vector<1000x1xf32>
    %max3A_3 = arith.maximumf %get3A_1, %max3A_2 : vector<1000x1xf32>
    %get3A_4 = arith.constant 0 : index
    %get3A_5 = arith.constant 0 : index
    %get3A_6 = arith.constant 0 : index
    %get3A_7 = vector.load %arg1[%get3A_4, %get3A_5, %get3A_6] : memref<1x1000x64xf32, #tpu.memory_space<vmem>>, vector<1x1000x64xf32>
    %get3A_8 = vector.shape_cast %get3A_7 : vector<1x1000x64xf32> to vector<1000x64xf32>
    %get3A_9 = arith.constant 0 : index
    %get3A_10 = arith.constant 0 : index
    %get3A_11 = arith.constant 0 : index
    %get3A_12 = vector.load %arg2[%get3A_9, %get3A_10, %get3A_11] : memref<1x1000x64xf32, #tpu.memory_space<vmem>>, vector<1x1000x64xf32>
    %get3A_13 = vector.shape_cast %get3A_12 : vector<1x1000x64xf32> to vector<1000x64xf32>
    %concatenate3A = tpu.concatenate %get3A_8, %get3A_13 in 1 : vector<1000x64xf32>, vector<1000x64xf32> -> vector<1000x128xf32>
    %div3A = vector.broadcast %max3A_3 : vector<1000x1xf32> to vector<1000x128xf32>
    %div3A_14 = arith.divf %concatenate3A, %div3A : vector<1000x128xf32>
    %get3A_15 = arith.constant 0 : index
    %get3A_16 = arith.constant 0 : index
    %get3A_17 = vector.load %arg4[%get3A_15, %get3A_16] : memref<1000x128xf32, #tpu.memory_space<vmem>>, vector<1000x128xf32>
    %concatenate3A_18 = tpu.concatenate %div3A_14, %get3A_17 in 1 : vector<1000x128xf32>, vector<1000x128xf32> -> vector<1000x256xf32>
    %get3A_19 = arith.constant 0 : index
    %get3A_20 = arith.constant 0 : index
    %get3A_21 = vector.load %arg5[%get3A_19, %get3A_20] : memref<128x256xf32, #tpu.memory_space<vmem>>, vector<128x256xf32>
    %dot_general3A = arith.constant dense<0.000000e+00> : vector<1000x128xf32>
    %dot_general3A_22 = tpu.matmul %concatenate3A_18, %get3A_21, %dot_general3A {dimension_numbers = #tpu.dot_dimension_numbers<[1], [1], [0], [0], [0, 0, 1, 0], [], []>, transpose_lhs_hint = false} : vector<1000x256xf32>, vector<128x256xf32>, vector<1000x128xf32> -> vector<1000x128xf32>
    %get3A_23 = arith.constant 0 : index
    %get3A_24 = arith.constant 0 : index
    %get3A_25 = vector.load %arg6[%get3A_23, %get3A_24] : memref<1x128xf32, #tpu.memory_space<vmem>>, vector<1x128xf32>
    %add3A = vector.broadcast %get3A_25 : vector<1x128xf32> to vector<1000x128xf32>
    %add3A_26 = arith.addf %dot_general3A_22, %add3A : vector<1000x128xf32>
    %max3A_27 = arith.constant 0.000000e+00 : f32
    %max3A_28 = vector.broadcast %max3A_27 : f32 to vector<1000x128xf32>
    %max3A_29 = arith.maximumf %add3A_26, %max3A_28 : vector<1000x128xf32>
    %get3A_30 = arith.constant 0 : index
    %get3A_31 = arith.constant 0 : index
    %get3A_32 = vector.load %arg7[%get3A_30, %get3A_31] : memref<80x128xf32, #tpu.memory_space<vmem>>, vector<80x128xf32>
    %dot_general3A_33 = arith.constant dense<0.000000e+00> : vector<1000x80xf32>
    %dot_general3A_34 = tpu.matmul %max3A_29, %get3A_32, %dot_general3A_33 {dimension_numbers = #tpu.dot_dimension_numbers<[1], [1], [0], [0], [0, 0, 1, 0], [], []>, transpose_lhs_hint = false} : vector<1000x128xf32>, vector<80x128xf32>, vector<1000x80xf32> -> vector<1000x80xf32>
    %broadcast_in_dim3A = arith.constant 0.000000e+00 : f32
    %broadcast_in_dim3A_35 = vector.broadcast %broadcast_in_dim3A : f32 to vector<1000x4xf32>
    %slice3A = vector.extract_strided_slice %dot_general3A_34 {offsets = [0, 0], sizes = [1000, 20], strides = [1, 1]} : vector<1000x80xf32> to vector<1000x20xf32>
    %concatenate3A_36 = tpu.concatenate %slice3A, %broadcast_in_dim3A_35 in 1 : vector<1000x20xf32>, vector<1000x4xf32> -> vector<1000x24xf32>
    %swap3A = arith.constant 0 : index
    %swap3A_37 = arith.constant 0 : index
    %swap3A_38 = arith.constant 0 : index
    %swap3A_39 = vector.load %arg9[%swap3A, %swap3A_37, %swap3A_38] : memref<2x1000x24xf32, #tpu.memory_space<vmem>>, vector<1x1000x24xf32>
    %swap3A_40 = vector.shape_cast %swap3A_39 : vector<1x1000x24xf32> to vector<1000x24xf32>
    %swap3A_41 = vector.shape_cast %concatenate3A_36 : vector<1000x24xf32> to vector<1x1000x24xf32>
    tpu.vector_store %arg9[%swap3A, %swap3A_37, %swap3A_38], %swap3A_41 {strides = array<i32>} : memref<2x1000x24xf32, #tpu.memory_space<vmem>>, vector<1x1000x24xf32>,
    %slice3A_42 = vector.extract_strided_slice %dot_general3A_34 {offsets = [0, 20], sizes = [1000, 20], strides = [1, 1]} : vector<1000x80xf32> to vector<1000x20xf32>
    %concatenate3A_43 = tpu.concatenate %slice3A_42, %broadcast_in_dim3A_35 in 1 : vector<1000x20xf32>, vector<1000x4xf32> -> vector<1000x24xf32>
    %swap3A_44 = arith.constant 1 : index
    %swap3A_45 = arith.constant 0 : index
    %swap3A_46 = arith.constant 0 : index
    %swap3A_47 = vector.load %arg9[%swap3A_44, %swap3A_45, %swap3A_46] : memref<2x1000x24xf32, #tpu.memory_space<vmem>>, vector<1x1000x24xf32>
    %swap3A_48 = vector.shape_cast %swap3A_47 : vector<1x1000x24xf32> to vector<1000x24xf32>
    %swap3A_49 = vector.shape_cast %concatenate3A_43 : vector<1000x24xf32> to vector<1x1000x24xf32>
    tpu.vector_store %arg9[%swap3A_44, %swap3A_45, %swap3A_46], %swap3A_49 {strides = array<i32>} : memref<2x1000x24xf32, #tpu.memory_space<vmem>>, vector<1x1000x24xf32>,
    %slice3A_50 = vector.extract_strided_slice %dot_general3A_34 {offsets = [0, 40], sizes = [1000, 40], strides = [1, 1]} : vector<1000x80xf32> to vector<1000x40xf32>
    %get3A_51 = arith.constant 0 : index
    %get3A_52 = arith.constant 0 : index
    %get3A_53 = vector.load %arg8[%get3A_51, %get3A_52] : memref<1x40xf32, #tpu.memory_space<vmem>>, vector<1x40xf32>
    %add3A_54 = vector.broadcast %get3A_53 : vector<1x40xf32> to vector<1000x40xf32>
    %add3A_55 = arith.addf %slice3A_50, %add3A_54 : vector<1000x40xf32>
    %swap3A_56 = arith.constant 0 : index
    %swap3A_57 = arith.constant 0 : index
    %swap3A_58 = vector.load %arg10[%swap3A_56, %swap3A_57] : memref<1000x40xf32, #tpu.memory_space<vmem>>, vector<1000x40xf32>
    tpu.vector_store %arg10[%swap3A_56, %swap3A_57], %add3A_55 {strides = array<i32>} : memref<1000x40xf32, #tpu.memory_space<vmem>>, vector<1000x40xf32>,
    return
  }
  func.func @transform_0(%arg0: i32) -> (i32, i32, i32) {
    %c0_i32 = arith.constant 0 : i32
    %c0_i32_0 = arith.constant 0 : i32
    %c0_i32_1 = arith.constant 0 : i32
    return %c0_i32, %arg0, %c0_i32_0 : i32, i32, i32
  }
  func.func @transform_1(%arg0: i32) -> (i32, i32, i32) {
    %c1_i32 = arith.constant 1 : i32
    %c0_i32 = arith.constant 0 : i32
    %c0_i32_0 = arith.constant 0 : i32
    return %c1_i32, %arg0, %c0_i32 : i32, i32, i32
  }
  func.func @transform_2(%arg0: i32) -> (i32, i32) {
    %c0_i32 = arith.constant 0 : i32
    %c0_i32_0 = arith.constant 0 : i32
    return %arg0, %c0_i32 : i32, i32
  }
  func.func @transform_3(%arg0: i32) -> (i32, i32) {
    %c0_i32 = arith.constant 0 : i32
    %c0_i32_0 = arith.constant 0 : i32
    return %arg0, %c0_i32 : i32, i32
  }
  func.func @transform_4(%arg0: i32) -> (i32, i32) {
    %c0_i32 = arith.constant 0 : i32
    %c0_i32_0 = arith.constant 0 : i32
    %c0_i32_1 = arith.constant 0 : i32
    return %c0_i32, %c0_i32_0 : i32, i32
  }
  func.func @transform_5(%arg0: i32) -> (i32, i32) {
    %c0_i32 = arith.constant 0 : i32
    %c0_i32_0 = arith.constant 0 : i32
    %c0_i32_1 = arith.constant 0 : i32
    return %c0_i32, %c0_i32_0 : i32, i32
  }
  func.func @transform_6(%arg0: i32) -> (i32, i32) {
    %c0_i32 = arith.constant 0 : i32
    %c0_i32_0 = arith.constant 0 : i32
    %c0_i32_1 = arith.constant 0 : i32
    return %c0_i32, %c0_i32_0 : i32, i32
  }
  func.func @transform_7(%arg0: i32) -> (i32, i32) {
    %c0_i32 = arith.constant 0 : i32
    %c0_i32_0 = arith.constant 0 : i32
    %c0_i32_1 = arith.constant 0 : i32
    return %c0_i32, %c0_i32_0 : i32, i32
  }
  func.func @transform_8(%arg0: i32) -> (i32, i32, i32) {
    %c0_i32 = arith.constant 0 : i32
    %c0_i32_0 = arith.constant 0 : i32
    %c0_i32_1 = arith.constant 0 : i32
    return %c0_i32, %arg0, %c0_i32_0 : i32, i32, i32
  }
  func.func @transform_9(%arg0: i32) -> (i32, i32) {
    %c0_i32 = arith.constant 0 : i32
    %c0_i32_0 = arith.constant 0 : i32
    return %arg0, %c0_i32 : i32, i32
  }
}

module attributes {stable_mosaic.version = 14 : i64} {
  func.func @_tc_layer2_body(%arg0: i32, %arg1: memref<1x1000x24xf32, #tpu.memory_space<vmem>>, %arg2: memref<1x1000x24xf32, #tpu.memory_space<vmem>>, %arg3: memref<1000x1xf32, #tpu.memory_space<vmem>>, %arg4: memref<1000x40xf32, #tpu.memory_space<vmem>>, %arg5: memref<1000x40xf32, #tpu.memory_space<vmem>>) attributes {dimension_semantics = [#tpu.dimension_semantics<arbitrary>], iteration_bounds = array<i64: 10>, scalar_prefetch = 0 : i64, scratch_operands = 0 : i64, tpu.core_type = #tpu.core_type<tc>, window_params = [{transform_indices = @transform_0, window_bounds = array<i64: 1, 1000, 24>}, {transform_indices = @transform_1, window_bounds = array<i64: 1, 1000, 24>}, {transform_indices = @transform_2, window_bounds = array<i64: 1000, 1>}, {transform_indices = @transform_3, window_bounds = array<i64: 1000, 40>}, {transform_indices = @transform_4, window_bounds = array<i64: 1000, 40>}]} {
    %get3A = arith.constant 0 : index
    %get3A_0 = arith.constant 0 : index
    %get3A_1 = arith.constant 0 : index
    %get3A_2 = vector.load %arg1[%get3A, %get3A_0, %get3A_1] : memref<1x1000x24xf32, #tpu.memory_space<vmem>>, vector<1x1000x20xf32>
    %get3A_3 = vector.shape_cast %get3A_2 : vector<1x1000x20xf32> to vector<1000x20xf32>
    %get3A_4 = arith.constant 0 : index
    %get3A_5 = arith.constant 0 : index
    %get3A_6 = arith.constant 0 : index
    %get3A_7 = vector.load %arg2[%get3A_4, %get3A_5, %get3A_6] : memref<1x1000x24xf32, #tpu.memory_space<vmem>>, vector<1x1000x20xf32>
    %get3A_8 = vector.shape_cast %get3A_7 : vector<1x1000x20xf32> to vector<1000x20xf32>
    %concatenate3A = tpu.concatenate %get3A_3, %get3A_8 in 1 : vector<1000x20xf32>, vector<1000x20xf32> -> vector<1000x40xf32>
    %get3A_9 = arith.constant 0 : index
    %get3A_10 = arith.constant 0 : index
    %get3A_11 = vector.load %arg3[%get3A_9, %get3A_10] : memref<1000x1xf32, #tpu.memory_space<vmem>>, vector<1000x1xf32>
    %max3A = arith.constant 1.000000e+00 : f32
    %max3A_12 = vector.broadcast %max3A : f32 to vector<1000x1xf32>
    %max3A_13 = arith.maximumf %get3A_11, %max3A_12 : vector<1000x1xf32>
    %div3A = vector.broadcast %max3A_13 : vector<1000x1xf32> to vector<1000x40xf32>
    %div3A_14 = arith.divf %concatenate3A, %div3A : vector<1000x40xf32>
    %get3A_15 = arith.constant 0 : index
    %get3A_16 = arith.constant 0 : index
    %get3A_17 = vector.load %arg4[%get3A_15, %get3A_16] : memref<1000x40xf32, #tpu.memory_space<vmem>>, vector<1000x40xf32>
    %add3A = arith.addf %div3A_14, %get3A_17 : vector<1000x40xf32>
    %reduce_max3A = arith.constant dense<0xFF800000> : vector<1000xf32>
    %reduce_max3A_18 = vector.multi_reduction <maximumf>, %add3A, %reduce_max3A [1] : vector<1000x40xf32> to vector<1000xf32>
    %broadcast_in_dim3A = vector.shape_cast %reduce_max3A_18 : vector<1000xf32> to vector<1000x1xf32>
    %sub3A = vector.broadcast %broadcast_in_dim3A : vector<1000x1xf32> to vector<1000x40xf32>
    %sub3A_19 = arith.subf %add3A, %sub3A : vector<1000x40xf32>
    %exp3A = math.exp %sub3A_19 : vector<1000x40xf32>
    %reduce_sum3A = arith.constant dense<0.000000e+00> : vector<1000xf32>
    %reduce_sum3A_20 = vector.multi_reduction <add>, %exp3A, %reduce_sum3A [1] : vector<1000x40xf32> to vector<1000xf32>
    %broadcast_in_dim3A_21 = vector.shape_cast %reduce_sum3A_20 : vector<1000xf32> to vector<1000x1xf32>
    %log3A = math.log %broadcast_in_dim3A_21 : vector<1000x1xf32>
    %sub3A_22 = vector.broadcast %log3A : vector<1000x1xf32> to vector<1000x40xf32>
    %sub3A_23 = arith.subf %sub3A_19, %sub3A_22 : vector<1000x40xf32>
    %swap3A = arith.constant 0 : index
    %swap3A_24 = arith.constant 0 : index
    %swap3A_25 = vector.load %arg5[%swap3A, %swap3A_24] : memref<1000x40xf32, #tpu.memory_space<vmem>>, vector<1000x40xf32>
    tpu.vector_store %arg5[%swap3A, %swap3A_24], %sub3A_23 {strides = array<i32>} : memref<1000x40xf32, #tpu.memory_space<vmem>>, vector<1000x40xf32>,
    return
  }
  func.func @transform_0(%arg0: i32) -> (i32, i32, i32) {
    %c0_i32 = arith.constant 0 : i32
    %c0_i32_0 = arith.constant 0 : i32
    %c0_i32_1 = arith.constant 0 : i32
    return %c0_i32, %arg0, %c0_i32_0 : i32, i32, i32
  }
  func.func @transform_1(%arg0: i32) -> (i32, i32, i32) {
    %c1_i32 = arith.constant 1 : i32
    %c0_i32 = arith.constant 0 : i32
    %c0_i32_0 = arith.constant 0 : i32
    return %c1_i32, %arg0, %c0_i32 : i32, i32, i32
  }
  func.func @transform_2(%arg0: i32) -> (i32, i32) {
    %c0_i32 = arith.constant 0 : i32
    %c0_i32_0 = arith.constant 0 : i32
    return %arg0, %c0_i32 : i32, i32
  }
  func.func @transform_3(%arg0: i32) -> (i32, i32) {
    %c0_i32 = arith.constant 0 : i32
    %c0_i32_0 = arith.constant 0 : i32
    return %arg0, %c0_i32 : i32, i32
  }
  func.func @transform_4(%arg0: i32) -> (i32, i32) {
    %c0_i32 = arith.constant 0 : i32
    %c0_i32_0 = arith.constant 0 : i32
    return %arg0, %c0_i32 : i32, i32
  }
}

</mosaic_0001>

<sc_bundles>
// kernel: kernel.6.cloned.1.call-start
scs
__scs_entry_jumppad:
0x0: {  	(pc) =	sbr.rel $0x88, $3  }
0x1: {  	(tag) =	ssettag $0x0;
	lr =	simm.s32 $0x1  }
0x2: {  	[smem:$0x3F99] =	sst lr;
	_ =	strace $0xD0000000  }
0x3: {  	_ = 	snop  }
0x4: {  	_ = 	snop  }
0x5: {  	_ = 	snop  }
0x6: {  	_ = 	snop  }
0x7: {  	_ = 	snop  }
__scs_overlays_trampoline_lowered:
0x8: {  	[smem:$0x3FA8] =	sst s0  }
0x9: {  	[smem:$0x3FA9] =	sst s1  }
0xa: {  	[smem:$0x3FAA] =	sst s2  }
0xb: {  	[smem:$0x3FAB] =	sst s3  }
0xc: {  	[smem:$0x3FAC] =	sst s4  }
0xd: {  	[smem:$0x3FAD] =	sst s5  }
0xe: {  	[smem:$0x3FAE] =	sst s6  }
0xf: {  	[smem:$0x3FAF] =	sst s7  }
0x10: {  	[smem:$0x3FB0] =	sst s8  }
0x11: {  	[smem:$0x3FB1] =	sst s9;
	s0 =	simm.s32 @!p0 $0x0  }
0x12: {  	s1 =	sld [smem:$0x3F97];
	s0 =	simm.s32 @p0 $0x1  }
0x13: {  	[smem:$0x3FB2] =	sst s0;
	s0 =	simm.s32 @!p1 $0x0  }
0x14: {  	s2 =	sld [smem:$0x3F96];
	s0 =	simm.s32 @p1 $0x1  }
0x15: {  	[smem:$0x3FB3] =	sst s0;
	s0 =	simm.s32 @!p2 $0x0  }
0x16: {  	s3 =	sld [smem:$0x3FDB];
	s0 =	simm.s32 @p2 $0x1  }
0x17: {  	s4 =	simm.s32 $0x1BF5;
	[smem:$0x3FB5] =	sst s0  }
0x18: {  	s0 =	sld [smem:$0x3F98];
	_ =	swait.ge [sflag:s4], $0x0  }
0x19: {  	s7 =	sld [smem:$0x3F99]  }
0x1a: {  	s8 =	sadd.s32 $0xFFFFE003, lr  }
0x1b: {  	s9 =	sadd.s32 $0xFFFFFEF7, lr;
	s5 =	simm.s32 $0xFFFFFFFF;
	p2 =	slt.u32 s8, $0xFFFFF086  }
0x1c: {  	p1 =	slt.u32 s9, $0xF7A;
	s5 =	simm.s32 @!p2 $0x0  }
0x1d: {  	s5 =	simm.s32 @p1 $0x1;
	p0 =	seq.s32 s7, s2  }
0x1e: {  	s7 =	smul.u32 @!p0 $0xF7A, s2;
	p2 =	seq.s32 @!p0 s5, $0x0  }
0x1f: {  	s9 =	smul.u32 $0xF7A, s1;
	s8 =	simm.s32 @!p0 $0x1BF5;
	p2 =	por !p2, p0  }
0x20: {  	[sflag:s8] =	ssyncset.s32 @!p0 $0xFFFFF086;
	s6 =	sadd.s32 @!p0 s3, s7;
	s7 =	simm.s32 @!p0 $0x108  }
0x21: {  	s3 =	sadd.s32 s3, s9;
	s6 =	sadd.s32 @!p0 $0x88, s6;
	s7 =	simm.s32 @p2 $0x1082  }
0x22: {  	[simem:s7], [sflag:s8] =	dma.local @!p0 [hbm:s6], $0xF7A  }
0x23: {  	s9 =	sor.u32 $0xD0000000, s2;
	s6 =	simm.s32 $0x108;
	_ =	swait.ge @!p0 [sflag:s8], $0x0  }
0x24: {  	s3 =	sadd.s32 $0x88, s3;
	s6 =	simm.s32 @!p1 $0x1082;
	[sflag:s4] =	ssyncset.s32 $0xFFFFF086  }
0x25: {  	[simem:s6], [sflag:s4] =	dma.local [hbm:s3], $0xF7A  }
0x26: {  	[smem:$0x3F99] =	sst s1;
	(tag) =	ssettag s2;
	_ =	strace s9  }
0x27: {  	s1 =	sld [smem:$0x3FA9]  }
0x28: {  	s2 =	sld [smem:$0x3FAA]  }
0x29: {  	s4 =	sld [smem:$0x3FAC]  }
0x2a: {  	p0 =	seq.s32 s5, $0x0;
	s5 =	sld [smem:$0x3FAD]  }
0x2b: {  	s6 =	sld [smem:$0x3FAE]  }
0x2c: {  	s7 =	sld [smem:$0x3FAF]  }
0x2d: {  	s3 =	simm.s32 $0x108;
	s8 =	sld [smem:$0x3FB0]  }
0x2e: {  	s3 =	simm.s32 @!p0 $0x1082;
	s9 =	sld [smem:$0x3FB1]  }
0x2f: {  	lr =	sadd.s32 s0, s3;
	s0 =	sld [smem:$0x3FA8]  }
0x30: {  	s3 =	sld [smem:$0x3FAB]  }
0x31: {  	[smem:$0x3FB4] =	sst s10  }
0x32: {  	s10 =	sld [smem:$0x3FB2];
	_ =	sdelay $0x3  }
0x33: {  	p0 =	seq.s32 s10, $0x1;
	s10 =	sld [smem:$0x3FB4];
	_ =	sdelay $0x3  }
0x34: {  	[smem:$0x3FB4] =	sst s10  }
0x35: {  	s10 =	sld [smem:$0x3FB3];
	_ =	sdelay $0x3  }
0x36: {  	p1 =	seq.s32 s10, $0x1;
	s10 =	sld [smem:$0x3FB4];
	_ =	sdelay $0x3  }
0x37: {  	[smem:$0x3FB4] =	sst s10  }
0x38: {  	s10 =	sld [smem:$0x3FB5]  }
0x39: {  	_ = 	snop;
	(pc) =	sbr.ind lr, $3  }
0x3a: {  	_ = 	snop  }
0x3b: {  	_ = 	snop  }
0x3c: {  	p2 =	seq.s32 s10, $0x1;
	s10 =	sld [smem:$0x3FB4]  }
0x3d: {  	_ =	shalt  }
0x3e: {  	_ =	shalt  }
0x3f: {  	_ =	shalt  }
0x40: {  	_ =	shalt  }
0x41: {  	_ =	shalt  }
0x42: {  	_ =	shalt  }
0x43: {  	_ =	shalt  }
0x44: {  	_ =	shalt  }
0x45: {  	_ =	shalt  }
0x46: {  	_ =	shalt  }
0x47: {  	_ =	shalt  }
0x48: {  	_ =	shalt  }
0x49: {  	_ =	shalt  }
0x4a: {  	_ =	shalt  }
0x4b: {  	_ =	shalt  }
0x4c: {  	_ =	shalt  }
0x4d: {  	_ =	shalt  }
0x4e: {  	_ =	shalt  }
0x4f: {  	_ =	shalt  }
0x50: {  	_ =	shalt  }
0x51: {  	_ =	shalt  }
0x52: {  	_ =	shalt  }
0x53: {  	_ =	shalt  }
0x54: {  	_ =	shalt  }
0x55: {  	_ =	shalt  }
0x56: {  	_ =	shalt  }
0x57: {  	_ =	shalt  }
0x58: {  	_ =	shalt  }
0x59: {  	_ =	shalt  }
0x5a: {  	_ =	shalt  }
0x5b: {  	_ =	shalt  }
0x5c: {  	_ =	shalt  }
0x5d: {  	_ =	shalt  }
0x5e: {  	_ =	shalt  }
0x5f: {  	_ =	shalt  }
0x60: {  	_ =	shalt  }
0x61: {  	_ =	shalt  }
0x62: {  	_ =	shalt  }
0x63: {  	_ =	shalt  }
0x64: {  	_ =	shalt  }
0x65: {  	_ =	shalt  }
0x66: {  	_ =	shalt  }
0x67: {  	_ =	shalt  }
0x68: {  	_ =	shalt  }
0x69: {  	_ =	shalt  }
0x6a: {  	_ =	shalt  }
0x6b: {  	_ =	shalt  }
0x6c: {  	_ =	shalt  }
0x6d: {  	_ =	shalt  }
0x6e: {  	_ =	shalt  }
0x6f: {  	_ =	shalt  }
0x70: {  	_ =	shalt  }
0x71: {  	_ =	shalt  }
0x72: {  	_ =	shalt  }
0x73: {  	_ =	shalt  }
0x74: {  	_ =	shalt  }
0x75: {  	_ =	shalt  }
0x76: {  	_ =	shalt  }
0x77: {  	_ =	shalt  }
0x78: {  	_ =	shalt  }
0x79: {  	_ =	shalt  }
0x7a: {  	_ =	shalt  }
0x7b: {  	_ =	shalt  }
0x7c: {  	_ =	shalt  }
0x7d: {  	_ =	shalt  }
0x7e: {  	_ =	shalt  }
0x7f: {  	_ =	shalt  }
0x80: {  	_ =	shalt  }
0x81: {  	_ =	shalt  }
0x82: {  	_ =	shalt  }
0x83: {  	_ =	shalt  }
0x84: {  	_ =	shalt  }
0x85: {  	_ =	shalt  }
0x86: {  	_ =	shalt  }
0x87: {  	_ =	shalt  }
.Lfunc_end0:
.L_simem_size_0:
called_computation_lowered:
.L_overlay_start_0:
0x88: {  	s2 =	sld [smem:$0x3FD9]  }
0x89: {  	s3 =	sld [smem:$0x3FFE];
	_ =	sdelay $0x1  }
0x8a: {  	s1 =	srdreg.scid  }
0x8b: {  	s0 =	sand.u32 $0x1, s1  }
0x8c: {  	s17 =	sshll.u32 s0, $0xA;
	s2 =	sadd.s32 s3, s2  }
0x8d: {  	s2 =	sadd.s32 s2, s17  }
0x8e: {  	[smem:$0x3FC0] =	sst s2  }
0x8f: {  	_ = 	snop  }
0x90: {  	s2 =	sld [smem:$0x3FD0];
	(tm) =	ssettm $0x1  }
0x91: {  	s18 =	sld [smem:$0x3FFB];
	_ =	sdelay $0x3  }
0x92: {  	_ =	strace s18  }
0x93: {  	s3 =	sld [smem:$0x3FFC];
	_ =	sdelay $0x3  }
0x94: {  	_ =	strace s3  }
0x95: {  	s3 =	sld [smem:$0x3FFD];
	_ =	sdelay $0x3  }
0x96: {  	_ =	strace s3  }
0x97: {  	_ =	strace $0x8FFFFFFF  }
0x98: {  	s19 =	sld [smem:$0x3FDB];
	_ =	sdelay $0x1  }
0x99: {  	s4 =	simm.s32 $_scs_section_size  }
0x9a: {  	s5 =	simm.s32 $_size__tile_overlayer_lowered;
	s6 =	simm.s32 $_tile_overlayer_lowered  }
0x9b: {  	s22 =	simm.s32 $0x1BFF;
	s21 =	sshll.u32 s6, $0x1;
	s3 =	sadd.s32 s4, s19  }
0x9c: {  	s7 =	simm.s32 $0x0;
	s20 =	sshll.u32 s5, $0x1;
	s5 =	sadd.s32 s21, s3  }
0x9d: {  	[timem:s7], [sflag:s22] =	dma.local [hbm:s5], s20  }
0x9e: {  	_ =	swait.ge [sflag:s22], s20  }
0x9f: {  	s4 =	ssub.s32 $0x0, s20;
	[sflag:s22] =	ssyncset.done $0x0  }
0xa0: {  	[sflag:s22] =	ssyncadd.s32 s4;
	_ =	sdelay $0x1  }
0xa1: {  	s23 =	simm.s32 $0x1B8B  }
0xa2: {  	_ =	swait.ge [sflag:s23], $0x1  }
0xa3: {  	[sflag:s23] =	ssyncset.done $0x0  }
0xa4: {  	s25 =	simm.s32 $0x1B8E;
	s24 =	sld [smem:$0x3FFE];
	[sflag:s23] =	ssyncadd.s32 $0xFFFFFFFF  }
0xa5: {  	s26 =	simm.s32 $execute0_lowered;
	[smem:$0x3FD2] =	sst s25  }
0xa6: {  	s5 =	sshll.u32 s26, $0x1;
	_ =	strace $0x80000046;
	[dreg:$0x1] =	wrdreg $0xFFFFFFFF  }
0xa7: {  	s28 =	simm.s32 $_size_execute0_lowered;
	s3 =	sadd.s32 s3, s5;
	[dreg:$0x0] =	wrdreg $0x0  }
0xa8: {  	s5 =	sshll.u32 s28, $0x1;
	[dreg:$0x2] =	wrdreg s3  }
0xa9: {  	[dreg:$0x3] =	wrdreg s5  }
0xaa: {  	[dreg:$0x4] =	wrdreg $0xC0  }
0xab: {  	_ =	task [dreg:s7], $0x5FFFF  }
0xac: {  	[dreg:$0x1] =	wrdreg $0xFFFFFFFF  }
0xad: {  	[dreg:$0x0] =	wrdreg $0x60  }
0xae: {  	[dreg:$0x2] =	wrdreg s24  }
0xaf: {  	[dreg:$0x3] =	wrdreg s2  }
0xb0: {  	[dreg:$0x4] =	wrdreg $0x145000  }
0xb1: {  	[dreg:$0x5] =	wrdreg $0x1E5000  }
0xb2: {  	[dreg:$0x6] =	wrdreg $0x9  }
0xb3: {  	_ =	task.clear_ibuf [dreg:s7], $0x7FFFF;
	_ =	strace $0x90000046  }
0xb4: {  	s29 =	simm.s32 $0x9;
	_ =	strace $0x80000048  }
0xb5: {  	_ =	swait.ge [sflag:s29], $0x1  }
0xb6: {  	[sflag:s29] =	ssyncadd.s32 $0xFFFFFFFF  }
0xb7: {  	_ =	strace $0x90000048  }
0xb8: {  	_ =	sfence  }
0xb9: {  	s30 =	sld [smem:$0x0];
	_ =	sdelay $0x2  }
0xba: {  	s31 =	sshll.u32 s1, $0xD;
	s1 =	sshrl.u32 s1, $0x2  }
0xbb: {  	s3 =	sand.u32 $0x4000, s31;
	s1 =	sadd.s32 s1, s30  }
0xbc: {  	s0 =	sor.u32 s3, s0;
	s1 =	sshll.u32 s1, $0x11  }
0xbd: {  	s0 =	sor.u32 s1, s0  }
0xbe: {  	s0 =	sadd.s32 $0x8F2B, s0  }
0xbf: {  	[sflag:s0] =	ssyncadd.remote.s32 $0x1  }
0xc0: {  	_ =	sfence.sel $0xFFFF  }
0xc1: {  	[dreg:$0x0] =	wrdreg $0xFFFFFFFF;
	(pc) =	sbr.abs _section_cstart, $3  }
0xc2: {  	[dreg:$0x1] =	wrdreg $0xFFFFFFFF  }
0xc3: {  	_ =	task.clear_ibuf [dreg:s7], $0x2FFFF;
	_ =	strace $0x9FFFFFFF  }
0xc4: {  	(tm) =	ssettm $0x7FFFFFFF  }
0xc5: {  	_ =	shalt  }
tec
execute0_lowered:
.L_overlay_start_1:
0x0: {  	(tag) =	ssettag $0x1  }
0x1: {  	s3 =	rddreg [dreg:$0x0]  }
0x2: {  	s0 =	rddreg [dreg:$0x1]  }
0x3: {  	s1 =	rddreg [dreg:$0x2]  }
0x4: {  	s2 =	rddreg [dreg:$0x3];
	s21 =	stileid.u32  }
0x5: {  	s4 =	srdreg.scid;
	s7 =	smul.u32 $0x4E80, s21  }
0x6: {  	s30 =	simm.s32 $0xDD00;
	s5 =	sand.u32 $0x1, s4;
	s9 =	smul.u32 $0x280, s21  }
0x7: {  	s4 =	simm.s32 $0x0;
	s10 =	sadd.s32 $0x3DC00, s3;
	s6 =	smul.u32 $0x13880, s5  }
0x8: {  	[smem:$0x7FF] =	sst s4;
	s8 =	ssub.s32 $0x2, s5;
	s15 =	smul.u32 $0xA0000, s5  }
0x9: {  	p0 =	sne.s32 s5, $0x0;
	_ =	strace $0x80000047;
	s7 =	sshrl.u32 s7, $0x3  }
0xa: {  	s11 =	sshrl.u32 s8, $0x1;
	s12 =	sadd.s32 $0x80, s9;
	s13 =	sadd.s32 $0x100, s9  }
0xb: {  	s14 =	sadd.s32 $0x180, s9;
	s9 =	sadd.s32 $0x200, s9;
	s6 =	sadd.s32 s6, s3  }
0xc: {  	s7 =	sadd.s32 s7, s3;
	s8 =	ssub.s32 s8, s11;
	s11 =	smul.u32 $0xA000, s21  }
0xd: {  	s16 =	sshll.u32 s12, $0x6;
	s18 =	sshll.u32 s13, $0x6;
	s20 =	sshll.u32 s14, $0x6  }
0xe: {  	s23 =	sshll.u32 s9, $0x6;
	s19 =	sadd.s32 s15, s16;
	s25 =	sadd.s32 s15, s18  }
0xf: {  	s26 =	sadd.s32 s15, s20;
	s5 =	sadd.s32 $0x33700, s7;
	s16 =	sadd.s32 s16, s1  }
0x10: {  	s31 =	sadd.s32 $0x2800, s6;
	s17 =	sadd.s32 s11, s15;
	s19 =	sshrl.u32 s19, $0x3  }
0x11: {  	s15 =	sadd.s32 s15, s23;
	s22 =	sshrl.u32 s26, $0x3;
	s26 =	sadd.s32 $0x29A00, s7  }
0x12: {  	[dreg:$0xe] =	wrdreg s5;
	s7 =	sshll.u32 s12, $0x3;
	s5 =	simm.s32 $0x4  }
0x13: {  	s17 =	sshrl.u32 s17, $0x3;
	s24 =	sadd.s32 s10, s19;
	[dreg:$0xd] =	wrdreg s26  }
0x14: {  	s15 =	sshrl.u32 s15, $0x3;
	s26 =	smax.u32 s8, $0x1;
	[dreg:$0x6] =	wrdreg s24  }
0x15: {  	s28 =	sadd.s32 s7, s2;
	s17 =	sadd.s32 s10, s17;
	[dreg:$0x15] =	wrdreg s26  }
0x16: {  	s7 =	simm.s32 $0x11D00;
	s24 =	sadd.s32 $0x3D400, s3;
	[dreg:$0x5] =	wrdreg s17  }
0x17: {  	s17 =	sshrl.u32 s25, $0x3;
	[dreg:$0xa] =	wrdreg s24;
	s25 =	sadd.s32 $0x3DA00, s3  }
0x18: {  	s26 =	simm.s32 $0x0;
	s3 =	sadd.s32 $0x3D800, s3;
	[dreg:$0xb] =	wrdreg s25  }
0x19: {  	s24 =	sadd.s32 s0, s14;
	s17 =	sadd.s32 s10, s17;
	[dreg:$0xc] =	wrdreg s3  }
0x1a: {  	[dreg:$0x12] =	wrdreg s24;
	s25 =	sshll.u32 s9, $0x3;
	s24 =	simm.s32 $0x2  }
0x1b: {  	[dreg:$0x7] =	wrdreg s17;
	s17 =	sadd.s32 s10, s22;
	s10 =	sadd.s32 s10, s15  }
0x1c: {  	s15 =	sadd.s32 s11, s1;
	s11 =	smul.u32 $0x1400, s21;
	[dreg:$0x8] =	wrdreg s17  }
0x1d: {  	s21 =	sadd.s32 s0, s12;
	s22 =	sadd.s32 s0, s13;
	[dreg:$0x9] =	wrdreg s10  }
0x1e: {  	s10 =	sadd.s32 s18, s1;
	s18 =	sshll.u32 s13, $0x3;
	[dreg:$0x10] =	wrdreg s21  }
0x1f: {  	s17 =	sadd.s32 s20, s1;
	s20 =	sshll.u32 s14, $0x3;
	[dreg:$0x11] =	wrdreg s22  }
0x20: {  	s13 =	sadd.s32 s23, s1;
	s29 =	sadd.s32 s20, s2;
	s20 =	sadd.s32 s25, s2  }
0x21: {  	s19 =	sadd.s32 s18, s2;
	s18 =	sadd.s32 s11, s2;
	[dreg:$0x14] =	wrdreg s20  }
0x22: {  	s3 =	sshrl.u32 s11, $0x3;
	s14 =	smov.u32 s10;
	[dreg:$0x16] =	wrdreg s29  }
0x23: {  	s10 =	simm.s32 $0x80;
	s3 =	sadd.s32 s0, s3;
	[dreg:$0x18] =	wrdreg s18  }
0x24: {  	s25 =	simm.s32 $0x3;
	s0 =	sadd.s32 s0, s9;
	[dreg:$0xf] =	wrdreg s3  }
0x25: {  	s11 =	simm.s32 $0x14100;
	s23 =	smov.u32 s19;
	[dreg:$0x13] =	wrdreg s0  }
0x26: {  	v0 =	vimm.s32 $0x2720;
	s9 =	simm.s32 $0x1;
	s3 =	simm.s32 $0xFD00;
	[dreg:$0x17] =	wrdreg s23  }
.LBB2_1:
0x27: {  	s0 =	rddreg [dreg:$0xa];
	s6 =	simm.s32 $0x12100  }
0x28: {  	[tilespmem:s6], [sflag:$0x4] =	stream.linear.gather [hbm4b:s0+s4], $0x2000, $0x38;
	[tilespmem:$0x1F900] =	vst v63  }
0x29: {  	_ =	swait.ge [sflag:s5], $0x2000  }
0x2a: {  	[sflag:s5] =	ssyncset.done $0x0  }
0x2b: {  	s12 =	rddreg [dreg:$0xb];
	[sflag:s5] =	ssyncadd.s32 $0xFFFFE000  }
0x2c: {  	[tilespmem:s11], [sflag:$0x4] =	stream.linear.gather [hbm4b:s12+s4], $0x400, $0x38;
	[tilespmem:$0x1F900] =	vst v63  }
0x2d: {  	_ =	swait.ge [sflag:s5], $0x400  }
0x2e: {  	[sflag:s5] =	ssyncset.done $0x0  }
0x2f: {  	s19 =	rddreg [dreg:$0xc];
	[sflag:s5] =	ssyncadd.s32 $0xFFFFFC00  }
0x30: {  	[tilespmem:s7], [sflag:$0x4] =	stream.linear.gather [hbm4b:s19+s4], $0x400, $0x38;
	[tilespmem:$0x1F900] =	vst v63  }
0x31: {  	_ =	swait.ge [sflag:s5], $0x400  }
0x32: {  	[sflag:s5] =	ssyncset.done $0x0  }
0x33: {  	s21 =	rddreg [dreg:$0xd];
	[sflag:s5] =	ssyncadd.s32 $0xFFFFFC00  }
0x34: {  	[tilespmem:s4], [sflag:$0x4] =	stream.linear.gather [hbm4b:s21+s4], $0x4E80, $0x38;
	[tilespmem:$0x1F900] =	vst v63  }
0x35: {  	_ =	swait.ge [sflag:s5], $0x4E80  }
0x36: {  	[sflag:s5] =	ssyncset.done $0x0  }
0x37: {  	s21 =	simm.s32 $0x4E80;
	s22 =	rddreg [dreg:$0xe];
	[sflag:s5] =	ssyncadd.s32 $0xFFFFB180  }
0x38: {  	[tilespmem:s21], [sflag:$0x4] =	stream.linear.gather [hbm4b:s22+s4], $0x4E80, $0x38;
	[tilespmem:$0x1F900] =	vst v63  }
0x39: {  	_ =	swait.ge [sflag:s5], $0x4E80  }
0x3a: {  	[sflag:s5] =	ssyncset.done $0x0  }
0x3b: {  	[sflag:s5] =	ssyncadd.s32 $0xFFFFB180  }
0x3c: {  	[tilespmem:$0x9CA0] =	vst v0  }
0x3d: {  	[tilespmem:$0x9CB0] =	vst v0  }
0x3e: {  	[tilespmem:$0x9CC0] =	vst v0  }
0x3f: {  	[tilespmem:$0x9CD0] =	vst v0  }
0x40: {  	[tilespmem:$0x9CE0] =	vst v0  }
0x41: {  	[tilespmem:$0x9CF0] =	vst v0  }
0x42: {  	[spmem:s15] =	stream.linear.scatter [tilespmem:s6], [sflag:$0x1], $0x2000, $0x38;
	[tilespmem:$0x1F900] =	vst v63  }
0x43: {  	_ = 	snop  }
0x44: {  	[spmem:s18] =	stream.linear.scatter [tilespmem:s11], [sflag:$0x2], $0x400, $0x38;
	[tilespmem:$0x1F900] =	vst v63  }
0x45: {  	_ = 	snop  }
0x46: {  	[spmem:s16] =	stream.linear.scatter [tilespmem:s6], [sflag:$0x1], $0x2000, $0x38;
	[tilespmem:$0x1F900] =	vst v63  }
0x47: {  	_ = 	snop  }
0x48: {  	[spmem:s28] =	stream.linear.scatter [tilespmem:s11], [sflag:$0x2], $0x400, $0x38;
	[tilespmem:$0x1F900] =	vst v63  }
0x49: {  	_ = 	snop  }
0x4a: {  	[spmem:s14] =	stream.linear.scatter [tilespmem:s6], [sflag:$0x1], $0x2000, $0x38;
	[tilespmem:$0x1F900] =	vst v63  }
0x4b: {  	_ = 	snop  }
0x4c: {  	[spmem:s23] =	stream.linear.scatter [tilespmem:s11], [sflag:$0x2], $0x400, $0x38;
	[tilespmem:$0x1F900] =	vst v63  }
0x4d: {  	_ = 	snop  }
0x4e: {  	[spmem:s17] =	stream.linear.scatter [tilespmem:s6], [sflag:$0x1], $0x2000, $0x38;
	[tilespmem:$0x1F900] =	vst v63  }
0x4f: {  	s8 =	smov.u32 s29  }
0x50: {  	[spmem:s8] =	stream.linear.scatter [tilespmem:s11], [sflag:$0x2], $0x400, $0x38;
	[tilespmem:$0x1F900] =	vst v63  }
0x51: {  	_ = 	snop  }
0x52: {  	[spmem:s13] =	stream.linear.scatter [tilespmem:s6], [sflag:$0x1], $0x2000, $0x38;
	[tilespmem:$0x1F900] =	vst v63  }
0x53: {  	s0 =	smov.u32 s20  }
0x54: {  	[spmem:s0] =	stream.linear.scatter [tilespmem:s11], [sflag:$0x2], $0x400, $0x38;
	[tilespmem:$0x1F900] =	vst v63  }
0x55: {  	_ =	swait.ge [sflag:s9], $0x2000  }
0x56: {  	[sflag:s9] =	ssyncset.done $0x0  }
0x57: {  	[sflag:s9] =	ssyncadd.s32 $0xFFFFE000  }
0x58: {  	_ =	swait.ge [sflag:s24], $0x400  }
0x59: {  	[sflag:s24] =	ssyncset.done $0x0  }
0x5a: {  	[sflag:s24] =	ssyncadd.s32 $0xFFFFFC00  }
0x5b: {  	_ =	swait.ge [sflag:s9], $0x2000  }
0x5c: {  	[sflag:s9] =	ssyncset.done $0x0  }
0x5d: {  	[sflag:s9] =	ssyncadd.s32 $0xFFFFE000  }
0x5e: {  	_ =	swait.ge [sflag:s24], $0x400  }
0x5f: {  	[sflag:s24] =	ssyncset.done $0x0  }
0x60: {  	[sflag:s24] =	ssyncadd.s32 $0xFFFFFC00  }
0x61: {  	_ =	swait.ge [sflag:s9], $0x2000  }
0x62: {  	[sflag:s9] =	ssyncset.done $0x0  }
0x63: {  	[sflag:s9] =	ssyncadd.s32 $0xFFFFE000  }
0x64: {  	_ =	swait.ge [sflag:s24], $0x400  }
0x65: {  	[sflag:s24] =	ssyncset.done $0x0  }
0x66: {  	[sflag:s24] =	ssyncadd.s32 $0xFFFFFC00  }
0x67: {  	_ =	swait.ge [sflag:s9], $0x2000  }
0x68: {  	[sflag:s9] =	ssyncset.done $0x0  }
0x69: {  	[sflag:s9] =	ssyncadd.s32 $0xFFFFE000  }
0x6a: {  	_ =	swait.ge [sflag:s24], $0x400  }
0x6b: {  	[sflag:s24] =	ssyncset.done $0x0  }
0x6c: {  	[sflag:s24] =	ssyncadd.s32 $0xFFFFFC00  }
0x6d: {  	_ =	swait.ge [sflag:s9], $0x2000  }
0x6e: {  	[sflag:s9] =	ssyncset.done $0x0  }
0x6f: {  	[sflag:s9] =	ssyncadd.s32 $0xFFFFE000  }
0x70: {  	_ =	swait.ge [sflag:s24], $0x400  }
0x71: {  	[sflag:s24] =	ssyncset.done $0x0  }
0x72: {  	[sflag:s24] =	ssyncadd.s32 $0xFFFFFC00  }
0x73: {  	s6 =	simm.s32 $0x9D00;
	[bflag:$0x0] =	sbarrier.arrive $0xFFFF  }
0x74: {  	[tilespmem:s6], [sflag:$0x1] =	stream.indirect.gather [hbm4b:s31+s10], $0x40, s4, s10, $0xb8;
	[tilespmem:$0x1F900] =	vst v63  }
0x75: {  	s19 =	simm.s32 $0xBD00  }
0x76: {  	[tilespmem:s19], [sflag:$0x1] =	stream.indirect.gather [hbm4b:s31+s10], $0x40, s10, s10, $0xb8;
	[tilespmem:$0x1F900] =	vst v63  }
0x77: {  	_ =	swait.ge [sflag:s9], $0x2000  }
0x78: {  	[sflag:s9] =	ssyncset.done $0x0  }
0x79: {  	s20 =	smov.u32 s14;
	s14 =	simm.s32 $0x100;
	[sflag:s9] =	ssyncadd.s32 $0xFFFFE000  }
0x7a: {  	[tilespmem:s30], [sflag:$0x1] =	stream.indirect.gather [hbm4b:s31+s10], $0x40, s14, s10, $0xb8;
	[tilespmem:$0x1F900] =	vst v63  }
0x7b: {  	_ = 	snop  }
0x7c: {  	[spmem:s1] =	stream.indirect.scatter.add.f32 [tilespmem:s6], [sflag:$0x2], $0x40, s21, s10, $0xb8;
	[tilespmem:$0x1F900] =	vst v63  }
0x7d: {  	_ = 	snop  }
0x7e: {  	[spmem:s2] =	stream.indirect.scatter.add.f32 [tilespmem:s7], [sflag:$0x3], $0x8, s21, s10, $0xb8;
	[tilespmem:$0x1F900] =	vst v63  }
0x7f: {  	_ =	swait.ge [sflag:s9], $0x2000  }
0x80: {  	[sflag:s9] =	ssyncset.done $0x0  }
0x81: {  	s22 =	smov.u32 s15;
	s15 =	simm.s32 $0x180;
	[sflag:s9] =	ssyncadd.s32 $0xFFFFE000  }
0x82: {  	[tilespmem:s3], [sflag:$0x1] =	stream.indirect.gather [hbm4b:s31+s10], $0x40, s15, s10, $0xb8;
	[tilespmem:$0x1F900] =	vst v63  }
0x83: {  	s18 =	smov.u32 s16;
	s16 =	simm.s32 $0x4F00;
	s21 =	simm.s32 $0xBD00  }
0x84: {  	[spmem:s1] =	stream.indirect.scatter.add.f32 [tilespmem:s21], [sflag:$0x2], $0x40, s16, s10, $0xb8;
	[tilespmem:$0x1F900] =	vst v63  }
0x85: {  	_ = 	snop  }
0x86: {  	[spmem:s2] =	stream.indirect.scatter.add.f32 [tilespmem:s7], [sflag:$0x3], $0x8, s16, s10, $0xb8;
	[tilespmem:$0x1F900] =	vst v63  }
0x87: {  	_ =	swait.ge [sflag:s9], $0x2000  }
0x88: {  	[sflag:s9] =	ssyncset.done $0x0  }
0x89: {  	s29 =	smov.u32 s28;
	[sflag:s9] =	ssyncadd.s32 $0xFFFFE000  }
0x8a: {  	p1 =	por $0x0, $0x0;
	s28 =	simm.s32 $0x20000;
	_ =	swait.ge [sflag:s24], $0x2000  }
0x8b: {  	s12 =	smov.u32 s13;
	s8 =	sand.u32 @!p1 $0x18000, s28;
	[sflag:s24] =	ssyncset.done $0x0  }
0x8c: {  	s8 =	sshrl.u32 @!p1 s8, $0x2;
	s13 =	simm.s32 @!p1 $0x80;
	[sflag:s24] =	ssyncadd.s32 $0xFFFFE000  }
0x8d: {  	s8 =	sor.u32 @!p1 $0x9D00, s8;
	s19 =	simm.s32 $0x10000;
	_ =	swait.ge [sflag:s25], $0x400  }
0x8e: {  	s0 =	simm.s32 $0x200;
	s23 =	sand.u32 $0x18000, s19;
	[sflag:s25] =	ssyncset.done $0x0  }
0x8f: {  	s19 =	simm.s32 $0xDD00;
	s30 =	sshrl.u32 s23, $0x2;
	[sflag:s25] =	ssyncadd.s32 $0xFFFFFC00  }
0x90: {  	[tilespmem:s8], [sflag:$0x1] =	stream.indirect.gather @!p1 [hbm4b:s31+s13], $0x40, s0, s13, $0xb8;
	[tilespmem:$0x1F900] =	vst v63  }
0x91: {  	s23 =	simm.s32 $0x3;
	s0 =	simm.s32 $0x4F80;
	s8 =	sor.u32 $0x9D00, s30  }
0x92: {  	[spmem:s1] =	stream.indirect.scatter.add.f32 [tilespmem:s8], [sflag:$0x2], $0x40, s0, s10, $0xb8;
	[tilespmem:$0x1F900] =	vst v63  }
0x93: {  	s3 =	simm.s32 $0xFD00;
	s13 =	simm.s32 $0x4F80;
	s8 =	simm.s32 $0x280  }
.LBB2_2:
0x94: {  	s0 =	sadd.s32 $0x80, s0  }
0x95: {  	s28 =	sadd.s32 $0x8000, s28;
	s14 =	smov.u32 s23;
	s23 =	sadd.s32 $0x1, s23  }
0x96: {  	[spmem:s2] =	stream.indirect.scatter.add.f32 [tilespmem:s7], [sflag:$0x3], $0x8, s13, s10, $0xb8;
	[tilespmem:$0x1F900] =	vst v63  }
0x97: {  	p1 =	sne.s32 s23, $0x9D;
	s13 =	smov.u32 s0;
	_ =	swait.ge [sflag:s9], $0x2000  }
0x98: {  	[sflag:s9] =	ssyncset.done $0x0  }
0x99: {  	[sflag:s9] =	ssyncadd.s32 $0xFFFFE000  }
0x9a: {  	_ =	swait.ge [sflag:s24], $0x2000  }
0x9b: {  	[sflag:s24] =	ssyncset.done $0x0  }
0x9c: {  	p2 =	sgt.u32 s14, $0x9A;
	s16 =	sadd.s32 $0xFFFF0000, s28;
	[sflag:s24] =	ssyncadd.s32 $0xFFFFE000  }
0x9d: {  	s14 =	sand.u32 @!p2 $0x18000, s28;
	s15 =	simm.s32 @!p2 $0x80;
	_ =	swait.ge [sflag:s25], $0x400  }
0x9e: {  	s16 =	sand.u32 $0x18000, s16;
	s14 =	sshrl.u32 @!p2 s14, $0x2;
	[sflag:s25] =	ssyncset.done $0x0  }
.Ltmp0:
0x9f: {  	s14 =	sor.u32 @!p2 $0x9D00, s14;
	[sflag:s25] =	ssyncadd.s32 $0xFFFFFC00;
	(pc) =	sbr.rel @p1 .LBB2_2-.Ltmp0, $4  }
0xa0: {  	[tilespmem:s14], [sflag:$0x1] =	stream.indirect.gather @!p2 [hbm4b:s31+s15], $0x40, s8, s15, $0xb8;
	[tilespmem:$0x1F900] =	vst v63  }
0xa1: {  	s14 =	sshrl.u32 s16, $0x2  }
0xa2: {  	s8 =	sadd.s32 $0x80, s8;
	s14 =	sor.u32 $0x9D00, s14  }
0xa3: {  	[spmem:s1] =	stream.indirect.scatter.add.f32 [tilespmem:s14], [sflag:$0x2], $0x40, s0, s10, $0xb8;
	[tilespmem:$0x1F900] =	vst v63  }
0xa4: {  	[spmem:s2] =	stream.indirect.scatter.add.f32 [tilespmem:s7], [sflag:$0x3], $0x8, s13, s10, $0xb8;
	[tilespmem:$0x1F900] =	vst v63  }
0xa5: {  	_ =	swait.ge [sflag:s24], $0x2000  }
0xa6: {  	[sflag:s24] =	ssyncset.done $0x0  }
0xa7: {  	[sflag:s24] =	ssyncadd.s32 $0xFFFFE000  }
0xa8: {  	_ =	swait.ge [sflag:s24], $0x2000  }
0xa9: {  	[sflag:s24] =	ssyncset.done $0x0  }
0xaa: {  	[sflag:s24] =	ssyncadd.s32 $0xFFFFE000  }
0xab: {  	_ =	swait.ge [sflag:s25], $0x400  }
0xac: {  	[sflag:s25] =	ssyncset.done $0x0  }
0xad: {  	[sflag:s25] =	ssyncadd.s32 $0xFFFFFC00  }
0xae: {  	_ =	swait.ge [sflag:s25], $0x400  }
0xaf: {  	[sflag:s25] =	ssyncset.done $0x0  }
0xb0: {  	[sflag:s25] =	ssyncadd.s32 $0xFFFFFC00  }
0xb1: {  	[bflag:$0x0] =	sbarrier.arrive $0xFFFF  }
0xb2: {  	[tilespmem:s6], [sflag:$0x1] =	stream.linear.gather [spmem:s22], $0x2000, $0x38;
	[tilespmem:$0x1F900] =	vst v63  }
0xb3: {  	_ = 	snop  }
0xb4: {  	[tilespmem:s21], [sflag:$0x1] =	stream.linear.gather [spmem:s18], $0x2000, $0x38;
	[tilespmem:$0x1F900] =	vst v63  }
0xb5: {  	_ = 	snop  }
0xb6: {  	[tilespmem:s19], [sflag:$0x1] =	stream.linear.gather [spmem:s20], $0x2000, $0x38;
	[tilespmem:$0x1F900] =	vst v63  }
0xb7: {  	_ = 	snop  }
0xb8: {  	[tilespmem:s3], [sflag:$0x1] =	stream.linear.gather [spmem:s17], $0x2000, $0x38;
	[tilespmem:$0x1F900] =	vst v63  }
0xb9: {  	_ =	swait.ge [sflag:s9], $0x2000  }
0xba: {  	[sflag:s9] =	ssyncset.done $0x0  }
0xbb: {  	s0 =	rddreg [dreg:$0x5];
	[sflag:s9] =	ssyncadd.s32 $0xFFFFE000  }
0xbc: {  	[hbm4b:s0+s4] =	stream.linear.scatter [tilespmem:s6], [sflag:$0x2], $0x2000, $0x38;
	[tilespmem:$0x1F900] =	vst v63  }
0xbd: {  	_ =	swait.ge [sflag:s9], $0x2000  }
0xbe: {  	[sflag:s9] =	ssyncset.done $0x0  }
0xbf: {  	s13 =	rddreg [dreg:$0x6];
	[sflag:s9] =	ssyncadd.s32 $0xFFFFE000  }
0xc0: {  	[hbm4b:s13+s4] =	stream.linear.scatter [tilespmem:s21], [sflag:$0x2], $0x2000, $0x38;
	[tilespmem:$0x1F900] =	vst v63  }
0xc1: {  	_ =	swait.ge [sflag:s9], $0x2000  }
0xc2: {  	[sflag:s9] =	ssyncset.done $0x0  }
0xc3: {  	s16 =	smov.u32 s18;
	s18 =	rddreg [dreg:$0x7];
	[sflag:s9] =	ssyncadd.s32 $0xFFFFE000  }
0xc4: {  	[hbm4b:s18+s4] =	stream.linear.scatter [tilespmem:s19], [sflag:$0x2], $0x2000, $0x38;
	[tilespmem:$0x1F900] =	vst v63  }
0xc5: {  	_ =	swait.ge [sflag:s9], $0x2000  }
0xc6: {  	[sflag:s9] =	ssyncset.done $0x0  }
0xc7: {  	s14 =	smov.u32 s20;
	s20 =	rddreg [dreg:$0x8];
	[sflag:s9] =	ssyncadd.s32 $0xFFFFE000  }
0xc8: {  	[hbm4b:s20+s4] =	stream.linear.scatter [tilespmem:s3], [sflag:$0x2], $0x2000, $0x38;
	[tilespmem:$0x1F900] =	vst v63  }
0xc9: {  	_ =	swait.ge [sflag:s24], $0x2000  }
0xca: {  	[sflag:s24] =	ssyncset.done $0x0  }
0xcb: {  	[sflag:s24] =	ssyncadd.s32 $0xFFFFE000  }
0xcc: {  	[tilespmem:s6], [sflag:$0x1] =	stream.linear.gather [spmem:s12], $0x2000, $0x38;
	[tilespmem:$0x1F900] =	vst v63  }
0xcd: {  	_ =	swait.ge [sflag:s9], $0x2000  }
0xce: {  	[sflag:s9] =	ssyncset.done $0x0  }
0xcf: {  	s21 =	rddreg [dreg:$0x9];
	[sflag:s9] =	ssyncadd.s32 $0xFFFFE000  }
0xd0: {  	[hbm4b:s21+s4] =	stream.linear.scatter [tilespmem:s6], [sflag:$0x2], $0x2000, $0x38;
	[tilespmem:$0x1F900] =	vst v63  }
0xd1: {  	_ =	swait.ge [sflag:s24], $0x2000  }
0xd2: {  	[sflag:s24] =	ssyncset.done $0x0  }
0xd3: {  	[sflag:s24] =	ssyncadd.s32 $0xFFFFE000  }
0xd4: {  	_ =	swait.ge [sflag:s24], $0x2000  }
0xd5: {  	[sflag:s24] =	ssyncset.done $0x0  }
0xd6: {  	[sflag:s24] =	ssyncadd.s32 $0xFFFFE000  }
0xd7: {  	_ =	swait.ge [sflag:s24], $0x2000  }
0xd8: {  	[sflag:s24] =	ssyncset.done $0x0  }
0xd9: {  	[sflag:s24] =	ssyncadd.s32 $0xFFFFE000  }
0xda: {  	_ =	swait.ge [sflag:s24], $0x2000  }
0xdb: {  	s8 =	simm.s32 @!p0 $0x4;
	[sflag:s24] =	ssyncset.done $0x0  }
0xdc: {  	s0 =	simm.s32 @!p0 $0x14100;
	s18 =	rddreg [dreg:$0x18];
	[sflag:s24] =	ssyncadd.s32 $0xFFFFE000  }
0xdd: {  	[tilespmem:s0], [sflag:$0x4] =	stream.linear.gather @!p0 [spmem:s18], $0x400, $0x38;
	[tilespmem:$0x1F900] =	vst v63  }
0xde: {  	_ =	swait.ge @!p0 [sflag:s8], $0x400  }
0xdf: {  	[sflag:s8] =	ssyncset.done @!p0 $0x0  }
0xe0: {  	s13 =	simm.s32 @!p0 $0x0;
	s20 =	rddreg [dreg:$0xf];
	[sflag:s8] =	ssyncadd.s32 @!p0 $0xFFFFFC00  }
0xe1: {  	[hbm4b:s20+s13] =	stream.linear.scatter @!p0 [tilespmem:s0], [sflag:$0x4], $0x400, $0x38;
	[tilespmem:$0x1F900] =	vst v63  }
0xe2: {  	_ =	swait.ge @!p0 [sflag:s8], $0x400  }
0xe3: {  	[sflag:s8] =	ssyncset.done @!p0 $0x0  }
0xe4: {  	[sflag:s8] =	ssyncadd.s32 @!p0 $0xFFFFFC00  }
0xe5: {  	[tilespmem:s0], [sflag:$0x4] =	stream.linear.gather @!p0 [spmem:s29], $0x400, $0x38;
	[tilespmem:$0x1F900] =	vst v63  }
0xe6: {  	_ =	swait.ge @!p0 [sflag:s8], $0x400  }
0xe7: {  	[sflag:s8] =	ssyncset.done @!p0 $0x0  }
0xe8: {  	s19 =	rddreg [dreg:$0x10];
	[sflag:s8] =	ssyncadd.s32 @!p0 $0xFFFFFC00  }
0xe9: {  	[hbm4b:s19+s13] =	stream.linear.scatter @!p0 [tilespmem:s0], [sflag:$0x4], $0x400, $0x38;
	[tilespmem:$0x1F900] =	vst v63  }
0xea: {  	_ =	swait.ge @!p0 [sflag:s8], $0x400  }
0xeb: {  	[sflag:s8] =	ssyncset.done @!p0 $0x0  }
0xec: {  	s23 =	rddreg [dreg:$0x17];
	[sflag:s8] =	ssyncadd.s32 @!p0 $0xFFFFFC00  }
0xed: {  	[tilespmem:s0], [sflag:$0x4] =	stream.linear.gather @!p0 [spmem:s23], $0x400, $0x38;
	[tilespmem:$0x1F900] =	vst v63  }
0xee: {  	_ =	swait.ge @!p0 [sflag:s8], $0x400  }
0xef: {  	[sflag:s8] =	ssyncset.done @!p0 $0x0  }
0xf0: {  	s19 =	rddreg [dreg:$0x11];
	[sflag:s8] =	ssyncadd.s32 @!p0 $0xFFFFFC00  }
0xf1: {  	[hbm4b:s19+s13] =	stream.linear.scatter @!p0 [tilespmem:s0], [sflag:$0x4], $0x400, $0x38;
	[tilespmem:$0x1F900] =	vst v63  }
0xf2: {  	_ =	swait.ge @!p0 [sflag:s8], $0x400  }
0xf3: {  	[sflag:s8] =	ssyncset.done @!p0 $0x0  }
0xf4: {  	s28 =	smov.u32 s29;
	s29 =	rddreg [dreg:$0x16];
	[sflag:s8] =	ssyncadd.s32 @!p0 $0xFFFFFC00  }
0xf5: {  	[tilespmem:s0], [sflag:$0x4] =	stream.linear.gather @!p0 [spmem:s29], $0x400, $0x38;
	[tilespmem:$0x1F900] =	vst v63  }
0xf6: {  	_ =	swait.ge @!p0 [sflag:s8], $0x400  }
0xf7: {  	[sflag:s8] =	ssyncset.done @!p0 $0x0  }
0xf8: {  	s19 =	rddreg [dreg:$0x12];
	[sflag:s8] =	ssyncadd.s32 @!p0 $0xFFFFFC00  }
0xf9: {  	[hbm4b:s19+s13] =	stream.linear.scatter @!p0 [tilespmem:s0], [sflag:$0x4], $0x400, $0x38;
	[tilespmem:$0x1F900] =	vst v63  }
0xfa: {  	_ =	swait.ge @!p0 [sflag:s8], $0x400  }
0xfb: {  	[sflag:s8] =	ssyncset.done @!p0 $0x0  }
0xfc: {  	s20 =	rddreg [dreg:$0x14];
	[sflag:s8] =	ssyncadd.s32 @!p0 $0xFFFFFC00  }
0xfd: {  	[tilespmem:s0], [sflag:$0x4] =	stream.linear.gather @!p0 [spmem:s20], $0x400, $0x38;
	[tilespmem:$0x1F900] =	vst v63  }
0xfe: {  	_ =	swait.ge @!p0 [sflag:s8], $0x400  }
0xff: {  	[sflag:s8] =	ssyncset.done @!p0 $0x0  }
0x100: {  	s19 =	rddreg [dreg:$0x13];
	[sflag:s8] =	ssyncadd.s32 @!p0 $0xFFFFFC00  }
0x101: {  	[hbm4b:s19+s13] =	stream.linear.scatter @!p0 [tilespmem:s0], [sflag:$0x4], $0x400, $0x38;
	[tilespmem:$0x1F900] =	vst v63  }
0x102: {  	_ =	swait.ge @!p0 [sflag:s8], $0x400  }
0x103: {  	s15 =	smov.u32 s22;
	s26 =	sadd.s32 $0x1, s26;
	s22 =	rddreg [dreg:$0x15]  }
0x104: {  	p1 =	sne.s32 s26, s22  }
.Ltmp1:
0x105: {  	_ = 	snop;
	(pc) =	sbr.rel @p1 .LBB2_1-.Ltmp1, $3  }
0x106: {  	_ =	sdelay $0x1  }
0x107: {  	s30 =	simm.s32 $0xDD00;
	[sflag:s8] =	ssyncset.done @!p0 $0x0  }
0x108: {  	s3 =	simm.s32 $0xFD00;
	s13 =	smov.u32 s12;
	[sflag:s8] =	ssyncadd.s32 @!p0 $0xFFFFFC00  }
0x109: {  	_ =	sfence.sel $0x180000  }
0x10a: {  	[bflag:$0x0] =	sbarrier.arrive $0xFFFF  }
0x10b: {  	_ =	strace $0x90000047  }
0x10c: {  	s0 =	stileid.u32;
	[bflag:$0x2] =	sbarrier.arrive $0xFFFF  }
0x10d: {  	p0 =	sne.s32 s0, $0x0;
	s0 =	rddreg [dreg:$0x4]  }
0x10e: {  	s0 =	sadd.s32 @!p0 $0x100000, s0  }
0x10f: {  	[sflag:s0] =	ssyncadd.tile.s32 @!p0 $0x1;
	_ =	shalt  }
.Lfunc_end2:
_tile_overlayer_lowered:
.L_overlay_start_2:
0x110: {  	(tag) =	ssettag $0x2  }
0x111: {  	s0 =	rddreg [dreg:$0x0];
	s2 =	stileid.u32  }
0x112: {  	s1 =	rddreg [dreg:$0x1];
	p0 =	sne.s32 s2, $0x0  }
0x113: {  	s3 =	rddreg [dreg:$0x2];
	[bflag:$0x3] =	sbarrier.arrive $0xFFFF;
	s2 =	simm.s32 @!p0 $0x1C04  }
0x114: {  	[timem:s3], [sflag:s2] =	dma.local @!p0 [hbm:s0], s1  }
0x115: {  	s0 =	simm.s32 @!p0 $0x4  }
0x116: {  	_ =	swait.ge @!p0 [sflag:s0], s1  }
0x117: {  	s1 =	ssub.s32 @!p0 $0x0, s1;
	[sflag:s0] =	ssyncset.done @!p0 $0x0  }
0x118: {  	[sflag:s0] =	ssyncadd.s32 @!p0 s1  }
0x119: {  	[bflag:$0x3] =	sbarrier.arrive $0xFFFF  }
0x11a: {  	_ =	shalt  }

// kernel: kernel.9.cloned.1.call-start
scs
__scs_entry_jumppad:
0x0: {  	(pc) =	sbr.rel $0x88, $3  }
0x1: {  	(tag) =	ssettag $0x0;
	lr =	simm.s32 $0x1  }
0x2: {  	[smem:$0x3F99] =	sst lr;
	_ =	strace $0xD0000000  }
0x3: {  	_ = 	snop  }
0x4: {  	_ = 	snop  }
0x5: {  	_ = 	snop  }
0x6: {  	_ = 	snop  }
0x7: {  	_ = 	snop  }
__scs_overlays_trampoline_lowered:
0x8: {  	[smem:$0x3FA8] =	sst s0  }
0x9: {  	[smem:$0x3FA9] =	sst s1  }
0xa: {  	[smem:$0x3FAA] =	sst s2  }
0xb: {  	[smem:$0x3FAB] =	sst s3  }
0xc: {  	[smem:$0x3FAC] =	sst s4  }
0xd: {  	[smem:$0x3FAD] =	sst s5  }
0xe: {  	[smem:$0x3FAE] =	sst s6  }
0xf: {  	[smem:$0x3FAF] =	sst s7  }
0x10: {  	[smem:$0x3FB0] =	sst s8  }
0x11: {  	[smem:$0x3FB1] =	sst s9;
	s0 =	simm.s32 @!p0 $0x0  }
0x12: {  	s1 =	sld [smem:$0x3F97];
	s0 =	simm.s32 @p0 $0x1  }
0x13: {  	[smem:$0x3FB2] =	sst s0;
	s0 =	simm.s32 @!p1 $0x0  }
0x14: {  	s2 =	sld [smem:$0x3F96];
	s0 =	simm.s32 @p1 $0x1  }
0x15: {  	[smem:$0x3FB3] =	sst s0;
	s0 =	simm.s32 @!p2 $0x0  }
0x16: {  	s3 =	sld [smem:$0x3FDB];
	s0 =	simm.s32 @p2 $0x1  }
0x17: {  	s4 =	simm.s32 $0x1BF5;
	[smem:$0x3FB5] =	sst s0  }
0x18: {  	s0 =	sld [smem:$0x3F98];
	_ =	swait.ge [sflag:s4], $0x0  }
0x19: {  	s7 =	sld [smem:$0x3F99]  }
0x1a: {  	s8 =	sadd.s32 $0xFFFFE003, lr  }
0x1b: {  	s9 =	sadd.s32 $0xFFFFFEF7, lr;
	s5 =	simm.s32 $0xFFFFFFFF;
	p2 =	slt.u32 s8, $0xFFFFF086  }
0x1c: {  	p1 =	slt.u32 s9, $0xF7A;
	s5 =	simm.s32 @!p2 $0x0  }
0x1d: {  	s5 =	simm.s32 @p1 $0x1;
	p0 =	seq.s32 s7, s2  }
0x1e: {  	s7 =	smul.u32 @!p0 $0xF7A, s2;
	p2 =	seq.s32 @!p0 s5, $0x0  }
0x1f: {  	s9 =	smul.u32 $0xF7A, s1;
	s8 =	simm.s32 @!p0 $0x1BF5;
	p2 =	por !p2, p0  }
0x20: {  	[sflag:s8] =	ssyncset.s32 @!p0 $0xFFFFF086;
	s6 =	sadd.s32 @!p0 s3, s7;
	s7 =	simm.s32 @!p0 $0x108  }
0x21: {  	s3 =	sadd.s32 s3, s9;
	s6 =	sadd.s32 @!p0 $0x88, s6;
	s7 =	simm.s32 @p2 $0x1082  }
0x22: {  	[simem:s7], [sflag:s8] =	dma.local @!p0 [hbm:s6], $0xF7A  }
0x23: {  	s9 =	sor.u32 $0xD0000000, s2;
	s6 =	simm.s32 $0x108;
	_ =	swait.ge @!p0 [sflag:s8], $0x0  }
0x24: {  	s3 =	sadd.s32 $0x88, s3;
	s6 =	simm.s32 @!p1 $0x1082;
	[sflag:s4] =	ssyncset.s32 $0xFFFFF086  }
0x25: {  	[simem:s6], [sflag:s4] =	dma.local [hbm:s3], $0xF7A  }
0x26: {  	[smem:$0x3F99] =	sst s1;
	(tag) =	ssettag s2;
	_ =	strace s9  }
0x27: {  	s1 =	sld [smem:$0x3FA9]  }
0x28: {  	s2 =	sld [smem:$0x3FAA]  }
0x29: {  	s4 =	sld [smem:$0x3FAC]  }
0x2a: {  	p0 =	seq.s32 s5, $0x0;
	s5 =	sld [smem:$0x3FAD]  }
0x2b: {  	s6 =	sld [smem:$0x3FAE]  }
0x2c: {  	s7 =	sld [smem:$0x3FAF]  }
0x2d: {  	s3 =	simm.s32 $0x108;
	s8 =	sld [smem:$0x3FB0]  }
0x2e: {  	s3 =	simm.s32 @!p0 $0x1082;
	s9 =	sld [smem:$0x3FB1]  }
0x2f: {  	lr =	sadd.s32 s0, s3;
	s0 =	sld [smem:$0x3FA8]  }
0x30: {  	s3 =	sld [smem:$0x3FAB]  }
0x31: {  	[smem:$0x3FB4] =	sst s10  }
0x32: {  	s10 =	sld [smem:$0x3FB2];
	_ =	sdelay $0x3  }
0x33: {  	p0 =	seq.s32 s10, $0x1;
	s10 =	sld [smem:$0x3FB4];
	_ =	sdelay $0x3  }
0x34: {  	[smem:$0x3FB4] =	sst s10  }
0x35: {  	s10 =	sld [smem:$0x3FB3];
	_ =	sdelay $0x3  }
0x36: {  	p1 =	seq.s32 s10, $0x1;
	s10 =	sld [smem:$0x3FB4];
	_ =	sdelay $0x3  }
0x37: {  	[smem:$0x3FB4] =	sst s10  }
0x38: {  	s10 =	sld [smem:$0x3FB5]  }
0x39: {  	_ = 	snop;
	(pc) =	sbr.ind lr, $3  }
0x3a: {  	_ = 	snop  }
0x3b: {  	_ = 	snop  }
0x3c: {  	p2 =	seq.s32 s10, $0x1;
	s10 =	sld [smem:$0x3FB4]  }
0x3d: {  	_ =	shalt  }
0x3e: {  	_ =	shalt  }
0x3f: {  	_ =	shalt  }
0x40: {  	_ =	shalt  }
0x41: {  	_ =	shalt  }
0x42: {  	_ =	shalt  }
0x43: {  	_ =	shalt  }
0x44: {  	_ =	shalt  }
0x45: {  	_ =	shalt  }
0x46: {  	_ =	shalt  }
0x47: {  	_ =	shalt  }
0x48: {  	_ =	shalt  }
0x49: {  	_ =	shalt  }
0x4a: {  	_ =	shalt  }
0x4b: {  	_ =	shalt  }
0x4c: {  	_ =	shalt  }
0x4d: {  	_ =	shalt  }
0x4e: {  	_ =	shalt  }
0x4f: {  	_ =	shalt  }
0x50: {  	_ =	shalt  }
0x51: {  	_ =	shalt  }
0x52: {  	_ =	shalt  }
0x53: {  	_ =	shalt  }
0x54: {  	_ =	shalt  }
0x55: {  	_ =	shalt  }
0x56: {  	_ =	shalt  }
0x57: {  	_ =	shalt  }
0x58: {  	_ =	shalt  }
0x59: {  	_ =	shalt  }
0x5a: {  	_ =	shalt  }
0x5b: {  	_ =	shalt  }
0x5c: {  	_ =	shalt  }
0x5d: {  	_ =	shalt  }
0x5e: {  	_ =	shalt  }
0x5f: {  	_ =	shalt  }
0x60: {  	_ =	shalt  }
0x61: {  	_ =	shalt  }
0x62: {  	_ =	shalt  }
0x63: {  	_ =	shalt  }
0x64: {  	_ =	shalt  }
0x65: {  	_ =	shalt  }
0x66: {  	_ =	shalt  }
0x67: {  	_ =	shalt  }
0x68: {  	_ =	shalt  }
0x69: {  	_ =	shalt  }
0x6a: {  	_ =	shalt  }
0x6b: {  	_ =	shalt  }
0x6c: {  	_ =	shalt  }
0x6d: {  	_ =	shalt  }
0x6e: {  	_ =	shalt  }
0x6f: {  	_ =	shalt  }
0x70: {  	_ =	shalt  }
0x71: {  	_ =	shalt  }
0x72: {  	_ =	shalt  }
0x73: {  	_ =	shalt  }
0x74: {  	_ =	shalt  }
0x75: {  	_ =	shalt  }
0x76: {  	_ =	shalt  }
0x77: {  	_ =	shalt  }
0x78: {  	_ =	shalt  }
0x79: {  	_ =	shalt  }
0x7a: {  	_ =	shalt  }
0x7b: {  	_ =	shalt  }
0x7c: {  	_ =	shalt  }
0x7d: {  	_ =	shalt  }
0x7e: {  	_ =	shalt  }
0x7f: {  	_ =	shalt  }
0x80: {  	_ =	shalt  }
0x81: {  	_ =	shalt  }
0x82: {  	_ =	shalt  }
0x83: {  	_ =	shalt  }
0x84: {  	_ =	shalt  }
0x85: {  	_ =	shalt  }
0x86: {  	_ =	shalt  }
0x87: {  	_ =	shalt  }
.Lfunc_end0:
.L_simem_size_0:
called_computation.1_lowered:
.L_overlay_start_0:
0x88: {  	s2 =	sld [smem:$0x3FD9]  }
0x89: {  	s3 =	sld [smem:$0x3FFE];
	_ =	sdelay $0x1  }
0x8a: {  	s1 =	srdreg.scid  }
0x8b: {  	s0 =	sand.u32 $0x1, s1  }
0x8c: {  	s17 =	sshll.u32 s0, $0xA;
	s2 =	sadd.s32 s3, s2  }
0x8d: {  	s2 =	sadd.s32 s2, s17  }
0x8e: {  	[smem:$0x3FC0] =	sst s2  }
0x8f: {  	_ = 	snop  }
0x90: {  	s2 =	sld [smem:$0x3FD0];
	(tm) =	ssettm $0x1  }
0x91: {  	s18 =	sld [smem:$0x3FFB];
	_ =	sdelay $0x3  }
0x92: {  	_ =	strace s18  }
0x93: {  	s3 =	sld [smem:$0x3FFC];
	_ =	sdelay $0x3  }
0x94: {  	_ =	strace s3  }
0x95: {  	s3 =	sld [smem:$0x3FFD];
	_ =	sdelay $0x3  }
0x96: {  	_ =	strace s3  }
0x97: {  	_ =	strace $0x8FFFFFFF  }
0x98: {  	s19 =	sld [smem:$0x3FDB];
	_ =	sdelay $0x1  }
0x99: {  	s4 =	simm.s32 $_scs_section_size  }
0x9a: {  	s5 =	simm.s32 $_size__tile_overlayer_lowered;
	s6 =	simm.s32 $_tile_overlayer_lowered  }
0x9b: {  	s22 =	simm.s32 $0x1BFF;
	s21 =	sshll.u32 s6, $0x1;
	s3 =	sadd.s32 s4, s19  }
0x9c: {  	s7 =	simm.s32 $0x0;
	s20 =	sshll.u32 s5, $0x1;
	s5 =	sadd.s32 s21, s3  }
0x9d: {  	[timem:s7], [sflag:s22] =	dma.local [hbm:s5], s20  }
0x9e: {  	_ =	swait.ge [sflag:s22], s20  }
0x9f: {  	s4 =	ssub.s32 $0x0, s20;
	[sflag:s22] =	ssyncset.done $0x0  }
0xa0: {  	[sflag:s22] =	ssyncadd.s32 s4;
	_ =	sdelay $0x1  }
0xa1: {  	s23 =	simm.s32 $0x1B8B  }
0xa2: {  	_ =	swait.ge [sflag:s23], $0x1  }
0xa3: {  	[sflag:s23] =	ssyncset.done $0x0  }
0xa4: {  	s25 =	simm.s32 $0x1B8E;
	s24 =	sld [smem:$0x3FFE];
	[sflag:s23] =	ssyncadd.s32 $0xFFFFFFFF  }
0xa5: {  	s26 =	simm.s32 $execute0_lowered;
	[smem:$0x3FD2] =	sst s25  }
0xa6: {  	s5 =	sshll.u32 s26, $0x1;
	_ =	strace $0x80000049;
	[dreg:$0x1] =	wrdreg $0xFFFFFFFF  }
0xa7: {  	s28 =	simm.s32 $_size_execute0_lowered;
	s3 =	sadd.s32 s3, s5;
	[dreg:$0x0] =	wrdreg $0x0  }
0xa8: {  	s5 =	sshll.u32 s28, $0x1;
	[dreg:$0x2] =	wrdreg s3  }
0xa9: {  	[dreg:$0x3] =	wrdreg s5  }
0xaa: {  	[dreg:$0x4] =	wrdreg $0xC0  }
0xab: {  	_ =	task [dreg:s7], $0x5FFFF  }
0xac: {  	[dreg:$0x1] =	wrdreg $0xFFFFFFFF  }
0xad: {  	[dreg:$0x0] =	wrdreg $0x60  }
0xae: {  	[dreg:$0x2] =	wrdreg s24  }
0xaf: {  	[dreg:$0x3] =	wrdreg s2  }
0xb0: {  	[dreg:$0x4] =	wrdreg $0x109000  }
0xb1: {  	[dreg:$0x5] =	wrdreg $0x9  }
0xb2: {  	_ =	task.clear_ibuf [dreg:s7], $0x6FFFF;
	_ =	strace $0x90000049  }
0xb3: {  	s29 =	simm.s32 $0x9;
	_ =	strace $0x8000004B  }
0xb4: {  	_ =	swait.ge [sflag:s29], $0x1  }
0xb5: {  	[sflag:s29] =	ssyncadd.s32 $0xFFFFFFFF  }
0xb6: {  	_ =	strace $0x9000004B  }
0xb7: {  	_ =	sfence  }
0xb8: {  	s30 =	sld [smem:$0x0];
	_ =	sdelay $0x2  }
0xb9: {  	s31 =	sshll.u32 s1, $0xD;
	s1 =	sshrl.u32 s1, $0x2  }
0xba: {  	s3 =	sand.u32 $0x4000, s31;
	s1 =	sadd.s32 s1, s30  }
0xbb: {  	s0 =	sor.u32 s3, s0;
	s1 =	sshll.u32 s1, $0x11  }
0xbc: {  	s0 =	sor.u32 s1, s0  }
0xbd: {  	s0 =	sadd.s32 $0x8F2B, s0  }
0xbe: {  	[sflag:s0] =	ssyncadd.remote.s32 $0x1  }
0xbf: {  	_ =	sfence.sel $0xFFFF  }
0xc0: {  	[dreg:$0x0] =	wrdreg $0xFFFFFFFF;
	(pc) =	sbr.abs _section_cstart, $3  }
0xc1: {  	[dreg:$0x1] =	wrdreg $0xFFFFFFFF  }
0xc2: {  	_ =	task.clear_ibuf [dreg:s7], $0x2FFFF;
	_ =	strace $0x9FFFFFFF  }
0xc3: {  	(tm) =	ssettm $0x7FFFFFFF  }
tec
execute0_lowered:
.L_overlay_start_1:
0x0: {  	(tag) =	ssettag $0x1  }
0x1: {  	s0 =	rddreg [dreg:$0x0]  }
0x2: {  	s2 =	rddreg [dreg:$0x2];
	s1 =	srdreg.scid  }
0x3: {  	s4 =	simm.s32 $0x0;
	s7 =	stileid.u32;
	s28 =	simm.s32 $0xB500  }
0x4: {  	s30 =	simm.s32 $0xC100;
	s31 =	simm.s32 $0x2;
	s5 =	smul.u32 $0x4E80, s7  }
0x5: {  	s1 =	sand.u32 $0x1, s1;
	[smem:$0x7FF] =	sst s4;
	s12 =	smul.u32 $0x3C00, s7  }
0x6: {  	s3 =	smul.u32 $0x7530, s1;
	_ =	strace $0x8000004A;
	s6 =	ssub.s32 $0x2, s1  }
0x7: {  	s1 =	smul.u32 $0x3C000, s1;
	s5 =	sshrl.u32 s5, $0x3;
	s19 =	sshrl.u32 s6, $0x1  }
0x8: {  	s13 =	sadd.s32 $0xC00, s12;
	s7 =	sadd.s32 s12, s2;
	s21 =	sadd.s32 $0x1800, s12  }
0x9: {  	s15 =	sadd.s32 $0x2400, s12;
	s16 =	sadd.s32 $0x3000, s12;
	s3 =	sadd.s32 s3, s0  }
0xa: {  	s5 =	sadd.s32 s5, s0;
	s0 =	sadd.s32 $0x11400, s0;
	s6 =	ssub.s32 s6, s19  }
0xb: {  	s8 =	sadd.s32 s13, s2;
	s9 =	sadd.s32 s21, s2;
	s10 =	sadd.s32 s15, s2  }
0xc: {  	s11 =	sadd.s32 s16, s2;
	s14 =	sadd.s32 s12, s1;
	s13 =	sadd.s32 s1, s13  }
0xd: {  	s25 =	sadd.s32 s1, s21;
	s26 =	sadd.s32 s1, s15;
	s1 =	sadd.s32 s1, s16  }
0xe: {  	s19 =	simm.s32 $0xFD00;
	s21 =	simm.s32 $0x4E80;
	s20 =	sadd.s32 $0x29A00, s5  }
0xf: {  	s5 =	sadd.s32 $0x33700, s5;
	s12 =	sadd.s32 $0x2800, s3;
	s22 =	sshrl.u32 s14, $0x3  }
0x10: {  	s23 =	sshrl.u32 s13, $0x3;
	s29 =	sshrl.u32 s26, $0x3;
	[dreg:$0x4] =	wrdreg s20  }
0x11: {  	s1 =	sshrl.u32 s1, $0x3;
	s18 =	smax.u32 s6, $0x1;
	[dreg:$0x5] =	wrdreg s5  }
0x12: {  	s3 =	sadd.s32 s0, s22;
	s24 =	sadd.s32 s0, s23;
	s16 =	sadd.s32 s0, s29  }
0x13: {  	s17 =	sadd.s32 s0, s1;
	s20 =	simm.s32 $0x3;
	[dreg:$0x6] =	wrdreg s3  }
0x14: {  	s22 =	simm.s32 $0x1;
	s23 =	simm.s32 $0x80;
	[dreg:$0x7] =	wrdreg s24  }
0x15: {  	s3 =	sshrl.u32 s25, $0x3;
	s24 =	simm.s32 $0x9D00;
	s25 =	simm.s32 $0xA900  }
0x16: {  	v0 =	vimm.s32 $0x2720;
	s15 =	sadd.s32 s0, s3;
	s0 =	simm.s32 $0xCD00;
	s3 =	simm.s32 $0x0  }
.LBB2_1:
0x17: {  	s1 =	rddreg [dreg:$0x1]  }
0x18: {  	[tilespmem:s19], [sflag:$0x3] =	stream.linear.gather [hbm4b:s1+s4], $0xC00, $0x38;
	[tilespmem:$0x14500] =	vst v63  }
0x19: {  	_ =	swait.ge [sflag:s20], $0xC00  }
0x1a: {  	[sflag:s20] =	ssyncset.done $0x0  }
0x1b: {  	s6 =	rddreg [dreg:$0x4];
	[sflag:s20] =	ssyncadd.s32 $0xFFFFF400  }
0x1c: {  	[tilespmem:s4], [sflag:$0x3] =	stream.linear.gather [hbm4b:s6+s4], $0x4E80, $0x38;
	[tilespmem:$0x14500] =	vst v63  }
0x1d: {  	_ =	swait.ge [sflag:s20], $0x4E80  }
0x1e: {  	[sflag:s20] =	ssyncset.done $0x0  }
0x1f: {  	s13 =	rddreg [dreg:$0x5];
	[sflag:s20] =	ssyncadd.s32 $0xFFFFB180  }
0x20: {  	[tilespmem:s21], [sflag:$0x3] =	stream.linear.gather [hbm4b:s13+s4], $0x4E80, $0x38;
	[tilespmem:$0x14500] =	vst v63  }
0x21: {  	_ =	swait.ge [sflag:s20], $0x4E80  }
0x22: {  	[sflag:s20] =	ssyncset.done $0x0  }
0x23: {  	[sflag:s20] =	ssyncadd.s32 $0xFFFFB180  }
0x24: {  	[tilespmem:$0x9CA0] =	vst v0  }
0x25: {  	[tilespmem:$0x9CB0] =	vst v0  }
0x26: {  	[tilespmem:$0x9CC0] =	vst v0  }
0x27: {  	[tilespmem:$0x9CD0] =	vst v0  }
0x28: {  	[tilespmem:$0x9CE0] =	vst v0  }
0x29: {  	[tilespmem:$0x9CF0] =	vst v0  }
0x2a: {  	[spmem:s7] =	stream.linear.scatter [tilespmem:s19], [sflag:$0x1], $0xC00, $0x38;
	[tilespmem:$0x14500] =	vst v63  }
0x2b: {  	_ = 	snop  }
0x2c: {  	[spmem:s8] =	stream.linear.scatter [tilespmem:s19], [sflag:$0x1], $0xC00, $0x38;
	[tilespmem:$0x14500] =	vst v63  }
0x2d: {  	_ = 	snop  }
0x2e: {  	[spmem:s9] =	stream.linear.scatter [tilespmem:s19], [sflag:$0x1], $0xC00, $0x38;
	[tilespmem:$0x14500] =	vst v63  }
0x2f: {  	_ = 	snop  }
0x30: {  	[spmem:s10] =	stream.linear.scatter [tilespmem:s19], [sflag:$0x1], $0xC00, $0x38;
	[tilespmem:$0x14500] =	vst v63  }
0x31: {  	_ = 	snop  }
0x32: {  	[spmem:s11] =	stream.linear.scatter [tilespmem:s19], [sflag:$0x1], $0xC00, $0x38;
	[tilespmem:$0x14500] =	vst v63  }
0x33: {  	_ =	swait.ge [sflag:s22], $0xC00  }
0x34: {  	[sflag:s22] =	ssyncset.done $0x0  }
0x35: {  	[sflag:s22] =	ssyncadd.s32 $0xFFFFF400  }
0x36: {  	_ =	swait.ge [sflag:s22], $0xC00  }
0x37: {  	[sflag:s22] =	ssyncset.done $0x0  }
0x38: {  	[sflag:s22] =	ssyncadd.s32 $0xFFFFF400  }
0x39: {  	_ =	swait.ge [sflag:s22], $0xC00  }
0x3a: {  	[sflag:s22] =	ssyncset.done $0x0  }
0x3b: {  	[sflag:s22] =	ssyncadd.s32 $0xFFFFF400  }
0x3c: {  	_ =	swait.ge [sflag:s22], $0xC00  }
0x3d: {  	[sflag:s22] =	ssyncset.done $0x0  }
0x3e: {  	[sflag:s22] =	ssyncadd.s32 $0xFFFFF400  }
0x3f: {  	_ =	swait.ge [sflag:s22], $0xC00  }
0x40: {  	[sflag:s22] =	ssyncset.done $0x0  }
0x41: {  	[sflag:s22] =	ssyncadd.s32 $0xFFFFF400  }
0x42: {  	[bflag:$0x0] =	sbarrier.arrive $0xFFFF  }
0x43: {  	[tilespmem:s24], [sflag:$0x1] =	stream.indirect.gather [hbm4b:s12+s23], $0x18, s4, s23, $0xb8;
	[tilespmem:$0x14500] =	vst v63  }
0x44: {  	_ = 	snop  }
0x45: {  	[tilespmem:s25], [sflag:$0x1] =	stream.indirect.gather [hbm4b:s12+s23], $0x18, s23, s23, $0xb8;
	[tilespmem:$0x14500] =	vst v63  }
0x46: {  	s14 =	simm.s32 $0x100  }
0x47: {  	[tilespmem:s28], [sflag:$0x1] =	stream.indirect.gather [hbm4b:s12+s23], $0x18, s14, s23, $0xb8;
	[tilespmem:$0x14500] =	vst v63  }
0x48: {  	s26 =	simm.s32 $0x180  }
0x49: {  	[tilespmem:s30], [sflag:$0x1] =	stream.indirect.gather [hbm4b:s12+s23], $0x18, s26, s23, $0xb8;
	[tilespmem:$0x14500] =	vst v63  }
0x4a: {  	_ =	swait.ge [sflag:s22], $0xC00  }
0x4b: {  	[sflag:s22] =	ssyncset.done $0x0  }
0x4c: {  	s5 =	simm.s32 $0x200;
	[sflag:s22] =	ssyncadd.s32 $0xFFFFF400  }
0x4d: {  	[tilespmem:s0], [sflag:$0x1] =	stream.indirect.gather [hbm4b:s12+s23], $0x18, s5, s23, $0xb8;
	[tilespmem:$0x14500] =	vst v63  }
0x4e: {  	_ = 	snop  }
0x4f: {  	[spmem:s2] =	stream.indirect.scatter.add.f32 [tilespmem:s24], [sflag:$0x2], $0x18, s21, s23, $0xb8;
	[tilespmem:$0x14500] =	vst v63  }
0x50: {  	_ =	swait.ge [sflag:s22], $0xC00  }
0x51: {  	[sflag:s22] =	ssyncset.done $0x0  }
0x52: {  	s6 =	simm.s32 $0x280;
	s5 =	simm.s32 $0xD900;
	[sflag:s22] =	ssyncadd.s32 $0xFFFFF400  }
0x53: {  	[tilespmem:s5], [sflag:$0x1] =	stream.indirect.gather [hbm4b:s12+s23], $0x18, s6, s23, $0xb8;
	[tilespmem:$0x14500] =	vst v63  }
0x54: {  	s13 =	simm.s32 $0x4F00  }
0x55: {  	[spmem:s2] =	stream.indirect.scatter.add.f32 [tilespmem:s25], [sflag:$0x2], $0x18, s13, s23, $0xb8;
	[tilespmem:$0x14500] =	vst v63  }
0x56: {  	_ =	swait.ge [sflag:s22], $0xC00  }
0x57: {  	[sflag:s22] =	ssyncset.done $0x0  }
0x58: {  	s14 =	simm.s32 $0x300;
	s26 =	simm.s32 $0xE500;
	[sflag:s22] =	ssyncadd.s32 $0xFFFFF400  }
0x59: {  	[tilespmem:s26], [sflag:$0x1] =	stream.indirect.gather [hbm4b:s12+s23], $0x18, s14, s23, $0xb8;
	[tilespmem:$0x14500] =	vst v63  }
0x5a: {  	s5 =	simm.s32 $0x4F80  }
0x5b: {  	[spmem:s2] =	stream.indirect.scatter.add.f32 [tilespmem:s28], [sflag:$0x2], $0x18, s5, s23, $0xb8;
	[tilespmem:$0x14500] =	vst v63  }
0x5c: {  	_ =	swait.ge [sflag:s22], $0xC00  }
0x5d: {  	p0 =	por $0x0, $0x0;
	s1 =	simm.s32 $0x8;
	[sflag:s22] =	ssyncset.done $0x0  }
0x5e: {  	s6 =	simm.s32 $0x380;
	s13 =	simm.s32 $0xF100;
	[sflag:s22] =	ssyncadd.s32 $0xFFFFF400  }
0x5f: {  	[tilespmem:s13], [sflag:$0x1] =	stream.indirect.gather [hbm4b:s12+s23], $0x18, s6, s23, $0xb8;
	[tilespmem:$0x14500] =	vst v63  }
0x60: {  	s1 =	sand.u32 @!p0 $0x7, s1;
	s14 =	simm.s32 $0x5000  }
0x61: {  	[spmem:s2] =	stream.indirect.scatter.add.f32 [tilespmem:s30], [sflag:$0x2], $0x18, s14, s23, $0xb8;
	[tilespmem:$0x14500] =	vst v63  }
0x62: {  	s1 =	smul.u32 @!p0 $0x3000, s1;
	_ =	swait.ge [sflag:s22], $0xC00  }
0x63: {  	[sflag:s22] =	ssyncset.done $0x0  }
0x64: {  	s1 =	sshrl.u32 @!p0 s1, $0x2;
	[sflag:s22] =	ssyncadd.s32 $0xFFFFF400  }
0x65: {  	s1 =	sadd.s32 @!p0 $0x9D00, s1;
	s26 =	simm.s32 $0x4;
	_ =	swait.ge [sflag:s31], $0xC00  }
0x66: {  	s5 =	sand.u32 $0x7, s26;
	s26 =	simm.s32 @!p0 $0x80;
	[sflag:s31] =	ssyncset.done $0x0  }
0x67: {  	s5 =	smul.u32 $0x3000, s5;
	s6 =	simm.s32 $0x400;
	[sflag:s31] =	ssyncadd.s32 $0xFFFFF400  }
0x68: {  	[tilespmem:s1], [sflag:$0x1] =	stream.indirect.gather @!p0 [hbm4b:s12+s26], $0x18, s6, s26, $0xb8;
	[tilespmem:$0x14500] =	vst v63  }
0x69: {  	s29 =	simm.s32 $0x5100;
	s5 =	sshrl.u32 s5, $0x2;
	s1 =	simm.s32 $0x5080  }
0x6a: {  	s26 =	simm.s32 $0x9;
	s6 =	sadd.s32 $0x9D00, s5;
	s5 =	simm.s32 $0x480  }
.LBB2_2:
0x6b: {  	[spmem:s2] =	stream.indirect.scatter.add.f32 [tilespmem:s6], [sflag:$0x2], $0x18, s1, s23, $0xb8;
	[tilespmem:$0x14500] =	vst v63  }
0x6c: {  	s6 =	smov.u32 s26;
	s1 =	smov.u32 s29  }
0x6d: {  	s26 =	sadd.s32 $0x1, s26;
	s13 =	sadd.s32 $0xFFFFFFFC, s6;
	_ =	swait.ge [sflag:s22], $0xC00  }
0x6e: {  	s14 =	sand.u32 $0x7, s13;
	[sflag:s22] =	ssyncset.done $0x0;
	p0 =	sgt.u32 s13, $0x98  }
0x6f: {  	s13 =	smul.u32 $0x3000, s14;
	[sflag:s22] =	ssyncadd.s32 $0xFFFFF400;
	s6 =	sand.u32 @!p0 $0x7, s6  }
0x70: {  	p1 =	sne.s32 s26, $0xA1;
	_ =	swait.ge [sflag:s31], $0xC00;
	s6 =	smul.u32 @!p0 $0x3000, s6  }
.Ltmp0:
0x71: {  	s13 =	sshrl.u32 s13, $0x2;
	[sflag:s31] =	ssyncset.done $0x0;
	(pc) =	sbr.rel @p1 .LBB2_2-.Ltmp0, $4  }
0x72: {  	[sflag:s31] =	ssyncadd.s32 $0xFFFFF400;
	s6 =	sshrl.u32 @!p0 s6, $0x2  }
0x73: {  	s14 =	simm.s32 @!p0 $0x80;
	s6 =	sadd.s32 @!p0 $0x9D00, s6  }
0x74: {  	[tilespmem:s6], [sflag:$0x1] =	stream.indirect.gather @!p0 [hbm4b:s12+s14], $0x18, s5, s14, $0xb8;
	[tilespmem:$0x14500] =	vst v63  }
0x75: {  	s29 =	sadd.s32 $0x80, s29;
	s6 =	sadd.s32 $0x9D00, s13;
	s5 =	sadd.s32 $0x80, s5  }
0x76: {  	[spmem:s2] =	stream.indirect.scatter.add.f32 [tilespmem:s6], [sflag:$0x2], $0x18, s1, s23, $0xb8;
	[tilespmem:$0x14500] =	vst v63  }
0x77: {  	_ =	swait.ge [sflag:s31], $0xC00  }
0x78: {  	[sflag:s31] =	ssyncset.done $0x0  }
0x79: {  	[sflag:s31] =	ssyncadd.s32 $0xFFFFF400  }
0x7a: {  	_ =	swait.ge [sflag:s31], $0xC00  }
0x7b: {  	[sflag:s31] =	ssyncset.done $0x0  }
0x7c: {  	[sflag:s31] =	ssyncadd.s32 $0xFFFFF400  }
0x7d: {  	_ =	swait.ge [sflag:s31], $0xC00  }
0x7e: {  	[sflag:s31] =	ssyncset.done $0x0  }
0x7f: {  	[sflag:s31] =	ssyncadd.s32 $0xFFFFF400  }
0x80: {  	_ =	swait.ge [sflag:s31], $0xC00  }
0x81: {  	[sflag:s31] =	ssyncset.done $0x0  }
0x82: {  	[sflag:s31] =	ssyncadd.s32 $0xFFFFF400  }
0x83: {  	[bflag:$0x0] =	sbarrier.arrive $0xFFFF  }
0x84: {  	[tilespmem:s24], [sflag:$0x1] =	stream.linear.gather [spmem:s7], $0xC00, $0x38;
	[tilespmem:$0x14500] =	vst v63  }
0x85: {  	_ = 	snop  }
0x86: {  	[tilespmem:s25], [sflag:$0x1] =	stream.linear.gather [spmem:s8], $0xC00, $0x38;
	[tilespmem:$0x14500] =	vst v63  }
0x87: {  	_ = 	snop  }
0x88: {  	[tilespmem:s28], [sflag:$0x1] =	stream.linear.gather [spmem:s9], $0xC00, $0x38;
	[tilespmem:$0x14500] =	vst v63  }
0x89: {  	_ = 	snop  }
0x8a: {  	[tilespmem:s30], [sflag:$0x1] =	stream.linear.gather [spmem:s10], $0xC00, $0x38;
	[tilespmem:$0x14500] =	vst v63  }
0x8b: {  	_ = 	snop  }
0x8c: {  	[tilespmem:s0], [sflag:$0x1] =	stream.linear.gather [spmem:s11], $0xC00, $0x38;
	[tilespmem:$0x14500] =	vst v63  }
0x8d: {  	_ =	swait.ge [sflag:s22], $0xC00  }
0x8e: {  	[sflag:s22] =	ssyncset.done $0x0  }
0x8f: {  	s26 =	rddreg [dreg:$0x6];
	[sflag:s22] =	ssyncadd.s32 $0xFFFFF400  }
0x90: {  	[hbm4b:s26+s4] =	stream.linear.scatter [tilespmem:s24], [sflag:$0x2], $0xC00, $0x38;
	[tilespmem:$0x14500] =	vst v63  }
0x91: {  	_ =	swait.ge [sflag:s22], $0xC00  }
0x92: {  	[sflag:s22] =	ssyncset.done $0x0  }
0x93: {  	s29 =	rddreg [dreg:$0x7];
	[sflag:s22] =	ssyncadd.s32 $0xFFFFF400  }
0x94: {  	[hbm4b:s29+s4] =	stream.linear.scatter [tilespmem:s25], [sflag:$0x2], $0xC00, $0x38;
	[tilespmem:$0x14500] =	vst v63  }
0x95: {  	_ =	swait.ge [sflag:s22], $0xC00  }
0x96: {  	[sflag:s22] =	ssyncset.done $0x0  }
0x97: {  	[sflag:s22] =	ssyncadd.s32 $0xFFFFF400  }
0x98: {  	[hbm4b:s15+s4] =	stream.linear.scatter [tilespmem:s28], [sflag:$0x2], $0xC00, $0x38;
	[tilespmem:$0x14500] =	vst v63  }
0x99: {  	_ =	swait.ge [sflag:s22], $0xC00  }
0x9a: {  	[sflag:s22] =	ssyncset.done $0x0  }
0x9b: {  	[sflag:s22] =	ssyncadd.s32 $0xFFFFF400  }
0x9c: {  	[hbm4b:s16+s4] =	stream.linear.scatter [tilespmem:s30], [sflag:$0x2], $0xC00, $0x38;
	[tilespmem:$0x14500] =	vst v63  }
0x9d: {  	_ =	swait.ge [sflag:s22], $0xC00  }
0x9e: {  	[sflag:s22] =	ssyncset.done $0x0  }
0x9f: {  	[sflag:s22] =	ssyncadd.s32 $0xFFFFF400  }
0xa0: {  	[hbm4b:s17+s4] =	stream.linear.scatter [tilespmem:s0], [sflag:$0x2], $0xC00, $0x38;
	[tilespmem:$0x14500] =	vst v63  }
0xa1: {  	_ =	swait.ge [sflag:s31], $0xC00  }
0xa2: {  	[sflag:s31] =	ssyncset.done $0x0  }
0xa3: {  	[sflag:s31] =	ssyncadd.s32 $0xFFFFF400  }
0xa4: {  	_ =	swait.ge [sflag:s31], $0xC00  }
0xa5: {  	[sflag:s31] =	ssyncset.done $0x0  }
0xa6: {  	[sflag:s31] =	ssyncadd.s32 $0xFFFFF400  }
0xa7: {  	_ =	swait.ge [sflag:s31], $0xC00  }
0xa8: {  	[sflag:s31] =	ssyncset.done $0x0  }
0xa9: {  	s3 =	sadd.s32 $0x1, s3;
	[sflag:s31] =	ssyncadd.s32 $0xFFFFF400  }
0xaa: {  	p0 =	sne.s32 s3, s18;
	_ =	swait.ge [sflag:s31], $0xC00  }
.Ltmp1:
0xab: {  	[sflag:s31] =	ssyncset.done $0x0;
	(pc) =	sbr.rel @p0 .LBB2_1-.Ltmp1, $4  }
0xac: {  	[sflag:s31] =	ssyncadd.s32 $0xFFFFF400  }
0xad: {  	_ =	swait.ge [sflag:s31], $0xC00  }
0xae: {  	[sflag:s31] =	ssyncset.done $0x0  }
0xaf: {  	[sflag:s31] =	ssyncadd.s32 $0xFFFFF400  }
0xb0: {  	_ =	sfence.sel $0x180000  }
0xb1: {  	[bflag:$0x0] =	sbarrier.arrive $0xFFFF  }
0xb2: {  	_ =	strace $0x9000004A  }
0xb3: {  	s0 =	stileid.u32;
	[bflag:$0x2] =	sbarrier.arrive $0xFFFF  }
0xb4: {  	p0 =	sne.s32 s0, $0x0;
	s0 =	rddreg [dreg:$0x3]  }
0xb5: {  	s0 =	sadd.s32 @!p0 $0x100000, s0  }
0xb6: {  	[sflag:s0] =	ssyncadd.tile.s32 @!p0 $0x1;
	_ =	shalt  }
.Lfunc_end2:
_tile_overlayer_lowered:
.L_overlay_start_2:
0xb7: {  	(tag) =	ssettag $0x2  }
0xb8: {  	s0 =	rddreg [dreg:$0x0];
	s2 =	stileid.u32  }
0xb9: {  	s1 =	rddreg [dreg:$0x1];
	p0 =	sne.s32 s2, $0x0  }
0xba: {  	s3 =	rddreg [dreg:$0x2];
	[bflag:$0x3] =	sbarrier.arrive $0xFFFF;
	s2 =	simm.s32 @!p0 $0x1C03  }
0xbb: {  	[timem:s3], [sflag:s2] =	dma.local @!p0 [hbm:s0], s1  }
0xbc: {  	s0 =	simm.s32 @!p0 $0x3  }
0xbd: {  	_ =	swait.ge @!p0 [sflag:s0], s1  }
0xbe: {  	s1 =	ssub.s32 @!p0 $0x0, s1;
	[sflag:s0] =	ssyncset.done @!p0 $0x0  }
0xbf: {  	[sflag:s0] =	ssyncadd.s32 @!p0 s1  }
0xc0: {  	[bflag:$0x3] =	sbarrier.arrive $0xFFFF  }
0xc1: {  	_ =	shalt  }

</sc_bundles>
